<compile_context>
chip_gen: v7x
topology: tpu7x:2x2x1
jax: 0.10.2.dev20260603
libtpu: 0.0.44.dev20260713+nightly
codegen_flags: <defaults>
</compile_context>

<pallas_src>
import functools

import jax
import jax.numpy as jnp
from jax import lax
from jax.experimental import pallas as pl
from jax.experimental.pallas import tpu as pltpu
from jax.experimental.pallas import tpu_sc as plsc

NUM_ROBOT = 2048
FEAT_DIM = 32
K_NBR = 64


def _embed(feat, emb, pid_full):
    B, N = feat.shape
    F = emb.shape[1]

    def body(f_ref, emb_ref, pid_ref, o_ref):
        f = f_ref[0]
        e = emb_ref[...]
        x = pid_ref[...]
        for c in range(3):
            x = x + jnp.where(f == c, 1.0, 0.0) * e[c:c + 1, :]
        o_ref[0] = x

    return pl.pallas_call(
        body,
        grid=(B,),
        in_specs=[
            pl.BlockSpec((1, N, 1), lambda b: (b, 0, 0)),
            pl.BlockSpec((3, F), lambda b: (0, 0)),
            pl.BlockSpec((N, F), lambda b: (0, 0)),
        ],
        out_specs=pl.BlockSpec((1, N, F), lambda b: (b, 0, 0)),
        out_shape=jax.ShapeDtypeStruct((B, N, F), jnp.float32),
    )(feat[..., None], emb, pid_full)


def _fps(px, py, pz, n_s):
    B, R, C = px.shape
    N = R * C
    CS = min(n_s, 128)
    RS = n_s // CS

    def body(px_ref, py_ref, pz_ref, qx_ref, qy_ref, qz_ref):
        pxv = px_ref[...]
        pyv = py_ref[...]
        pzv = pz_ref[...]
        flat = (lax.broadcasted_iota(jnp.int32, (B, R, C), 1) * C
                + lax.broadcasted_iota(jnp.int32, (B, R, C), 2))
        flat_s = (lax.broadcasted_iota(jnp.int32, (B, RS, CS), 1) * CS
                  + lax.broadcasted_iota(jnp.int32, (B, RS, CS), 2))

        def coords(last):
            m = flat == last
            qxs = jnp.sum(jnp.where(m, pxv, 0.0), axis=(1, 2), keepdims=True)
            qys = jnp.sum(jnp.where(m, pyv, 0.0), axis=(1, 2), keepdims=True)
            qzs = jnp.sum(jnp.where(m, pzv, 0.0), axis=(1, 2), keepdims=True)
            return qxs, qys, qzs

        def write_q(slot, qxs, qys, qzs):
            sm = flat_s == slot
            qx_ref[...] = jnp.where(sm, qxs, qx_ref[...])
            qy_ref[...] = jnp.where(sm, qys, qy_ref[...])
            qz_ref[...] = jnp.where(sm, qzs, qz_ref[...])

        def it(i, carry):
            dists, last = carry
            qxs, qys, qzs = coords(last)
            write_q(i - 1, qxs, qys, qzs)
            d = (pxv - qxs) ** 2 + (pyv - qys) ** 2 + (pzv - qzs) ** 2
            dists = jnp.minimum(dists, d)
            mx = jnp.max(dists, axis=(1, 2), keepdims=True)
            nxt = jnp.min(jnp.where(dists == mx, flat, N),
                          axis=(1, 2), keepdims=True)
            return dists, nxt

        dists0 = jnp.full((B, R, C), jnp.inf, jnp.float32)
        last0 = jnp.zeros((B, 1, 1), jnp.int32)
        _, last = lax.fori_loop(1, n_s, it, (dists0, last0))
        qxs, qys, qzs = coords(last)
        write_q(n_s - 1, qxs, qys, qzs)

    out = jax.ShapeDtypeStruct((B, RS, CS), jnp.float32)
    return pl.pallas_call(
        body,
        out_shape=[out, out, out],
    )(px, py, pz)


def _matbias(a, w, b):
    M, Kd = a.shape
    H = w.shape[1]
    RB = min(M, 2048)

    def body(a_ref, w_ref, b_ref, o_ref):
        o_ref[...] = (jnp.dot(a_ref[...], w_ref[...],
                              preferred_element_type=jnp.float32)
                      + b_ref[...])

    return pl.pallas_call(
        body,
        grid=(M // RB,),
        in_specs=[
            pl.BlockSpec((RB, Kd), lambda i: (i, 0)),
            pl.BlockSpec((Kd, H), lambda i: (0, 0)),
            pl.BlockSpec((1, H), lambda i: (0, 0)),
        ],
        out_specs=pl.BlockSpec((RB, H), lambda i: (i, 0)),
        out_shape=jax.ShapeDtypeStruct((M, H), jnp.float32),
    )(a, w, b[None, :])


def _select(px, py, pz, qx, qy, qz, r2, idx_mod, Q=64):
    B, N = px.shape
    n_s = qx.shape[1]
    Q = min(Q, n_s)
    nblk = n_s // Q
    K = K_NBR

    def body(px_ref, py_ref, pz_ref, qx_ref, qy_ref, qz_ref, nbr_ref, val_ref):
        b = pl.program_id(0)
        pxv = px_ref[0]
        pyv = py_ref[0]
        pzv = pz_ref[0]
        qxv = qx_ref[0]
        qyv = qy_ref[0]
        qzv = qz_ref[0]
        d2 = (qxv - pxv) ** 2 + (qyv - pyv) ** 2 + (qzv - pzv) ** 2
        d2 = jnp.where(d2 <= r2, d2, jnp.inf)
        lane = lax.broadcasted_iota(jnp.int32, (Q, N), 1)
        col = lax.broadcasted_iota(jnp.int32, (Q, K), 1)
        cnt = jnp.sum(jnp.where(d2 < jnp.inf, 1, 0), axis=1)
        kmax = jnp.minimum(jnp.max(cnt), K)

        def it(k, carry):
            d2c, nbr, val = carry
            m = jnp.min(d2c, axis=1, keepdims=True)
            idx = jnp.min(jnp.where(d2c == m, lane, N), axis=1, keepdims=True)
            ok = m < jnp.inf
            nbr = jnp.where(col == k, idx, nbr)
            val = jnp.where(col == k, jnp.where(ok, 1.0, 0.0), val)
            d2c = jnp.where(lane == idx, jnp.inf, d2c)
            return d2c, nbr, val

        nbr0 = jnp.zeros((Q, K), jnp.int32)
        val0 = jnp.zeros((Q, K), jnp.float32)
        _, nbr, val = lax.fori_loop(0, kmax, it, (d2, nbr0, val0))
        nbr_ref[0] = nbr + (b % idx_mod) * N
        val_ref[0] = val

    return pl.pallas_call(
        body,
        grid=(B, nblk),
        in_specs=[pl.BlockSpec((1, 1, N), lambda b, q: (b, 0, 0))] * 3
        + [pl.BlockSpec((1, Q, 1), lambda b, q: (b, q, 0))] * 3,
        out_specs=[
            pl.BlockSpec((1, Q, K), lambda b, q: (b, q, 0)),
            pl.BlockSpec((1, Q, K), lambda b, q: (b, q, 0)),
        ],
        out_shape=[
            jax.ShapeDtypeStruct((B, n_s, K), jnp.int32),
            jax.ShapeDtypeStruct((B, n_s, K), jnp.float32),
        ],
    )(px[:, None, :], py[:, None, :], pz[:, None, :],
      qx[..., None], qy[..., None], qz[..., None])


def _sc_gather(table, idx, split):
    V, D = table.shape
    E = idx.shape[0]
    NW = 32
    NB = 2
    epw = E // NW
    chunk = min(epw // NB, 128, max(8, (64 * 1024) // (D * 4)))
    nchunk = epw // chunk
    assert nchunk % NB == 0
    Vs = V // split
    stage = split == 2
    mesh = plsc.VectorSubcoreMesh(core_axis_name="c", subcore_axis_name="s")

    scratch = [
        pltpu.VMEM((epw,), jnp.int32),
        [pltpu.VMEM((chunk, D), jnp.float32) for _ in range(NB)],
        [pltpu.SemaphoreType.DMA for _ in range(NB)],
    ]
    if stage:
        scratch = [pltpu.VMEM_SHARED((Vs, D), jnp.float32)] + scratch

    @functools.partial(
        pl.kernel,
        mesh=mesh,
        out_type=jax.ShapeDtypeStruct((E, D), jnp.float32),
        scratch_types=scratch,
    )
    def k(table_hbm, idx_hbm, out_hbm, *refs):
        if stage:
            sp, idx_v, bufs, sems = refs
        else:
            idx_v, bufs, sems = refs
            sp = table_hbm
        ci = lax.axis_index("c")
        si = lax.axis_index("s")
        if split == 2:
            base = ci * (E // 2) + si * epw
        else:
            base = (si * 2 + ci) * epw

        if stage:
            @pl.when(si == 0)
            def _():
                pltpu.sync_copy(table_hbm.at[pl.ds(ci * Vs, Vs)], sp)

        pltpu.sync_copy(idx_hbm.at[pl.ds(base, epw)], idx_v)
        if stage:
            plsc.subcore_barrier()

        def start(c, b):
            off = pl.multiple_of(c * chunk, 8)
            pltpu.async_copy(sp.at[idx_v.at[pl.ds(off, chunk)]],
                             bufs[b], sems[b])

        def finish(c, b):
            off = pl.multiple_of(c * chunk, 8)
            pltpu.make_async_copy(sp.at[idx_v.at[pl.ds(off, chunk)]],
                                  bufs[b], sems[b]).wait()
            off = pl.multiple_of(base + c * chunk, 8)
            pltpu.sync_copy(bufs[b], out_hbm.at[pl.ds(off, chunk)])

        for b in range(NB):
            start(b, b)

        @pl.loop(NB, nchunk, step=NB)
        def _(c0):
            for b in range(NB):
                finish(c0 - NB + b, b)
                start(c0 + b, b)

        for b in range(NB):
            finish(nchunk - NB + b, b)

    return k(table, idx)


def _mlpmax(G, wq, val, w2, b2, w3, b3, Qc=64):
    B, n_s, H1 = wq.shape
    K = val.shape[2]
    H2 = w2.shape[1]
    Ho = w3.shape[1]
    Qc = min(Qc, n_s)
    nblk = n_s // Qc

    def body(g_ref, wq_ref, v_ref, w2_ref, b2_ref, w3_ref, b3_ref, o_ref):
        g = g_ref[...]
        wqv = wq_ref[0]
        h1 = g.reshape(Qc, K, H1) + wqv[:, None, :]
        h1 = jnp.maximum(h1, 0.0).reshape(Qc * K, H1)
        h2 = jnp.maximum(
            jnp.dot(h1, w2_ref[...], preferred_element_type=jnp.float32)
            + b2_ref[...], 0.0)
        h3 = (jnp.dot(h2, w3_ref[...], preferred_element_type=jnp.float32)
              + b3_ref[...])
        v = v_ref[0]
        h3 = jnp.where(v[:, :, None] > 0.5, h3.reshape(Qc, K, Ho), -jnp.inf)
        o_ref[0] = jnp.max(h3, axis=1)

    return pl.pallas_call(
        body,
        grid=(B, nblk),
        in_specs=[
            pl.BlockSpec((Qc * K, H1), lambda b, q, n=nblk: (b * n + q, 0)),
            pl.BlockSpec((1, Qc, H1), lambda b, q: (b, q, 0)),
            pl.BlockSpec((1, Qc, K), lambda b, q: (b, q, 0)),
            pl.BlockSpec((H1, H2), lambda b, q: (0, 0)),
            pl.BlockSpec((1, H2), lambda b, q: (0, 0)),
            pl.BlockSpec((H2, Ho), lambda b, q: (0, 0)),
            pl.BlockSpec((1, Ho), lambda b, q: (0, 0)),
        ],
        out_specs=pl.BlockSpec((1, Qc, Ho), lambda b, q: (b, q, 0)),
        out_shape=jax.ShapeDtypeStruct((B, n_s, Ho), jnp.float32),
    )(G, wq, val, w2, b2[None, :], w3, b3[None, :])


def kernel(point_cloud_features, point_cloud, params):
    B, N0 = point_cloud.shape[:2]
    feat = point_cloud_features.reshape(B, N0).astype(jnp.int32)
    pid_full = jnp.concatenate(
        [params["pid"][0],
         jnp.zeros((N0 - NUM_ROBOT, FEAT_DIM), jnp.float32)], axis=0)
    x = _embed(feat, params["emb"], pid_full)

    px = point_cloud[..., 0]
    py = point_cloud[..., 1]
    pz = point_cloud[..., 2]

    for mlp_params, r in ((params["sa1"], 0.05),
                          (params["sa2"], 0.3),
                          (params["sa3"], 0.5)):
        (W1, b1), (W2, b2), (W3, b3) = mlp_params
        N = x.shape[1]
        F = x.shape[2]
        n_s = N // 4
        H1 = W1.shape[1]
        if H1 < 128:
            pad = 128 - H1
            W1 = jnp.pad(W1, ((0, 0), (0, pad)))
            b1 = jnp.pad(b1, (0, pad))
            W2 = jnp.pad(W2, ((0, pad), (0, 0)))
            H1 = 128

        R = max(N // 128, 1)
        C = N // R
        qx, qy, qz = _fps(px.reshape(B, R, C), py.reshape(B, R, C),
                          pz.reshape(B, R, C), n_s)
        qx = qx.reshape(B, n_s)
        qy = qy.reshape(B, n_s)
        qz = qz.reshape(B, n_s)

        rows = jnp.concatenate(
            [x.reshape(B * N, F),
             jnp.stack([px, py, pz], axis=-1).reshape(B * N, 3)], axis=1)
        T = _matbias(rows, W1, b1)
        qrows = jnp.stack([qx, qy, qz], axis=-1).reshape(B * n_s, 3)
        wq = _matbias(qrows, -W1[F:], jnp.zeros((H1,), jnp.float32))

        split = 2 if H1 <= 128 else 1
        nbr, val = _select(px, py, pz, qx, qy, qz, r * r, B // split)
        G = _sc_gather(T, nbr.reshape(-1), split)
        x = _mlpmax(G, wq.reshape(B, n_s, H1), val, W2, b2, W3, b3)
        px, py, pz = qx, qy, qz

    pos_out = jnp.stack([px, py, pz], axis=-1)
    return x, pos_out

# --- scband reference (transcript-rebuilt; emitter-appended) ---
"""Pipeline reference for scband-mpi-former-point-net-65111704207595 (READ-ONLY COPY).

The authoritative reference and input builder live on the scoring server;
editing this copy changes nothing except your own understanding.
"""

import jax, jax.numpy as jnp
import numpy as np

NUM_ROBOT_POINTS = 2048
INPUT_FEATURE_DIM = 32
D_MODEL = 512
MAX_NBR = 64
B, N = 4, 4096


def _lin_init(k, fi, fo):
    W = jax.random.normal(k, (fi, fo), dtype=jnp.float32) / np.sqrt(fi)
    b = jnp.zeros((fo,), dtype=jnp.float32)
    return (W, b)


def _make_mlp(key, dims):
    ks = jax.random.split(key, len(dims) - 1)
    return [_lin_init(ks[i], dims[i], dims[i + 1]) for i in range(len(dims) - 1)]


def _mlp(h, params):
    n = len(params)
    for i, (W, b) in enumerate(params):
        h = h @ W + b
        if i < n - 1:
            h = jax.nn.relu(h)
    return h


def _fps_single(pos, n_sample):
    Np = pos.shape[0]
    dists = jnp.full((Np,), jnp.inf, dtype=pos.dtype)
    idxs = jnp.zeros((n_sample,), dtype=jnp.int32)

    def body(i, carry):
        idxs, dists, last = carry
        d = jnp.sum((pos - pos[last]) ** 2, axis=-1)
        dists = jnp.minimum(dists, d)
        nxt = jnp.argmax(dists).astype(jnp.int32)
        return (idxs.at[i].set(nxt), dists, nxt)

    idxs, _, _ = jax.lax.fori_loop(1, n_sample, body, (idxs, dists, jnp.int32(0)))
    return idxs


def _sa_module(x, pos, ratio, r, params):
    Bb, Np, F = x.shape
    n_s = int(round(Np * ratio))
    idx = jax.vmap(lambda p: _fps_single(p, n_s))(pos)  # (B, n_s) fps sample per batch
    pos_s = jnp.take_along_axis(pos, idx[:, :, None], axis=1)  # (B, n_s, 3) gather
    # radius neighborhood: squared distances query->all points in same batch element
    d2 = jnp.sum((pos_s[:, :, None, :] - pos[:, None, :, :]) ** 2, axis=-1)  # (B, n_s, Np)
    within = d2 <= r * r
    neg = jnp.where(within, -d2, -jnp.inf)
    vals, nbr = jax.lax.top_k(neg, MAX_NBR)  # up to 64 neighbors per sampled point
    valid = vals > -jnp.inf
    x_j = jax.vmap(lambda xb, nb: xb[nb])(x, nbr)      # (B, n_s, K, F) gather
    pos_j = jax.vmap(lambda pb, nb: pb[nb])(pos, nbr)  # (B, n_s, K, 3) gather
    rel = pos_j - pos_s[:, :, None, :]
    msg = _mlp(jnp.concatenate([x_j, rel], axis=-1), params)  # PointNetConv local_nn message
    msg = jnp.where(valid[..., None], msg, -jnp.inf)
    out = jnp.max(msg, axis=2)  # max aggregation over neighbors (self always within radius)
    return out, pos_s


def setup_inputs(seed: int = 0):
    key = jax.random.key(seed)
    k1, k2, k3, k4, k5, k6 = jax.random.split(key, 6)
    point_cloud_features = jax.random.randint(k1, (B, N, 1), 0, 3)
    point_cloud = jax.random.uniform(k2, (B, N, 3), dtype=jnp.float32)
    params = {
        "emb": jax.random.normal(k3, (3, INPUT_FEATURE_DIM), dtype=jnp.float32),
        "pid": jax.random.normal(k4, (1, NUM_ROBOT_POINTS, INPUT_FEATURE_DIM), dtype=jnp.float32),
        "sa1": _make_mlp(k5, [3 + INPUT_FEATURE_DIM, 64, 64, 64]),
        "sa2": _make_mlp(k6, [64 + 3, 128, 128, 256]),
        "sa3": _make_mlp(jax.random.fold_in(key, 7), [256 + 3, 256, 512, D_MODEL]),
    }
    return {"point_cloud_features": point_cloud_features, "point_cloud": point_cloud, "params": params}


def reference(point_cloud_features, point_cloud, params):
    feat_idx = point_cloud_features.squeeze(-1).astype(jnp.int32)
    x = params["emb"][feat_idx]  # embedding lookup (B, N, f)
    x = x.at[:, :NUM_ROBOT_POINTS, :].add(params["pid"])  # add point-id embedding to robot points
    pos = point_cloud
    x, pos = _sa_module(x, pos, 0.25, 0.05, params["sa1"])
    x, pos = _sa_module(x, pos, 0.25, 0.3, params["sa2"])
    x, pos = _sa_module(x, pos, 0.25, 0.5, params["sa3"])
    # batches have consistent size, so to_dense_batch is the identity reshape (B, n3, d)
    return (x, pos)

if __name__ == "__main__":
    import jax
    _d = setup_inputs()
    print(jax.jit(kernel)(*tuple(_d.values())))

</pallas_src>

<mosaic_0001>
#map = affine_map<(d0, d1) -> (0, 0)>
#map1 = affine_map<(d0, d1) -> (0)>
module attributes {stable_mosaic.version = 14 : i64} {
  func.func @k(%arg0: i32, %arg1: i32, %arg2: memref<16384x128xf32, #tpu.memory_space<hbm>>, %arg3: memref<262144xi32, #tpu.memory_space<hbm>>, %arg4: memref<262144x128xf32, #tpu.memory_space<hbm>>, %arg5: memref<8192x128xf32, #tpu.memory_space<vmem_shared>>, %arg6: memref<8192xi32, #tpu.memory_space<vmem>>, %arg7: memref<128x128xf32, #tpu.memory_space<vmem>>, %arg8: memref<128x128xf32, #tpu.memory_space<vmem>>, %arg9: memref<!tpu.dma_semaphore, #tpu.memory_space<semaphore_mem>>, %arg10: memref<!tpu.dma_semaphore, #tpu.memory_space<semaphore_mem>>) attributes {dimension_semantics = [#tpu.dimension_semantics<core_parallel>, #tpu.dimension_semantics<subcore_parallel>], iteration_bounds = array<i64: 2, 16>, scalar_prefetch = 0 : i64, scratch_operands = 6 : i64, tpu.core_type = #tpu.core_type<sc_vector_subcore>, window_params = [{transform_indices = #map}, {transform_indices = #map1}, {transform_indices = #map}]} {
    %mul3A = arith.constant 131072 : i32
    %mul3A_0 = arith.muli %arg0, %mul3A : i32
    %mul3A_1 = arith.constant 8192 : i32
    %mul3A_2 = arith.muli %arg1, %mul3A_1 : i32
    %add3A = arith.addi %mul3A_0, %mul3A_2 : i32
    %eq3A = arith.constant 0 : i32
    %eq3A_3 = arith.cmpi eq, %arg1, %eq3A : i32
    %convert_element_type3A = arith.extui %eq3A_3 : i1 to i32
    %cond3A = arith.constant 0 : i32
    %cond3A_4 = arith.cmpi ne, %convert_element_type3A, %cond3A : i32
    scf.if %cond3A_4 {
      %mul3A_36 = arith.constant 8192 : i32
      %mul3A_37 = arith.muli %arg0, %mul3A_36 : i32
      "tpu.region"() ({
        %run_scoped3A = tpu.sem_alloc : memref<!tpu.dma_semaphore, #tpu.memory_space<semaphore_mem>>
        %dma_start3A_38 = arith.constant 0 : i32
        %dma_start3A_39 = tpu.memref_slice %arg2[%mul3A_37, %dma_start3A_38] : memref<16384x128xf32, #tpu.memory_space<hbm>> -> memref<8192x128xf32, #tpu.memory_space<hbm>>
        tpu.enqueue_dma source(%dma_start3A_39 : memref<8192x128xf32, #tpu.memory_space<hbm>>) target(%arg5 : memref<8192x128xf32, #tpu.memory_space<vmem_shared>>) target_semaphore(%run_scoped3A : memref<!tpu.dma_semaphore, #tpu.memory_space<semaphore_mem>>)
        %dma_wait3A_40 = arith.constant 0 : i32
        %dma_wait3A_41 = tpu.memref_slice %arg2[%mul3A_37, %dma_wait3A_40] : memref<16384x128xf32, #tpu.memory_space<hbm>> -> memref<8192x128xf32, #tpu.memory_space<hbm>>
        tpu.wait_dma2 semaphore(%run_scoped3A : memref<!tpu.dma_semaphore, #tpu.memory_space<semaphore_mem>>) src(%dma_wait3A_41 : memref<8192x128xf32, #tpu.memory_space<hbm>>) dst(%arg5 : memref<8192x128xf32, #tpu.memory_space<vmem_shared>>)
        tpu.yield
      }) : () -> ()
    } else {
    }
    "tpu.region"() ({
      %run_scoped3A = tpu.sem_alloc : memref<!tpu.dma_semaphore, #tpu.memory_space<semaphore_mem>>
      %dma_start3A_36 = tpu.memref_slice %arg3[%add3A] : memref<262144xi32, #tpu.memory_space<hbm>> -> memref<8192xi32, #tpu.memory_space<hbm>>
      %dma_start3A_37 = tpu.memref_slice %arg3[%add3A] : memref<262144xi32, #tpu.memory_space<hbm>> -> memref<8192xi32, #tpu.memory_space<hbm>>
      tpu.enqueue_dma source(%dma_start3A_37 : memref<8192xi32, #tpu.memory_space<hbm>>) target(%arg6 : memref<8192xi32, #tpu.memory_space<vmem>>) target_semaphore(%run_scoped3A : memref<!tpu.dma_semaphore, #tpu.memory_space<semaphore_mem>>)
      %dma_wait3A_38 = tpu.memref_slice %arg3[%add3A] : memref<262144xi32, #tpu.memory_space<hbm>> -> memref<8192xi32, #tpu.memory_space<hbm>>
      %dma_wait3A_39 = tpu.memref_slice %arg3[%add3A] : memref<262144xi32, #tpu.memory_space<hbm>> -> memref<8192xi32, #tpu.memory_space<hbm>>
      tpu.wait_dma2 semaphore(%run_scoped3A : memref<!tpu.dma_semaphore, #tpu.memory_space<semaphore_mem>>) src(%dma_wait3A_39 : memref<8192xi32, #tpu.memory_space<hbm>>) dst(%arg6 : memref<8192xi32, #tpu.memory_space<vmem>>)
      tpu.yield
    }) : () -> ()
    %barrier3A = arith.constant 0 : index
    tpu.barrier barrier_id(%barrier3A)
    %multiple_of3A = arith.constant 0 : i32
    %multiple_of3A_5 = tpu.assume_multiple %multiple_of3A, 8 : i32
    %dma_start3A = tpu.memref_slice %arg6[%multiple_of3A_5] : memref<8192xi32, #tpu.memory_space<vmem>> -> memref<128xi32, #tpu.memory_space<vmem>>
    %dma_start3A_6 = arith.constant 0 : i32
    %dma_start3A_7 = arith.constant 0 : i32
    %dma_start3A_8 = tpu.memref_slice %arg5[%dma_start3A_6, %dma_start3A_7] : memref<8192x128xf32, #tpu.memory_space<vmem_shared>> -> memref<8192x128xf32, #tpu.memory_space<vmem_shared>>
    tpu.enqueue_indirect_dma source(%dma_start3A_8 : memref<8192x128xf32, #tpu.memory_space<vmem_shared>>) target(%arg7 : memref<128x128xf32, #tpu.memory_space<vmem>>) offsets(%dma_start3A : memref<128xi32, #tpu.memory_space<vmem>>) semaphore(%arg9 : memref<!tpu.dma_semaphore, #tpu.memory_space<semaphore_mem>>)
    %multiple_of3A_9 = arith.constant 128 : i32
    %multiple_of3A_10 = tpu.assume_multiple %multiple_of3A_9, 8 : i32
    %dma_start3A_11 = tpu.memref_slice %arg6[%multiple_of3A_10] : memref<8192xi32, #tpu.memory_space<vmem>> -> memref<128xi32, #tpu.memory_space<vmem>>
    %dma_start3A_12 = arith.constant 0 : i32
    %dma_start3A_13 = arith.constant 0 : i32
    %dma_start3A_14 = tpu.memref_slice %arg5[%dma_start3A_12, %dma_start3A_13] : memref<8192x128xf32, #tpu.memory_space<vmem_shared>> -> memref<8192x128xf32, #tpu.memory_space<vmem_shared>>
    tpu.enqueue_indirect_dma source(%dma_start3A_14 : memref<8192x128xf32, #tpu.memory_space<vmem_shared>>) target(%arg8 : memref<128x128xf32, #tpu.memory_space<vmem>>) offsets(%dma_start3A_11 : memref<128xi32, #tpu.memory_space<vmem>>) semaphore(%arg10 : memref<!tpu.dma_semaphore, #tpu.memory_space<semaphore_mem>>)
    %scan3A = arith.constant 0 : i32
    %scan3A_15 = arith.constant 31 : i32
    %scan3A_16 = arith.addi %scan3A, %scan3A_15 : i32
    %scan3A_17 = arith.constant 1 : i32
    scf.for %scan3A_36 = %scan3A to %scan3A_16 step %scan3A_17  : i32 {
      %mul3A_37 = arith.constant 2 : i32
      %mul3A_38 = arith.muli %scan3A_36, %mul3A_37 : i32
      %add3A_39 = arith.constant 2 : i32
      %add3A_40 = arith.addi %add3A_39, %mul3A_38 : i32
      %sub3A = arith.constant 2 : i32
      %sub3A_41 = arith.subi %add3A_40, %sub3A : i32
      %add3A_42 = arith.constant 0 : i32
      %add3A_43 = arith.addi %sub3A_41, %add3A_42 : i32
      %mul3A_44 = arith.constant 128 : i32
      %mul3A_45 = arith.muli %add3A_43, %mul3A_44 : i32
      %multiple_of3A_46 = tpu.assume_multiple %mul3A_45, 8 : i32
      %dma_wait3A_47 = tpu.memref_slice %arg6[%multiple_of3A_46] : memref<8192xi32, #tpu.memory_space<vmem>> -> memref<128xi32, #tpu.memory_space<vmem>>
      %dma_wait3A_48 = arith.constant 0 : i32
      %dma_wait3A_49 = arith.constant 0 : i32
      %dma_wait3A_50 = tpu.memref_slice %arg5[%dma_wait3A_48, %dma_wait3A_49] : memref<8192x128xf32, #tpu.memory_space<vmem_shared>> -> memref<8192x128xf32, #tpu.memory_space<vmem_shared>>
      tpu.wait_indirect_dma semaphore(%arg9 : memref<!tpu.dma_semaphore, #tpu.memory_space<semaphore_mem>>) src(%dma_wait3A_50 : memref<8192x128xf32, #tpu.memory_space<vmem_shared>>) dst(%arg7 : memref<128x128xf32, #tpu.memory_space<vmem>>)
      %mul3A_51 = arith.constant 128 : i32
      %mul3A_52 = arith.muli %add3A_43, %mul3A_51 : i32
      %add3A_53 = arith.addi %add3A, %mul3A_52 : i32
      %multiple_of3A_54 = tpu.assume_multiple %add3A_53, 8 : i32
      "tpu.region"() ({
        %run_scoped3A = tpu.sem_alloc : memref<!tpu.dma_semaphore, #tpu.memory_space<semaphore_mem>>
        %dma_start3A_88 = arith.constant 0 : i32
        %dma_start3A_89 = tpu.memref_slice %arg4[%multiple_of3A_54, %dma_start3A_88] : memref<262144x128xf32, #tpu.memory_space<hbm>> -> memref<128x128xf32, #tpu.memory_space<hbm>>
        %dma_start3A_90 = arith.constant 0 : i32
        %dma_start3A_91 = tpu.memref_slice %arg4[%multiple_of3A_54, %dma_start3A_90] : memref<262144x128xf32, #tpu.memory_space<hbm>> -> memref<128x128xf32, #tpu.memory_space<hbm>>
        tpu.enqueue_dma source(%arg7 : memref<128x128xf32, #tpu.memory_space<vmem>>) target(%dma_start3A_91 : memref<128x128xf32, #tpu.memory_space<hbm>>) target_semaphore(%run_scoped3A : memref<!tpu.dma_semaphore, #tpu.memory_space<semaphore_mem>>)
        %dma_wait3A_92 = arith.constant 0 : i32
        %dma_wait3A_93 = tpu.memref_slice %arg4[%multiple_of3A_54, %dma_wait3A_92] : memref<262144x128xf32, #tpu.memory_space<hbm>> -> memref<128x128xf32, #tpu.memory_space<hbm>>
        %dma_wait3A_94 = arith.constant 0 : i32
        %dma_wait3A_95 = tpu.memref_slice %arg4[%multiple_of3A_54, %dma_wait3A_94] : memref<262144x128xf32, #tpu.memory_space<hbm>> -> memref<128x128xf32, #tpu.memory_space<hbm>>
        tpu.wait_dma2 semaphore(%run_scoped3A : memref<!tpu.dma_semaphore, #tpu.memory_space<semaphore_mem>>) src(%arg7 : memref<128x128xf32, #tpu.memory_space<vmem>>) dst(%dma_wait3A_95 : memref<128x128xf32, #tpu.memory_space<hbm>>)
        tpu.yield
      }) : () -> ()
      %add3A_55 = arith.constant 0 : i32
      %add3A_56 = arith.addi %add3A_40, %add3A_55 : i32
      %mul3A_57 = arith.constant 128 : i32
      %mul3A_58 = arith.muli %add3A_56, %mul3A_57 : i32
      %multiple_of3A_59 = tpu.assume_multiple %mul3A_58, 8 : i32
      %dma_start3A_60 = tpu.memref_slice %arg6[%multiple_of3A_59] : memref<8192xi32, #tpu.memory_space<vmem>> -> memref<128xi32, #tpu.memory_space<vmem>>
      %dma_start3A_61 = arith.constant 0 : i32
      %dma_start3A_62 = arith.constant 0 : i32
      %dma_start3A_63 = tpu.memref_slice %arg5[%dma_start3A_61, %dma_start3A_62] : memref<8192x128xf32, #tpu.memory_space<vmem_shared>> -> memref<8192x128xf32, #tpu.memory_space<vmem_shared>>
      tpu.enqueue_indirect_dma source(%dma_start3A_63 : memref<8192x128xf32, #tpu.memory_space<vmem_shared>>) target(%arg7 : memref<128x128xf32, #tpu.memory_space<vmem>>) offsets(%dma_start3A_60 : memref<128xi32, #tpu.memory_space<vmem>>) semaphore(%arg9 : memref<!tpu.dma_semaphore, #tpu.memory_space<semaphore_mem>>)
      %sub3A_64 = arith.constant 2 : i32
      %sub3A_65 = arith.subi %add3A_40, %sub3A_64 : i32
      %add3A_66 = arith.constant 1 : i32
      %add3A_67 = arith.addi %sub3A_65, %add3A_66 : i32
      %mul3A_68 = arith.constant 128 : i32
      %mul3A_69 = arith.muli %add3A_67, %mul3A_68 : i32
      %multiple_of3A_70 = tpu.assume_multiple %mul3A_69, 8 : i32
      %dma_wait3A_71 = tpu.memref_slice %arg6[%multiple_of3A_70] : memref<8192xi32, #tpu.memory_space<vmem>> -> memref<128xi32, #tpu.memory_space<vmem>>
      %dma_wait3A_72 = arith.constant 0 : i32
      %dma_wait3A_73 = arith.constant 0 : i32
      %dma_wait3A_74 = tpu.memref_slice %arg5[%dma_wait3A_72, %dma_wait3A_73] : memref<8192x128xf32, #tpu.memory_space<vmem_shared>> -> memref<8192x128xf32, #tpu.memory_space<vmem_shared>>
      tpu.wait_indirect_dma semaphore(%arg10 : memref<!tpu.dma_semaphore, #tpu.memory_space<semaphore_mem>>) src(%dma_wait3A_74 : memref<8192x128xf32, #tpu.memory_space<vmem_shared>>) dst(%arg8 : memref<128x128xf32, #tpu.memory_space<vmem>>)
      %mul3A_75 = arith.constant 128 : i32
      %mul3A_76 = arith.muli %add3A_67, %mul3A_75 : i32
      %add3A_77 = arith.addi %add3A, %mul3A_76 : i32
      %multiple_of3A_78 = tpu.assume_multiple %add3A_77, 8 : i32
      "tpu.region"() ({
        %run_scoped3A = tpu.sem_alloc : memref<!tpu.dma_semaphore, #tpu.memory_space<semaphore_mem>>
        %dma_start3A_88 = arith.constant 0 : i32
        %dma_start3A_89 = tpu.memref_slice %arg4[%multiple_of3A_78, %dma_start3A_88] : memref<262144x128xf32, #tpu.memory_space<hbm>> -> memref<128x128xf32, #tpu.memory_space<hbm>>
        %dma_start3A_90 = arith.constant 0 : i32
        %dma_start3A_91 = tpu.memref_slice %arg4[%multiple_of3A_78, %dma_start3A_90] : memref<262144x128xf32, #tpu.memory_space<hbm>> -> memref<128x128xf32, #tpu.memory_space<hbm>>
        tpu.enqueue_dma source(%arg8 : memref<128x128xf32, #tpu.memory_space<vmem>>) target(%dma_start3A_91 : memref<128x128xf32, #tpu.memory_space<hbm>>) target_semaphore(%run_scoped3A : memref<!tpu.dma_semaphore, #tpu.memory_space<semaphore_mem>>)
        %dma_wait3A_92 = arith.constant 0 : i32
        %dma_wait3A_93 = tpu.memref_slice %arg4[%multiple_of3A_78, %dma_wait3A_92] : memref<262144x128xf32, #tpu.memory_space<hbm>> -> memref<128x128xf32, #tpu.memory_space<hbm>>
        %dma_wait3A_94 = arith.constant 0 : i32
        %dma_wait3A_95 = tpu.memref_slice %arg4[%multiple_of3A_78, %dma_wait3A_94] : memref<262144x128xf32, #tpu.memory_space<hbm>> -> memref<128x128xf32, #tpu.memory_space<hbm>>
        tpu.wait_dma2 semaphore(%run_scoped3A : memref<!tpu.dma_semaphore, #tpu.memory_space<semaphore_mem>>) src(%arg8 : memref<128x128xf32, #tpu.memory_space<vmem>>) dst(%dma_wait3A_95 : memref<128x128xf32, #tpu.memory_space<hbm>>)
        tpu.yield
      }) : () -> ()
      %add3A_79 = arith.constant 1 : i32
      %add3A_80 = arith.addi %add3A_40, %add3A_79 : i32
      %mul3A_81 = arith.constant 128 : i32
      %mul3A_82 = arith.muli %add3A_80, %mul3A_81 : i32
      %multiple_of3A_83 = tpu.assume_multiple %mul3A_82, 8 : i32
      %dma_start3A_84 = tpu.memref_slice %arg6[%multiple_of3A_83] : memref<8192xi32, #tpu.memory_space<vmem>> -> memref<128xi32, #tpu.memory_space<vmem>>
      %dma_start3A_85 = arith.constant 0 : i32
      %dma_start3A_86 = arith.constant 0 : i32
      %dma_start3A_87 = tpu.memref_slice %arg5[%dma_start3A_85, %dma_start3A_86] : memref<8192x128xf32, #tpu.memory_space<vmem_shared>> -> memref<8192x128xf32, #tpu.memory_space<vmem_shared>>
      tpu.enqueue_indirect_dma source(%dma_start3A_87 : memref<8192x128xf32, #tpu.memory_space<vmem_shared>>) target(%arg8 : memref<128x128xf32, #tpu.memory_space<vmem>>) offsets(%dma_start3A_84 : memref<128xi32, #tpu.memory_space<vmem>>) semaphore(%arg10 : memref<!tpu.dma_semaphore, #tpu.memory_space<semaphore_mem>>)
    }
    %scan3A_18 = arith.constant 31 : i32
    %multiple_of3A_19 = arith.constant 7936 : i32
    %multiple_of3A_20 = tpu.assume_multiple %multiple_of3A_19, 8 : i32
    %dma_wait3A = tpu.memref_slice %arg6[%multiple_of3A_20] : memref<8192xi32, #tpu.memory_space<vmem>> -> memref<128xi32, #tpu.memory_space<vmem>>
    %dma_wait3A_21 = arith.constant 0 : i32
    %dma_wait3A_22 = arith.constant 0 : i32
    %dma_wait3A_23 = tpu.memref_slice %arg5[%dma_wait3A_21, %dma_wait3A_22] : memref<8192x128xf32, #tpu.memory_space<vmem_shared>> -> memref<8192x128xf32, #tpu.memory_space<vmem_shared>>
    tpu.wait_indirect_dma semaphore(%arg9 : memref<!tpu.dma_semaphore, #tpu.memory_space<semaphore_mem>>) src(%dma_wait3A_23 : memref<8192x128xf32, #tpu.memory_space<vmem_shared>>) dst(%arg7 : memref<128x128xf32, #tpu.memory_space<vmem>>)
    %add3A_24 = arith.constant 7936 : i32
    %add3A_25 = arith.addi %add3A, %add3A_24 : i32
    %multiple_of3A_26 = tpu.assume_multiple %add3A_25, 8 : i32
    "tpu.region"() ({
      %run_scoped3A = tpu.sem_alloc : memref<!tpu.dma_semaphore, #tpu.memory_space<semaphore_mem>>
      %dma_start3A_36 = arith.constant 0 : i32
      %dma_start3A_37 = tpu.memref_slice %arg4[%multiple_of3A_26, %dma_start3A_36] : memref<262144x128xf32, #tpu.memory_space<hbm>> -> memref<128x128xf32, #tpu.memory_space<hbm>>
      %dma_start3A_38 = arith.constant 0 : i32
      %dma_start3A_39 = tpu.memref_slice %arg4[%multiple_of3A_26, %dma_start3A_38] : memref<262144x128xf32, #tpu.memory_space<hbm>> -> memref<128x128xf32, #tpu.memory_space<hbm>>
      tpu.enqueue_dma source(%arg7 : memref<128x128xf32, #tpu.memory_space<vmem>>) target(%dma_start3A_39 : memref<128x128xf32, #tpu.memory_space<hbm>>) target_semaphore(%run_scoped3A : memref<!tpu.dma_semaphore, #tpu.memory_space<semaphore_mem>>)
      %dma_wait3A_40 = arith.constant 0 : i32
      %dma_wait3A_41 = tpu.memref_slice %arg4[%multiple_of3A_26, %dma_wait3A_40] : memref<262144x128xf32, #tpu.memory_space<hbm>> -> memref<128x128xf32, #tpu.memory_space<hbm>>
      %dma_wait3A_42 = arith.constant 0 : i32
      %dma_wait3A_43 = tpu.memref_slice %arg4[%multiple_of3A_26, %dma_wait3A_42] : memref<262144x128xf32, #tpu.memory_space<hbm>> -> memref<128x128xf32, #tpu.memory_space<hbm>>
      tpu.wait_dma2 semaphore(%run_scoped3A : memref<!tpu.dma_semaphore, #tpu.memory_space<semaphore_mem>>) src(%arg7 : memref<128x128xf32, #tpu.memory_space<vmem>>) dst(%dma_wait3A_43 : memref<128x128xf32, #tpu.memory_space<hbm>>)
      tpu.yield
    }) : () -> ()
    %multiple_of3A_27 = arith.constant 8064 : i32
    %multiple_of3A_28 = tpu.assume_multiple %multiple_of3A_27, 8 : i32
    %dma_wait3A_29 = tpu.memref_slice %arg6[%multiple_of3A_28] : memref<8192xi32, #tpu.memory_space<vmem>> -> memref<128xi32, #tpu.memory_space<vmem>>
    %dma_wait3A_30 = arith.constant 0 : i32
    %dma_wait3A_31 = arith.constant 0 : i32
    %dma_wait3A_32 = tpu.memref_slice %arg5[%dma_wait3A_30, %dma_wait3A_31] : memref<8192x128xf32, #tpu.memory_space<vmem_shared>> -> memref<8192x128xf32, #tpu.memory_space<vmem_shared>>
    tpu.wait_indirect_dma semaphore(%arg10 : memref<!tpu.dma_semaphore, #tpu.memory_space<semaphore_mem>>) src(%dma_wait3A_32 : memref<8192x128xf32, #tpu.memory_space<vmem_shared>>) dst(%arg8 : memref<128x128xf32, #tpu.memory_space<vmem>>)
    %add3A_33 = arith.constant 8064 : i32
    %add3A_34 = arith.addi %add3A, %add3A_33 : i32
    %multiple_of3A_35 = tpu.assume_multiple %add3A_34, 8 : i32
    "tpu.region"() ({
      %run_scoped3A = tpu.sem_alloc : memref<!tpu.dma_semaphore, #tpu.memory_space<semaphore_mem>>
      %dma_start3A_36 = arith.constant 0 : i32
      %dma_start3A_37 = tpu.memref_slice %arg4[%multiple_of3A_35, %dma_start3A_36] : memref<262144x128xf32, #tpu.memory_space<hbm>> -> memref<128x128xf32, #tpu.memory_space<hbm>>
      %dma_start3A_38 = arith.constant 0 : i32
      %dma_start3A_39 = tpu.memref_slice %arg4[%multiple_of3A_35, %dma_start3A_38] : memref<262144x128xf32, #tpu.memory_space<hbm>> -> memref<128x128xf32, #tpu.memory_space<hbm>>
      tpu.enqueue_dma source(%arg8 : memref<128x128xf32, #tpu.memory_space<vmem>>) target(%dma_start3A_39 : memref<128x128xf32, #tpu.memory_space<hbm>>) target_semaphore(%run_scoped3A : memref<!tpu.dma_semaphore, #tpu.memory_space<semaphore_mem>>)
      %dma_wait3A_40 = arith.constant 0 : i32
      %dma_wait3A_41 = tpu.memref_slice %arg4[%multiple_of3A_35, %dma_wait3A_40] : memref<262144x128xf32, #tpu.memory_space<hbm>> -> memref<128x128xf32, #tpu.memory_space<hbm>>
      %dma_wait3A_42 = arith.constant 0 : i32
      %dma_wait3A_43 = tpu.memref_slice %arg4[%multiple_of3A_35, %dma_wait3A_42] : memref<262144x128xf32, #tpu.memory_space<hbm>> -> memref<128x128xf32, #tpu.memory_space<hbm>>
      tpu.wait_dma2 semaphore(%run_scoped3A : memref<!tpu.dma_semaphore, #tpu.memory_space<semaphore_mem>>) src(%arg8 : memref<128x128xf32, #tpu.memory_space<vmem>>) dst(%dma_wait3A_43 : memref<128x128xf32, #tpu.memory_space<hbm>>)
      tpu.yield
    }) : () -> ()
    return
  }
}

#map = affine_map<(d0, d1) -> (0, 0)>
#map1 = affine_map<(d0, d1) -> (0)>
module attributes {stable_mosaic.version = 14 : i64} {
  func.func @k(%arg0: i32, %arg1: i32, %arg2: memref<1024x256xf32, #tpu.memory_space<hbm>>, %arg3: memref<16384xi32, #tpu.memory_space<hbm>>, %arg4: memref<16384x256xf32, #tpu.memory_space<hbm>>, %arg5: memref<512xi32, #tpu.memory_space<vmem>>, %arg6: memref<64x256xf32, #tpu.memory_space<vmem>>, %arg7: memref<64x256xf32, #tpu.memory_space<vmem>>, %arg8: memref<!tpu.dma_semaphore, #tpu.memory_space<semaphore_mem>>, %arg9: memref<!tpu.dma_semaphore, #tpu.memory_space<semaphore_mem>>) attributes {dimension_semantics = [#tpu.dimension_semantics<core_parallel>, #tpu.dimension_semantics<subcore_parallel>], iteration_bounds = array<i64: 2, 16>, scalar_prefetch = 0 : i64, scratch_operands = 5 : i64, tpu.core_type = #tpu.core_type<sc_vector_subcore>, window_params = [{transform_indices = #map}, {transform_indices = #map1}, {transform_indices = #map}]} {
    %mul3A = arith.constant 2 : i32
    %mul3A_0 = arith.muli %arg1, %mul3A : i32
    %add3A = arith.addi %mul3A_0, %arg0 : i32
    %mul3A_1 = arith.constant 512 : i32
    %mul3A_2 = arith.muli %add3A, %mul3A_1 : i32
    "tpu.region"() ({
      %run_scoped3A = tpu.sem_alloc : memref<!tpu.dma_semaphore, #tpu.memory_space<semaphore_mem>>
      %dma_start3A_34 = tpu.memref_slice %arg3[%mul3A_2] : memref<16384xi32, #tpu.memory_space<hbm>> -> memref<512xi32, #tpu.memory_space<hbm>>
      %dma_start3A_35 = tpu.memref_slice %arg3[%mul3A_2] : memref<16384xi32, #tpu.memory_space<hbm>> -> memref<512xi32, #tpu.memory_space<hbm>>
      tpu.enqueue_dma source(%dma_start3A_35 : memref<512xi32, #tpu.memory_space<hbm>>) target(%arg5 : memref<512xi32, #tpu.memory_space<vmem>>) target_semaphore(%run_scoped3A : memref<!tpu.dma_semaphore, #tpu.memory_space<semaphore_mem>>)
      %dma_wait3A_36 = tpu.memref_slice %arg3[%mul3A_2] : memref<16384xi32, #tpu.memory_space<hbm>> -> memref<512xi32, #tpu.memory_space<hbm>>
      %dma_wait3A_37 = tpu.memref_slice %arg3[%mul3A_2] : memref<16384xi32, #tpu.memory_space<hbm>> -> memref<512xi32, #tpu.memory_space<hbm>>
      tpu.wait_dma2 semaphore(%run_scoped3A : memref<!tpu.dma_semaphore, #tpu.memory_space<semaphore_mem>>) src(%dma_wait3A_37 : memref<512xi32, #tpu.memory_space<hbm>>) dst(%arg5 : memref<512xi32, #tpu.memory_space<vmem>>)
      tpu.yield
    }) : () -> ()
    %multiple_of3A = arith.constant 0 : i32
    %multiple_of3A_3 = tpu.assume_multiple %multiple_of3A, 8 : i32
    %dma_start3A = tpu.memref_slice %arg5[%multiple_of3A_3] : memref<512xi32, #tpu.memory_space<vmem>> -> memref<64xi32, #tpu.memory_space<vmem>>
    %dma_start3A_4 = arith.constant 0 : i32
    %dma_start3A_5 = arith.constant 0 : i32
    %dma_start3A_6 = tpu.memref_slice %arg2[%dma_start3A_4, %dma_start3A_5] : memref<1024x256xf32, #tpu.memory_space<hbm>> -> memref<1024x256xf32, #tpu.memory_space<hbm>>
    tpu.enqueue_indirect_dma source(%dma_start3A_6 : memref<1024x256xf32, #tpu.memory_space<hbm>>) target(%arg6 : memref<64x256xf32, #tpu.memory_space<vmem>>) offsets(%dma_start3A : memref<64xi32, #tpu.memory_space<vmem>>) semaphore(%arg8 : memref<!tpu.dma_semaphore, #tpu.memory_space<semaphore_mem>>)
    %multiple_of3A_7 = arith.constant 64 : i32
    %multiple_of3A_8 = tpu.assume_multiple %multiple_of3A_7, 8 : i32
    %dma_start3A_9 = tpu.memref_slice %arg5[%multiple_of3A_8] : memref<512xi32, #tpu.memory_space<vmem>> -> memref<64xi32, #tpu.memory_space<vmem>>
    %dma_start3A_10 = arith.constant 0 : i32
    %dma_start3A_11 = arith.constant 0 : i32
    %dma_start3A_12 = tpu.memref_slice %arg2[%dma_start3A_10, %dma_start3A_11] : memref<1024x256xf32, #tpu.memory_space<hbm>> -> memref<1024x256xf32, #tpu.memory_space<hbm>>
    tpu.enqueue_indirect_dma source(%dma_start3A_12 : memref<1024x256xf32, #tpu.memory_space<hbm>>) target(%arg7 : memref<64x256xf32, #tpu.memory_space<vmem>>) offsets(%dma_start3A_9 : memref<64xi32, #tpu.memory_space<vmem>>) semaphore(%arg9 : memref<!tpu.dma_semaphore, #tpu.memory_space<semaphore_mem>>)
    %scan3A = arith.constant 0 : i32
    %scan3A_13 = arith.constant 3 : i32
    %scan3A_14 = arith.addi %scan3A, %scan3A_13 : i32
    %scan3A_15 = arith.constant 1 : i32
    scf.for %scan3A_34 = %scan3A to %scan3A_14 step %scan3A_15  : i32 {
      %mul3A_35 = arith.constant 2 : i32
      %mul3A_36 = arith.muli %scan3A_34, %mul3A_35 : i32
      %add3A_37 = arith.constant 2 : i32
      %add3A_38 = arith.addi %add3A_37, %mul3A_36 : i32
      %sub3A = arith.constant 2 : i32
      %sub3A_39 = arith.subi %add3A_38, %sub3A : i32
      %add3A_40 = arith.constant 0 : i32
      %add3A_41 = arith.addi %sub3A_39, %add3A_40 : i32
      %mul3A_42 = arith.constant 64 : i32
      %mul3A_43 = arith.muli %add3A_41, %mul3A_42 : i32
      %multiple_of3A_44 = tpu.assume_multiple %mul3A_43, 8 : i32
      %dma_wait3A_45 = tpu.memref_slice %arg5[%multiple_of3A_44] : memref<512xi32, #tpu.memory_space<vmem>> -> memref<64xi32, #tpu.memory_space<vmem>>
      %dma_wait3A_46 = arith.constant 0 : i32
      %dma_wait3A_47 = arith.constant 0 : i32
      %dma_wait3A_48 = tpu.memref_slice %arg2[%dma_wait3A_46, %dma_wait3A_47] : memref<1024x256xf32, #tpu.memory_space<hbm>> -> memref<1024x256xf32, #tpu.memory_space<hbm>>
      tpu.wait_indirect_dma semaphore(%arg8 : memref<!tpu.dma_semaphore, #tpu.memory_space<semaphore_mem>>) src(%dma_wait3A_48 : memref<1024x256xf32, #tpu.memory_space<hbm>>) dst(%arg6 : memref<64x256xf32, #tpu.memory_space<vmem>>)
      %mul3A_49 = arith.constant 64 : i32
      %mul3A_50 = arith.muli %add3A_41, %mul3A_49 : i32
      %add3A_51 = arith.addi %mul3A_2, %mul3A_50 : i32
      %multiple_of3A_52 = tpu.assume_multiple %add3A_51, 8 : i32
      "tpu.region"() ({
        %run_scoped3A = tpu.sem_alloc : memref<!tpu.dma_semaphore, #tpu.memory_space<semaphore_mem>>
        %dma_start3A_86 = arith.constant 0 : i32
        %dma_start3A_87 = tpu.memref_slice %arg4[%multiple_of3A_52, %dma_start3A_86] : memref<16384x256xf32, #tpu.memory_space<hbm>> -> memref<64x256xf32, #tpu.memory_space<hbm>>
        %dma_start3A_88 = arith.constant 0 : i32
        %dma_start3A_89 = tpu.memref_slice %arg4[%multiple_of3A_52, %dma_start3A_88] : memref<16384x256xf32, #tpu.memory_space<hbm>> -> memref<64x256xf32, #tpu.memory_space<hbm>>
        tpu.enqueue_dma source(%arg6 : memref<64x256xf32, #tpu.memory_space<vmem>>) target(%dma_start3A_89 : memref<64x256xf32, #tpu.memory_space<hbm>>) target_semaphore(%run_scoped3A : memref<!tpu.dma_semaphore, #tpu.memory_space<semaphore_mem>>)
        %dma_wait3A_90 = arith.constant 0 : i32
        %dma_wait3A_91 = tpu.memref_slice %arg4[%multiple_of3A_52, %dma_wait3A_90] : memref<16384x256xf32, #tpu.memory_space<hbm>> -> memref<64x256xf32, #tpu.memory_space<hbm>>
        %dma_wait3A_92 = arith.constant 0 : i32
        %dma_wait3A_93 = tpu.memref_slice %arg4[%multiple_of3A_52, %dma_wait3A_92] : memref<16384x256xf32, #tpu.memory_space<hbm>> -> memref<64x256xf32, #tpu.memory_space<hbm>>
        tpu.wait_dma2 semaphore(%run_scoped3A : memref<!tpu.dma_semaphore, #tpu.memory_space<semaphore_mem>>) src(%arg6 : memref<64x256xf32, #tpu.memory_space<vmem>>) dst(%dma_wait3A_93 : memref<64x256xf32, #tpu.memory_space<hbm>>)
        tpu.yield
      }) : () -> ()
      %add3A_53 = arith.constant 0 : i32
      %add3A_54 = arith.addi %add3A_38, %add3A_53 : i32
      %mul3A_55 = arith.constant 64 : i32
      %mul3A_56 = arith.muli %add3A_54, %mul3A_55 : i32
      %multiple_of3A_57 = tpu.assume_multiple %mul3A_56, 8 : i32
      %dma_start3A_58 = tpu.memref_slice %arg5[%multiple_of3A_57] : memref<512xi32, #tpu.memory_space<vmem>> -> memref<64xi32, #tpu.memory_space<vmem>>
      %dma_start3A_59 = arith.constant 0 : i32
      %dma_start3A_60 = arith.constant 0 : i32
      %dma_start3A_61 = tpu.memref_slice %arg2[%dma_start3A_59, %dma_start3A_60] : memref<1024x256xf32, #tpu.memory_space<hbm>> -> memref<1024x256xf32, #tpu.memory_space<hbm>>
      tpu.enqueue_indirect_dma source(%dma_start3A_61 : memref<1024x256xf32, #tpu.memory_space<hbm>>) target(%arg6 : memref<64x256xf32, #tpu.memory_space<vmem>>) offsets(%dma_start3A_58 : memref<64xi32, #tpu.memory_space<vmem>>) semaphore(%arg8 : memref<!tpu.dma_semaphore, #tpu.memory_space<semaphore_mem>>)
      %sub3A_62 = arith.constant 2 : i32
      %sub3A_63 = arith.subi %add3A_38, %sub3A_62 : i32
      %add3A_64 = arith.constant 1 : i32
      %add3A_65 = arith.addi %sub3A_63, %add3A_64 : i32
      %mul3A_66 = arith.constant 64 : i32
      %mul3A_67 = arith.muli %add3A_65, %mul3A_66 : i32
      %multiple_of3A_68 = tpu.assume_multiple %mul3A_67, 8 : i32
      %dma_wait3A_69 = tpu.memref_slice %arg5[%multiple_of3A_68] : memref<512xi32, #tpu.memory_space<vmem>> -> memref<64xi32, #tpu.memory_space<vmem>>
      %dma_wait3A_70 = arith.constant 0 : i32
      %dma_wait3A_71 = arith.constant 0 : i32
      %dma_wait3A_72 = tpu.memref_slice %arg2[%dma_wait3A_70, %dma_wait3A_71] : memref<1024x256xf32, #tpu.memory_space<hbm>> -> memref<1024x256xf32, #tpu.memory_space<hbm>>
      tpu.wait_indirect_dma semaphore(%arg9 : memref<!tpu.dma_semaphore, #tpu.memory_space<semaphore_mem>>) src(%dma_wait3A_72 : memref<1024x256xf32, #tpu.memory_space<hbm>>) dst(%arg7 : memref<64x256xf32, #tpu.memory_space<vmem>>)
      %mul3A_73 = arith.constant 64 : i32
      %mul3A_74 = arith.muli %add3A_65, %mul3A_73 : i32
      %add3A_75 = arith.addi %mul3A_2, %mul3A_74 : i32
      %multiple_of3A_76 = tpu.assume_multiple %add3A_75, 8 : i32
      "tpu.region"() ({
        %run_scoped3A = tpu.sem_alloc : memref<!tpu.dma_semaphore, #tpu.memory_space<semaphore_mem>>
        %dma_start3A_86 = arith.constant 0 : i32
        %dma_start3A_87 = tpu.memref_slice %arg4[%multiple_of3A_76, %dma_start3A_86] : memref<16384x256xf32, #tpu.memory_space<hbm>> -> memref<64x256xf32, #tpu.memory_space<hbm>>
        %dma_start3A_88 = arith.constant 0 : i32
        %dma_start3A_89 = tpu.memref_slice %arg4[%multiple_of3A_76, %dma_start3A_88] : memref<16384x256xf32, #tpu.memory_space<hbm>> -> memref<64x256xf32, #tpu.memory_space<hbm>>
        tpu.enqueue_dma source(%arg7 : memref<64x256xf32, #tpu.memory_space<vmem>>) target(%dma_start3A_89 : memref<64x256xf32, #tpu.memory_space<hbm>>) target_semaphore(%run_scoped3A : memref<!tpu.dma_semaphore, #tpu.memory_space<semaphore_mem>>)
        %dma_wait3A_90 = arith.constant 0 : i32
        %dma_wait3A_91 = tpu.memref_slice %arg4[%multiple_of3A_76, %dma_wait3A_90] : memref<16384x256xf32, #tpu.memory_space<hbm>> -> memref<64x256xf32, #tpu.memory_space<hbm>>
        %dma_wait3A_92 = arith.constant 0 : i32
        %dma_wait3A_93 = tpu.memref_slice %arg4[%multiple_of3A_76, %dma_wait3A_92] : memref<16384x256xf32, #tpu.memory_space<hbm>> -> memref<64x256xf32, #tpu.memory_space<hbm>>
        tpu.wait_dma2 semaphore(%run_scoped3A : memref<!tpu.dma_semaphore, #tpu.memory_space<semaphore_mem>>) src(%arg7 : memref<64x256xf32, #tpu.memory_space<vmem>>) dst(%dma_wait3A_93 : memref<64x256xf32, #tpu.memory_space<hbm>>)
        tpu.yield
      }) : () -> ()
      %add3A_77 = arith.constant 1 : i32
      %add3A_78 = arith.addi %add3A_38, %add3A_77 : i32
      %mul3A_79 = arith.constant 64 : i32
      %mul3A_80 = arith.muli %add3A_78, %mul3A_79 : i32
      %multiple_of3A_81 = tpu.assume_multiple %mul3A_80, 8 : i32
      %dma_start3A_82 = tpu.memref_slice %arg5[%multiple_of3A_81] : memref<512xi32, #tpu.memory_space<vmem>> -> memref<64xi32, #tpu.memory_space<vmem>>
      %dma_start3A_83 = arith.constant 0 : i32
      %dma_start3A_84 = arith.constant 0 : i32
      %dma_start3A_85 = tpu.memref_slice %arg2[%dma_start3A_83, %dma_start3A_84] : memref<1024x256xf32, #tpu.memory_space<hbm>> -> memref<1024x256xf32, #tpu.memory_space<hbm>>
      tpu.enqueue_indirect_dma source(%dma_start3A_85 : memref<1024x256xf32, #tpu.memory_space<hbm>>) target(%arg7 : memref<64x256xf32, #tpu.memory_space<vmem>>) offsets(%dma_start3A_82 : memref<64xi32, #tpu.memory_space<vmem>>) semaphore(%arg9 : memref<!tpu.dma_semaphore, #tpu.memory_space<semaphore_mem>>)
    }
    %scan3A_16 = arith.constant 3 : i32
    %multiple_of3A_17 = arith.constant 384 : i32
    %multiple_of3A_18 = tpu.assume_multiple %multiple_of3A_17, 8 : i32
    %dma_wait3A = tpu.memref_slice %arg5[%multiple_of3A_18] : memref<512xi32, #tpu.memory_space<vmem>> -> memref<64xi32, #tpu.memory_space<vmem>>
    %dma_wait3A_19 = arith.constant 0 : i32
    %dma_wait3A_20 = arith.constant 0 : i32
    %dma_wait3A_21 = tpu.memref_slice %arg2[%dma_wait3A_19, %dma_wait3A_20] : memref<1024x256xf32, #tpu.memory_space<hbm>> -> memref<1024x256xf32, #tpu.memory_space<hbm>>
    tpu.wait_indirect_dma semaphore(%arg8 : memref<!tpu.dma_semaphore, #tpu.memory_space<semaphore_mem>>) src(%dma_wait3A_21 : memref<1024x256xf32, #tpu.memory_space<hbm>>) dst(%arg6 : memref<64x256xf32, #tpu.memory_space<vmem>>)
    %add3A_22 = arith.constant 384 : i32
    %add3A_23 = arith.addi %mul3A_2, %add3A_22 : i32
    %multiple_of3A_24 = tpu.assume_multiple %add3A_23, 8 : i32
    "tpu.region"() ({
      %run_scoped3A = tpu.sem_alloc : memref<!tpu.dma_semaphore, #tpu.memory_space<semaphore_mem>>
      %dma_start3A_34 = arith.constant 0 : i32
      %dma_start3A_35 = tpu.memref_slice %arg4[%multiple_of3A_24, %dma_start3A_34] : memref<16384x256xf32, #tpu.memory_space<hbm>> -> memref<64x256xf32, #tpu.memory_space<hbm>>
      %dma_start3A_36 = arith.constant 0 : i32
      %dma_start3A_37 = tpu.memref_slice %arg4[%multiple_of3A_24, %dma_start3A_36] : memref<16384x256xf32, #tpu.memory_space<hbm>> -> memref<64x256xf32, #tpu.memory_space<hbm>>
      tpu.enqueue_dma source(%arg6 : memref<64x256xf32, #tpu.memory_space<vmem>>) target(%dma_start3A_37 : memref<64x256xf32, #tpu.memory_space<hbm>>) target_semaphore(%run_scoped3A : memref<!tpu.dma_semaphore, #tpu.memory_space<semaphore_mem>>)
      %dma_wait3A_38 = arith.constant 0 : i32
      %dma_wait3A_39 = tpu.memref_slice %arg4[%multiple_of3A_24, %dma_wait3A_38] : memref<16384x256xf32, #tpu.memory_space<hbm>> -> memref<64x256xf32, #tpu.memory_space<hbm>>
      %dma_wait3A_40 = arith.constant 0 : i32
      %dma_wait3A_41 = tpu.memref_slice %arg4[%multiple_of3A_24, %dma_wait3A_40] : memref<16384x256xf32, #tpu.memory_space<hbm>> -> memref<64x256xf32, #tpu.memory_space<hbm>>
      tpu.wait_dma2 semaphore(%run_scoped3A : memref<!tpu.dma_semaphore, #tpu.memory_space<semaphore_mem>>) src(%arg6 : memref<64x256xf32, #tpu.memory_space<vmem>>) dst(%dma_wait3A_41 : memref<64x256xf32, #tpu.memory_space<hbm>>)
      tpu.yield
    }) : () -> ()
    %multiple_of3A_25 = arith.constant 448 : i32
    %multiple_of3A_26 = tpu.assume_multiple %multiple_of3A_25, 8 : i32
    %dma_wait3A_27 = tpu.memref_slice %arg5[%multiple_of3A_26] : memref<512xi32, #tpu.memory_space<vmem>> -> memref<64xi32, #tpu.memory_space<vmem>>
    %dma_wait3A_28 = arith.constant 0 : i32
    %dma_wait3A_29 = arith.constant 0 : i32
    %dma_wait3A_30 = tpu.memref_slice %arg2[%dma_wait3A_28, %dma_wait3A_29] : memref<1024x256xf32, #tpu.memory_space<hbm>> -> memref<1024x256xf32, #tpu.memory_space<hbm>>
    tpu.wait_indirect_dma semaphore(%arg9 : memref<!tpu.dma_semaphore, #tpu.memory_space<semaphore_mem>>) src(%dma_wait3A_30 : memref<1024x256xf32, #tpu.memory_space<hbm>>) dst(%arg7 : memref<64x256xf32, #tpu.memory_space<vmem>>)
    %add3A_31 = arith.constant 448 : i32
    %add3A_32 = arith.addi %mul3A_2, %add3A_31 : i32
    %multiple_of3A_33 = tpu.assume_multiple %add3A_32, 8 : i32
    "tpu.region"() ({
      %run_scoped3A = tpu.sem_alloc : memref<!tpu.dma_semaphore, #tpu.memory_space<semaphore_mem>>
      %dma_start3A_34 = arith.constant 0 : i32
      %dma_start3A_35 = tpu.memref_slice %arg4[%multiple_of3A_33, %dma_start3A_34] : memref<16384x256xf32, #tpu.memory_space<hbm>> -> memref<64x256xf32, #tpu.memory_space<hbm>>
      %dma_start3A_36 = arith.constant 0 : i32
      %dma_start3A_37 = tpu.memref_slice %arg4[%multiple_of3A_33, %dma_start3A_36] : memref<16384x256xf32, #tpu.memory_space<hbm>> -> memref<64x256xf32, #tpu.memory_space<hbm>>
      tpu.enqueue_dma source(%arg7 : memref<64x256xf32, #tpu.memory_space<vmem>>) target(%dma_start3A_37 : memref<64x256xf32, #tpu.memory_space<hbm>>) target_semaphore(%run_scoped3A : memref<!tpu.dma_semaphore, #tpu.memory_space<semaphore_mem>>)
      %dma_wait3A_38 = arith.constant 0 : i32
      %dma_wait3A_39 = tpu.memref_slice %arg4[%multiple_of3A_33, %dma_wait3A_38] : memref<16384x256xf32, #tpu.memory_space<hbm>> -> memref<64x256xf32, #tpu.memory_space<hbm>>
      %dma_wait3A_40 = arith.constant 0 : i32
      %dma_wait3A_41 = tpu.memref_slice %arg4[%multiple_of3A_33, %dma_wait3A_40] : memref<16384x256xf32, #tpu.memory_space<hbm>> -> memref<64x256xf32, #tpu.memory_space<hbm>>
      tpu.wait_dma2 semaphore(%run_scoped3A : memref<!tpu.dma_semaphore, #tpu.memory_space<semaphore_mem>>) src(%arg7 : memref<64x256xf32, #tpu.memory_space<vmem>>) dst(%dma_wait3A_41 : memref<64x256xf32, #tpu.memory_space<hbm>>)
      tpu.yield
    }) : () -> ()
    return
  }
}

#map = affine_map<(d0, d1) -> (0, 0)>
#map1 = affine_map<(d0, d1) -> (0)>
module attributes {stable_mosaic.version = 14 : i64} {
  func.func @k(%arg0: i32, %arg1: i32, %arg2: memref<4096x128xf32, #tpu.memory_space<hbm>>, %arg3: memref<65536xi32, #tpu.memory_space<hbm>>, %arg4: memref<65536x128xf32, #tpu.memory_space<hbm>>, %arg5: memref<2048x128xf32, #tpu.memory_space<vmem_shared>>, %arg6: memref<2048xi32, #tpu.memory_space<vmem>>, %arg7: memref<128x128xf32, #tpu.memory_space<vmem>>, %arg8: memref<128x128xf32, #tpu.memory_space<vmem>>, %arg9: memref<!tpu.dma_semaphore, #tpu.memory_space<semaphore_mem>>, %arg10: memref<!tpu.dma_semaphore, #tpu.memory_space<semaphore_mem>>) attributes {dimension_semantics = [#tpu.dimension_semantics<core_parallel>, #tpu.dimension_semantics<subcore_parallel>], iteration_bounds = array<i64: 2, 16>, scalar_prefetch = 0 : i64, scratch_operands = 6 : i64, tpu.core_type = #tpu.core_type<sc_vector_subcore>, window_params = [{transform_indices = #map}, {transform_indices = #map1}, {transform_indices = #map}]} {
    %mul3A = arith.constant 32768 : i32
    %mul3A_0 = arith.muli %arg0, %mul3A : i32
    %mul3A_1 = arith.constant 2048 : i32
    %mul3A_2 = arith.muli %arg1, %mul3A_1 : i32
    %add3A = arith.addi %mul3A_0, %mul3A_2 : i32
    %eq3A = arith.constant 0 : i32
    %eq3A_3 = arith.cmpi eq, %arg1, %eq3A : i32
    %convert_element_type3A = arith.extui %eq3A_3 : i1 to i32
    %cond3A = arith.constant 0 : i32
    %cond3A_4 = arith.cmpi ne, %convert_element_type3A, %cond3A : i32
    scf.if %cond3A_4 {
      %mul3A_36 = arith.constant 2048 : i32
      %mul3A_37 = arith.muli %arg0, %mul3A_36 : i32
      "tpu.region"() ({
        %run_scoped3A = tpu.sem_alloc : memref<!tpu.dma_semaphore, #tpu.memory_space<semaphore_mem>>
        %dma_start3A_38 = arith.constant 0 : i32
        %dma_start3A_39 = tpu.memref_slice %arg2[%mul3A_37, %dma_start3A_38] : memref<4096x128xf32, #tpu.memory_space<hbm>> -> memref<2048x128xf32, #tpu.memory_space<hbm>>
        tpu.enqueue_dma source(%dma_start3A_39 : memref<2048x128xf32, #tpu.memory_space<hbm>>) target(%arg5 : memref<2048x128xf32, #tpu.memory_space<vmem_shared>>) target_semaphore(%run_scoped3A : memref<!tpu.dma_semaphore, #tpu.memory_space<semaphore_mem>>)
        %dma_wait3A_40 = arith.constant 0 : i32
        %dma_wait3A_41 = tpu.memref_slice %arg2[%mul3A_37, %dma_wait3A_40] : memref<4096x128xf32, #tpu.memory_space<hbm>> -> memref<2048x128xf32, #tpu.memory_space<hbm>>
        tpu.wait_dma2 semaphore(%run_scoped3A : memref<!tpu.dma_semaphore, #tpu.memory_space<semaphore_mem>>) src(%dma_wait3A_41 : memref<2048x128xf32, #tpu.memory_space<hbm>>) dst(%arg5 : memref<2048x128xf32, #tpu.memory_space<vmem_shared>>)
        tpu.yield
      }) : () -> ()
    } else {
    }
    "tpu.region"() ({
      %run_scoped3A = tpu.sem_alloc : memref<!tpu.dma_semaphore, #tpu.memory_space<semaphore_mem>>
      %dma_start3A_36 = tpu.memref_slice %arg3[%add3A] : memref<65536xi32, #tpu.memory_space<hbm>> -> memref<2048xi32, #tpu.memory_space<hbm>>
      %dma_start3A_37 = tpu.memref_slice %arg3[%add3A] : memref<65536xi32, #tpu.memory_space<hbm>> -> memref<2048xi32, #tpu.memory_space<hbm>>
      tpu.enqueue_dma source(%dma_start3A_37 : memref<2048xi32, #tpu.memory_space<hbm>>) target(%arg6 : memref<2048xi32, #tpu.memory_space<vmem>>) target_semaphore(%run_scoped3A : memref<!tpu.dma_semaphore, #tpu.memory_space<semaphore_mem>>)
      %dma_wait3A_38 = tpu.memref_slice %arg3[%add3A] : memref<65536xi32, #tpu.memory_space<hbm>> -> memref<2048xi32, #tpu.memory_space<hbm>>
      %dma_wait3A_39 = tpu.memref_slice %arg3[%add3A] : memref<65536xi32, #tpu.memory_space<hbm>> -> memref<2048xi32, #tpu.memory_space<hbm>>
      tpu.wait_dma2 semaphore(%run_scoped3A : memref<!tpu.dma_semaphore, #tpu.memory_space<semaphore_mem>>) src(%dma_wait3A_39 : memref<2048xi32, #tpu.memory_space<hbm>>) dst(%arg6 : memref<2048xi32, #tpu.memory_space<vmem>>)
      tpu.yield
    }) : () -> ()
    %barrier3A = arith.constant 0 : index
    tpu.barrier barrier_id(%barrier3A)
    %multiple_of3A = arith.constant 0 : i32
    %multiple_of3A_5 = tpu.assume_multiple %multiple_of3A, 8 : i32
    %dma_start3A = tpu.memref_slice %arg6[%multiple_of3A_5] : memref<2048xi32, #tpu.memory_space<vmem>> -> memref<128xi32, #tpu.memory_space<vmem>>
    %dma_start3A_6 = arith.constant 0 : i32
    %dma_start3A_7 = arith.constant 0 : i32
    %dma_start3A_8 = tpu.memref_slice %arg5[%dma_start3A_6, %dma_start3A_7] : memref<2048x128xf32, #tpu.memory_space<vmem_shared>> -> memref<2048x128xf32, #tpu.memory_space<vmem_shared>>
    tpu.enqueue_indirect_dma source(%dma_start3A_8 : memref<2048x128xf32, #tpu.memory_space<vmem_shared>>) target(%arg7 : memref<128x128xf32, #tpu.memory_space<vmem>>) offsets(%dma_start3A : memref<128xi32, #tpu.memory_space<vmem>>) semaphore(%arg9 : memref<!tpu.dma_semaphore, #tpu.memory_space<semaphore_mem>>)
    %multiple_of3A_9 = arith.constant 128 : i32
    %multiple_of3A_10 = tpu.assume_multiple %multiple_of3A_9, 8 : i32
    %dma_start3A_11 = tpu.memref_slice %arg6[%multiple_of3A_10] : memref<2048xi32, #tpu.memory_space<vmem>> -> memref<128xi32, #tpu.memory_space<vmem>>
    %dma_start3A_12 = arith.constant 0 : i32
    %dma_start3A_13 = arith.constant 0 : i32
    %dma_start3A_14 = tpu.memref_slice %arg5[%dma_start3A_12, %dma_start3A_13] : memref<2048x128xf32, #tpu.memory_space<vmem_shared>> -> memref<2048x128xf32, #tpu.memory_space<vmem_shared>>
    tpu.enqueue_indirect_dma source(%dma_start3A_14 : memref<2048x128xf32, #tpu.memory_space<vmem_shared>>) target(%arg8 : memref<128x128xf32, #tpu.memory_space<vmem>>) offsets(%dma_start3A_11 : memref<128xi32, #tpu.memory_space<vmem>>) semaphore(%arg10 : memref<!tpu.dma_semaphore, #tpu.memory_space<semaphore_mem>>)
    %scan3A = arith.constant 0 : i32
    %scan3A_15 = arith.constant 7 : i32
    %scan3A_16 = arith.addi %scan3A, %scan3A_15 : i32
    %scan3A_17 = arith.constant 1 : i32
    scf.for %scan3A_36 = %scan3A to %scan3A_16 step %scan3A_17  : i32 {
      %mul3A_37 = arith.constant 2 : i32
      %mul3A_38 = arith.muli %scan3A_36, %mul3A_37 : i32
      %add3A_39 = arith.constant 2 : i32
      %add3A_40 = arith.addi %add3A_39, %mul3A_38 : i32
      %sub3A = arith.constant 2 : i32
      %sub3A_41 = arith.subi %add3A_40, %sub3A : i32
      %add3A_42 = arith.constant 0 : i32
      %add3A_43 = arith.addi %sub3A_41, %add3A_42 : i32
      %mul3A_44 = arith.constant 128 : i32
      %mul3A_45 = arith.muli %add3A_43, %mul3A_44 : i32
      %multiple_of3A_46 = tpu.assume_multiple %mul3A_45, 8 : i32
      %dma_wait3A_47 = tpu.memref_slice %arg6[%multiple_of3A_46] : memref<2048xi32, #tpu.memory_space<vmem>> -> memref<128xi32, #tpu.memory_space<vmem>>
      %dma_wait3A_48 = arith.constant 0 : i32
      %dma_wait3A_49 = arith.constant 0 : i32
      %dma_wait3A_50 = tpu.memref_slice %arg5[%dma_wait3A_48, %dma_wait3A_49] : memref<2048x128xf32, #tpu.memory_space<vmem_shared>> -> memref<2048x128xf32, #tpu.memory_space<vmem_shared>>
      tpu.wait_indirect_dma semaphore(%arg9 : memref<!tpu.dma_semaphore, #tpu.memory_space<semaphore_mem>>) src(%dma_wait3A_50 : memref<2048x128xf32, #tpu.memory_space<vmem_shared>>) dst(%arg7 : memref<128x128xf32, #tpu.memory_space<vmem>>)
      %mul3A_51 = arith.constant 128 : i32
      %mul3A_52 = arith.muli %add3A_43, %mul3A_51 : i32
      %add3A_53 = arith.addi %add3A, %mul3A_52 : i32
      %multiple_of3A_54 = tpu.assume_multiple %add3A_53, 8 : i32
      "tpu.region"() ({
        %run_scoped3A = tpu.sem_alloc : memref<!tpu.dma_semaphore, #tpu.memory_space<semaphore_mem>>
        %dma_start3A_88 = arith.constant 0 : i32
        %dma_start3A_89 = tpu.memref_slice %arg4[%multiple_of3A_54, %dma_start3A_88] : memref<65536x128xf32, #tpu.memory_space<hbm>> -> memref<128x128xf32, #tpu.memory_space<hbm>>
        %dma_start3A_90 = arith.constant 0 : i32
        %dma_start3A_91 = tpu.memref_slice %arg4[%multiple_of3A_54, %dma_start3A_90] : memref<65536x128xf32, #tpu.memory_space<hbm>> -> memref<128x128xf32, #tpu.memory_space<hbm>>
        tpu.enqueue_dma source(%arg7 : memref<128x128xf32, #tpu.memory_space<vmem>>) target(%dma_start3A_91 : memref<128x128xf32, #tpu.memory_space<hbm>>) target_semaphore(%run_scoped3A : memref<!tpu.dma_semaphore, #tpu.memory_space<semaphore_mem>>)
        %dma_wait3A_92 = arith.constant 0 : i32
        %dma_wait3A_93 = tpu.memref_slice %arg4[%multiple_of3A_54, %dma_wait3A_92] : memref<65536x128xf32, #tpu.memory_space<hbm>> -> memref<128x128xf32, #tpu.memory_space<hbm>>
        %dma_wait3A_94 = arith.constant 0 : i32
        %dma_wait3A_95 = tpu.memref_slice %arg4[%multiple_of3A_54, %dma_wait3A_94] : memref<65536x128xf32, #tpu.memory_space<hbm>> -> memref<128x128xf32, #tpu.memory_space<hbm>>
        tpu.wait_dma2 semaphore(%run_scoped3A : memref<!tpu.dma_semaphore, #tpu.memory_space<semaphore_mem>>) src(%arg7 : memref<128x128xf32, #tpu.memory_space<vmem>>) dst(%dma_wait3A_95 : memref<128x128xf32, #tpu.memory_space<hbm>>)
        tpu.yield
      }) : () -> ()
      %add3A_55 = arith.constant 0 : i32
      %add3A_56 = arith.addi %add3A_40, %add3A_55 : i32
      %mul3A_57 = arith.constant 128 : i32
      %mul3A_58 = arith.muli %add3A_56, %mul3A_57 : i32
      %multiple_of3A_59 = tpu.assume_multiple %mul3A_58, 8 : i32
      %dma_start3A_60 = tpu.memref_slice %arg6[%multiple_of3A_59] : memref<2048xi32, #tpu.memory_space<vmem>> -> memref<128xi32, #tpu.memory_space<vmem>>
      %dma_start3A_61 = arith.constant 0 : i32
      %dma_start3A_62 = arith.constant 0 : i32
      %dma_start3A_63 = tpu.memref_slice %arg5[%dma_start3A_61, %dma_start3A_62] : memref<2048x128xf32, #tpu.memory_space<vmem_shared>> -> memref<2048x128xf32, #tpu.memory_space<vmem_shared>>
      tpu.enqueue_indirect_dma source(%dma_start3A_63 : memref<2048x128xf32, #tpu.memory_space<vmem_shared>>) target(%arg7 : memref<128x128xf32, #tpu.memory_space<vmem>>) offsets(%dma_start3A_60 : memref<128xi32, #tpu.memory_space<vmem>>) semaphore(%arg9 : memref<!tpu.dma_semaphore, #tpu.memory_space<semaphore_mem>>)
      %sub3A_64 = arith.constant 2 : i32
      %sub3A_65 = arith.subi %add3A_40, %sub3A_64 : i32
      %add3A_66 = arith.constant 1 : i32
      %add3A_67 = arith.addi %sub3A_65, %add3A_66 : i32
      %mul3A_68 = arith.constant 128 : i32
      %mul3A_69 = arith.muli %add3A_67, %mul3A_68 : i32
      %multiple_of3A_70 = tpu.assume_multiple %mul3A_69, 8 : i32
      %dma_wait3A_71 = tpu.memref_slice %arg6[%multiple_of3A_70] : memref<2048xi32, #tpu.memory_space<vmem>> -> memref<128xi32, #tpu.memory_space<vmem>>
      %dma_wait3A_72 = arith.constant 0 : i32
      %dma_wait3A_73 = arith.constant 0 : i32
      %dma_wait3A_74 = tpu.memref_slice %arg5[%dma_wait3A_72, %dma_wait3A_73] : memref<2048x128xf32, #tpu.memory_space<vmem_shared>> -> memref<2048x128xf32, #tpu.memory_space<vmem_shared>>
      tpu.wait_indirect_dma semaphore(%arg10 : memref<!tpu.dma_semaphore, #tpu.memory_space<semaphore_mem>>) src(%dma_wait3A_74 : memref<2048x128xf32, #tpu.memory_space<vmem_shared>>) dst(%arg8 : memref<128x128xf32, #tpu.memory_space<vmem>>)
      %mul3A_75 = arith.constant 128 : i32
      %mul3A_76 = arith.muli %add3A_67, %mul3A_75 : i32
      %add3A_77 = arith.addi %add3A, %mul3A_76 : i32
      %multiple_of3A_78 = tpu.assume_multiple %add3A_77, 8 : i32
      "tpu.region"() ({
        %run_scoped3A = tpu.sem_alloc : memref<!tpu.dma_semaphore, #tpu.memory_space<semaphore_mem>>
        %dma_start3A_88 = arith.constant 0 : i32
        %dma_start3A_89 = tpu.memref_slice %arg4[%multiple_of3A_78, %dma_start3A_88] : memref<65536x128xf32, #tpu.memory_space<hbm>> -> memref<128x128xf32, #tpu.memory_space<hbm>>
        %dma_start3A_90 = arith.constant 0 : i32
        %dma_start3A_91 = tpu.memref_slice %arg4[%multiple_of3A_78, %dma_start3A_90] : memref<65536x128xf32, #tpu.memory_space<hbm>> -> memref<128x128xf32, #tpu.memory_space<hbm>>
        tpu.enqueue_dma source(%arg8 : memref<128x128xf32, #tpu.memory_space<vmem>>) target(%dma_start3A_91 : memref<128x128xf32, #tpu.memory_space<hbm>>) target_semaphore(%run_scoped3A : memref<!tpu.dma_semaphore, #tpu.memory_space<semaphore_mem>>)
        %dma_wait3A_92 = arith.constant 0 : i32
        %dma_wait3A_93 = tpu.memref_slice %arg4[%multiple_of3A_78, %dma_wait3A_92] : memref<65536x128xf32, #tpu.memory_space<hbm>> -> memref<128x128xf32, #tpu.memory_space<hbm>>
        %dma_wait3A_94 = arith.constant 0 : i32
        %dma_wait3A_95 = tpu.memref_slice %arg4[%multiple_of3A_78, %dma_wait3A_94] : memref<65536x128xf32, #tpu.memory_space<hbm>> -> memref<128x128xf32, #tpu.memory_space<hbm>>
        tpu.wait_dma2 semaphore(%run_scoped3A : memref<!tpu.dma_semaphore, #tpu.memory_space<semaphore_mem>>) src(%arg8 : memref<128x128xf32, #tpu.memory_space<vmem>>) dst(%dma_wait3A_95 : memref<128x128xf32, #tpu.memory_space<hbm>>)
        tpu.yield
      }) : () -> ()
      %add3A_79 = arith.constant 1 : i32
      %add3A_80 = arith.addi %add3A_40, %add3A_79 : i32
      %mul3A_81 = arith.constant 128 : i32
      %mul3A_82 = arith.muli %add3A_80, %mul3A_81 : i32
      %multiple_of3A_83 = tpu.assume_multiple %mul3A_82, 8 : i32
      %dma_start3A_84 = tpu.memref_slice %arg6[%multiple_of3A_83] : memref<2048xi32, #tpu.memory_space<vmem>> -> memref<128xi32, #tpu.memory_space<vmem>>
      %dma_start3A_85 = arith.constant 0 : i32
      %dma_start3A_86 = arith.constant 0 : i32
      %dma_start3A_87 = tpu.memref_slice %arg5[%dma_start3A_85, %dma_start3A_86] : memref<2048x128xf32, #tpu.memory_space<vmem_shared>> -> memref<2048x128xf32, #tpu.memory_space<vmem_shared>>
      tpu.enqueue_indirect_dma source(%dma_start3A_87 : memref<2048x128xf32, #tpu.memory_space<vmem_shared>>) target(%arg8 : memref<128x128xf32, #tpu.memory_space<vmem>>) offsets(%dma_start3A_84 : memref<128xi32, #tpu.memory_space<vmem>>) semaphore(%arg10 : memref<!tpu.dma_semaphore, #tpu.memory_space<semaphore_mem>>)
    }
    %scan3A_18 = arith.constant 7 : i32
    %multiple_of3A_19 = arith.constant 1792 : i32
    %multiple_of3A_20 = tpu.assume_multiple %multiple_of3A_19, 8 : i32
    %dma_wait3A = tpu.memref_slice %arg6[%multiple_of3A_20] : memref<2048xi32, #tpu.memory_space<vmem>> -> memref<128xi32, #tpu.memory_space<vmem>>
    %dma_wait3A_21 = arith.constant 0 : i32
    %dma_wait3A_22 = arith.constant 0 : i32
    %dma_wait3A_23 = tpu.memref_slice %arg5[%dma_wait3A_21, %dma_wait3A_22] : memref<2048x128xf32, #tpu.memory_space<vmem_shared>> -> memref<2048x128xf32, #tpu.memory_space<vmem_shared>>
    tpu.wait_indirect_dma semaphore(%arg9 : memref<!tpu.dma_semaphore, #tpu.memory_space<semaphore_mem>>) src(%dma_wait3A_23 : memref<2048x128xf32, #tpu.memory_space<vmem_shared>>) dst(%arg7 : memref<128x128xf32, #tpu.memory_space<vmem>>)
    %add3A_24 = arith.constant 1792 : i32
    %add3A_25 = arith.addi %add3A, %add3A_24 : i32
    %multiple_of3A_26 = tpu.assume_multiple %add3A_25, 8 : i32
    "tpu.region"() ({
      %run_scoped3A = tpu.sem_alloc : memref<!tpu.dma_semaphore, #tpu.memory_space<semaphore_mem>>
      %dma_start3A_36 = arith.constant 0 : i32
      %dma_start3A_37 = tpu.memref_slice %arg4[%multiple_of3A_26, %dma_start3A_36] : memref<65536x128xf32, #tpu.memory_space<hbm>> -> memref<128x128xf32, #tpu.memory_space<hbm>>
      %dma_start3A_38 = arith.constant 0 : i32
      %dma_start3A_39 = tpu.memref_slice %arg4[%multiple_of3A_26, %dma_start3A_38] : memref<65536x128xf32, #tpu.memory_space<hbm>> -> memref<128x128xf32, #tpu.memory_space<hbm>>
      tpu.enqueue_dma source(%arg7 : memref<128x128xf32, #tpu.memory_space<vmem>>) target(%dma_start3A_39 : memref<128x128xf32, #tpu.memory_space<hbm>>) target_semaphore(%run_scoped3A : memref<!tpu.dma_semaphore, #tpu.memory_space<semaphore_mem>>)
      %dma_wait3A_40 = arith.constant 0 : i32
      %dma_wait3A_41 = tpu.memref_slice %arg4[%multiple_of3A_26, %dma_wait3A_40] : memref<65536x128xf32, #tpu.memory_space<hbm>> -> memref<128x128xf32, #tpu.memory_space<hbm>>
      %dma_wait3A_42 = arith.constant 0 : i32
      %dma_wait3A_43 = tpu.memref_slice %arg4[%multiple_of3A_26, %dma_wait3A_42] : memref<65536x128xf32, #tpu.memory_space<hbm>> -> memref<128x128xf32, #tpu.memory_space<hbm>>
      tpu.wait_dma2 semaphore(%run_scoped3A : memref<!tpu.dma_semaphore, #tpu.memory_space<semaphore_mem>>) src(%arg7 : memref<128x128xf32, #tpu.memory_space<vmem>>) dst(%dma_wait3A_43 : memref<128x128xf32, #tpu.memory_space<hbm>>)
      tpu.yield
    }) : () -> ()
    %multiple_of3A_27 = arith.constant 1920 : i32
    %multiple_of3A_28 = tpu.assume_multiple %multiple_of3A_27, 8 : i32
    %dma_wait3A_29 = tpu.memref_slice %arg6[%multiple_of3A_28] : memref<2048xi32, #tpu.memory_space<vmem>> -> memref<128xi32, #tpu.memory_space<vmem>>
    %dma_wait3A_30 = arith.constant 0 : i32
    %dma_wait3A_31 = arith.constant 0 : i32
    %dma_wait3A_32 = tpu.memref_slice %arg5[%dma_wait3A_30, %dma_wait3A_31] : memref<2048x128xf32, #tpu.memory_space<vmem_shared>> -> memref<2048x128xf32, #tpu.memory_space<vmem_shared>>
    tpu.wait_indirect_dma semaphore(%arg10 : memref<!tpu.dma_semaphore, #tpu.memory_space<semaphore_mem>>) src(%dma_wait3A_32 : memref<2048x128xf32, #tpu.memory_space<vmem_shared>>) dst(%arg8 : memref<128x128xf32, #tpu.memory_space<vmem>>)
    %add3A_33 = arith.constant 1920 : i32
    %add3A_34 = arith.addi %add3A, %add3A_33 : i32
    %multiple_of3A_35 = tpu.assume_multiple %add3A_34, 8 : i32
    "tpu.region"() ({
      %run_scoped3A = tpu.sem_alloc : memref<!tpu.dma_semaphore, #tpu.memory_space<semaphore_mem>>
      %dma_start3A_36 = arith.constant 0 : i32
      %dma_start3A_37 = tpu.memref_slice %arg4[%multiple_of3A_35, %dma_start3A_36] : memref<65536x128xf32, #tpu.memory_space<hbm>> -> memref<128x128xf32, #tpu.memory_space<hbm>>
      %dma_start3A_38 = arith.constant 0 : i32
      %dma_start3A_39 = tpu.memref_slice %arg4[%multiple_of3A_35, %dma_start3A_38] : memref<65536x128xf32, #tpu.memory_space<hbm>> -> memref<128x128xf32, #tpu.memory_space<hbm>>
      tpu.enqueue_dma source(%arg8 : memref<128x128xf32, #tpu.memory_space<vmem>>) target(%dma_start3A_39 : memref<128x128xf32, #tpu.memory_space<hbm>>) target_semaphore(%run_scoped3A : memref<!tpu.dma_semaphore, #tpu.memory_space<semaphore_mem>>)
      %dma_wait3A_40 = arith.constant 0 : i32
      %dma_wait3A_41 = tpu.memref_slice %arg4[%multiple_of3A_35, %dma_wait3A_40] : memref<65536x128xf32, #tpu.memory_space<hbm>> -> memref<128x128xf32, #tpu.memory_space<hbm>>
      %dma_wait3A_42 = arith.constant 0 : i32
      %dma_wait3A_43 = tpu.memref_slice %arg4[%multiple_of3A_35, %dma_wait3A_42] : memref<65536x128xf32, #tpu.memory_space<hbm>> -> memref<128x128xf32, #tpu.memory_space<hbm>>
      tpu.wait_dma2 semaphore(%run_scoped3A : memref<!tpu.dma_semaphore, #tpu.memory_space<semaphore_mem>>) src(%arg8 : memref<128x128xf32, #tpu.memory_space<vmem>>) dst(%dma_wait3A_43 : memref<128x128xf32, #tpu.memory_space<hbm>>)
      tpu.yield
    }) : () -> ()
    return
  }
}

module attributes {stable_mosaic.version = 14 : i64} {
  func.func @body(%arg0: memref<4x32x128xf32, #tpu.memory_space<vmem>>, %arg1: memref<4x32x128xf32, #tpu.memory_space<vmem>>, %arg2: memref<4x32x128xf32, #tpu.memory_space<vmem>>, %arg3: memref<4x8x128xf32, #tpu.memory_space<vmem>>, %arg4: memref<4x8x128xf32, #tpu.memory_space<vmem>>, %arg5: memref<4x8x128xf32, #tpu.memory_space<vmem>>) attributes {dimension_semantics = [], scalar_prefetch = 0 : i64, scratch_operands = 0 : i64, tpu.core_type = #tpu.core_type<tc>} {
    %get3A = arith.constant 0 : index
    %get3A_0 = arith.constant 0 : index
    %get3A_1 = arith.constant 0 : index
    %get3A_2 = vector.load %arg0[%get3A, %get3A_0, %get3A_1] : memref<4x32x128xf32, #tpu.memory_space<vmem>>, vector<4x32x128xf32>
    %get3A_3 = arith.constant 0 : index
    %get3A_4 = arith.constant 0 : index
    %get3A_5 = arith.constant 0 : index
    %get3A_6 = vector.load %arg1[%get3A_3, %get3A_4, %get3A_5] : memref<4x32x128xf32, #tpu.memory_space<vmem>>, vector<4x32x128xf32>
    %get3A_7 = arith.constant 0 : index
    %get3A_8 = arith.constant 0 : index
    %get3A_9 = arith.constant 0 : index
    %get3A_10 = vector.load %arg2[%get3A_7, %get3A_8, %get3A_9] : memref<4x32x128xf32, #tpu.memory_space<vmem>>, vector<4x32x128xf32>
    %iota3A = tpu.iota {dimensions = array<i32: 1>} : vector<4x32x128xi32>
    %mul3A = arith.constant 128 : i32
    %mul3A_11 = vector.broadcast %mul3A : i32 to vector<4x32x128xi32>
    %mul3A_12 = arith.muli %iota3A, %mul3A_11 : vector<4x32x128xi32>
    %iota3A_13 = tpu.iota {dimensions = array<i32: 2>} : vector<4x32x128xi32>
    %add3A = arith.addi %mul3A_12, %iota3A_13 : vector<4x32x128xi32>
    %iota3A_14 = tpu.iota {dimensions = array<i32: 1>} : vector<4x8x128xi32>
    %mul3A_15 = arith.constant 128 : i32
    %mul3A_16 = vector.broadcast %mul3A_15 : i32 to vector<4x8x128xi32>
    %mul3A_17 = arith.muli %iota3A_14, %mul3A_16 : vector<4x8x128xi32>
    %iota3A_18 = tpu.iota {dimensions = array<i32: 2>} : vector<4x8x128xi32>
    %add3A_19 = arith.addi %mul3A_17, %iota3A_18 : vector<4x8x128xi32>
    %broadcast_in_dim3A = arith.constant 0x7F800000 : f32
    %broadcast_in_dim3A_20 = vector.broadcast %broadcast_in_dim3A : f32 to vector<4x32x128xf32>
    %broadcast_in_dim3A_21 = arith.constant 0 : i32
    %broadcast_in_dim3A_22 = vector.broadcast %broadcast_in_dim3A_21 : i32 to vector<4x1x1xi32>
    %scan3A = arith.constant 1 : i32
    %scan3A_23 = arith.constant 1023 : i32
    %scan3A_24 = arith.addi %scan3A, %scan3A_23 : i32
    %scan3A_25 = arith.constant 1 : i32
    %scan3A_26:2 = scf.for %scan3A_79 = %scan3A to %scan3A_24 step %scan3A_25 iter_args(%scan3A_80 = %broadcast_in_dim3A_20, %scan3A_81 = %broadcast_in_dim3A_22) -> (vector<4x32x128xf32>, vector<4x1x1xi32>)  : i32 {
      %eq3A_82 = vector.broadcast %scan3A_81 : vector<4x1x1xi32> to vector<4x32x128xi32>
      %eq3A_83 = arith.cmpi eq, %add3A, %eq3A_82 : vector<4x32x128xi32>
      %jit3A_84 = arith.constant 0.000000e+00 : f32
      %broadcast_in_dim3A_85 = vector.broadcast %jit3A_84 : f32 to vector<4x32x128xf32>
      %select_n3A_86 = arith.select %eq3A_83, %get3A_2, %broadcast_in_dim3A_85 : vector<4x32x128xi1>, vector<4x32x128xf32>
      %reduce_sum3A_87 = arith.constant dense<0.000000e+00> : vector<4xf32>
      %reduce_sum3A_88 = vector.multi_reduction <add>, %select_n3A_86, %reduce_sum3A_87 [1, 2] : vector<4x32x128xf32> to vector<4xf32>
      %broadcast_in_dim3A_89 = vector.shape_cast %reduce_sum3A_88 : vector<4xf32> to vector<4x1x1xf32>
      %jit3A_90 = arith.constant 0.000000e+00 : f32
      %broadcast_in_dim3A_91 = vector.broadcast %jit3A_90 : f32 to vector<4x32x128xf32>
      %select_n3A_92 = arith.select %eq3A_83, %get3A_6, %broadcast_in_dim3A_91 : vector<4x32x128xi1>, vector<4x32x128xf32>
      %reduce_sum3A_93 = arith.constant dense<0.000000e+00> : vector<4xf32>
      %reduce_sum3A_94 = vector.multi_reduction <add>, %select_n3A_92, %reduce_sum3A_93 [1, 2] : vector<4x32x128xf32> to vector<4xf32>
      %broadcast_in_dim3A_95 = vector.shape_cast %reduce_sum3A_94 : vector<4xf32> to vector<4x1x1xf32>
      %jit3A_96 = arith.constant 0.000000e+00 : f32
      %broadcast_in_dim3A_97 = vector.broadcast %jit3A_96 : f32 to vector<4x32x128xf32>
      %select_n3A_98 = arith.select %eq3A_83, %get3A_10, %broadcast_in_dim3A_97 : vector<4x32x128xi1>, vector<4x32x128xf32>
      %reduce_sum3A_99 = arith.constant dense<0.000000e+00> : vector<4xf32>
      %reduce_sum3A_100 = vector.multi_reduction <add>, %select_n3A_98, %reduce_sum3A_99 [1, 2] : vector<4x32x128xf32> to vector<4xf32>
      %broadcast_in_dim3A_101 = vector.shape_cast %reduce_sum3A_100 : vector<4xf32> to vector<4x1x1xf32>
      %sub3A = arith.constant 1 : i32
      %sub3A_102 = arith.subi %scan3A_79, %sub3A : i32
      %eq3A_103 = vector.broadcast %sub3A_102 : i32 to vector<4x8x128xi32>
      %eq3A_104 = arith.cmpi eq, %add3A_19, %eq3A_103 : vector<4x8x128xi32>
      %get3A_105 = arith.constant 0 : index
      %get3A_106 = arith.constant 0 : index
      %get3A_107 = arith.constant 0 : index
      %get3A_108 = vector.load %arg3[%get3A_105, %get3A_106, %get3A_107] : memref<4x8x128xf32, #tpu.memory_space<vmem>>, vector<4x8x128xf32>
      %broadcast_in_dim3A_109 = vector.shape_cast %broadcast_in_dim3A_89 : vector<4x1x1xf32> to vector<4x1x1xf32>
      %broadcast_in_dim3A_110 = vector.broadcast %broadcast_in_dim3A_109 : vector<4x1x1xf32> to vector<4x8x128xf32>
      %select_n3A_111 = arith.select %eq3A_104, %broadcast_in_dim3A_110, %get3A_108 : vector<4x8x128xi1>, vector<4x8x128xf32>
      %swap3A_112 = arith.constant 0 : index
      %swap3A_113 = arith.constant 0 : index
      %swap3A_114 = arith.constant 0 : index
      %swap3A_115 = vector.load %arg3[%swap3A_112, %swap3A_113, %swap3A_114] : memref<4x8x128xf32, #tpu.memory_space<vmem>>, vector<4x8x128xf32>
      tpu.vector_store %arg3[%swap3A_112, %swap3A_113, %swap3A_114], %select_n3A_111 {strides = array<i32>} : memref<4x8x128xf32, #tpu.memory_space<vmem>>, vector<4x8x128xf32>,
      %get3A_116 = arith.constant 0 : index
      %get3A_117 = arith.constant 0 : index
      %get3A_118 = arith.constant 0 : index
      %get3A_119 = vector.load %arg4[%get3A_116, %get3A_117, %get3A_118] : memref<4x8x128xf32, #tpu.memory_space<vmem>>, vector<4x8x128xf32>
      %broadcast_in_dim3A_120 = vector.shape_cast %broadcast_in_dim3A_95 : vector<4x1x1xf32> to vector<4x1x1xf32>
      %broadcast_in_dim3A_121 = vector.broadcast %broadcast_in_dim3A_120 : vector<4x1x1xf32> to vector<4x8x128xf32>
      %select_n3A_122 = arith.select %eq3A_104, %broadcast_in_dim3A_121, %get3A_119 : vector<4x8x128xi1>, vector<4x8x128xf32>
      %swap3A_123 = arith.constant 0 : index
      %swap3A_124 = arith.constant 0 : index
      %swap3A_125 = arith.constant 0 : index
      %swap3A_126 = vector.load %arg4[%swap3A_123, %swap3A_124, %swap3A_125] : memref<4x8x128xf32, #tpu.memory_space<vmem>>, vector<4x8x128xf32>
      tpu.vector_store %arg4[%swap3A_123, %swap3A_124, %swap3A_125], %select_n3A_122 {strides = array<i32>} : memref<4x8x128xf32, #tpu.memory_space<vmem>>, vector<4x8x128xf32>,
      %get3A_127 = arith.constant 0 : index
      %get3A_128 = arith.constant 0 : index
      %get3A_129 = arith.constant 0 : index
      %get3A_130 = vector.load %arg5[%get3A_127, %get3A_128, %get3A_129] : memref<4x8x128xf32, #tpu.memory_space<vmem>>, vector<4x8x128xf32>
      %broadcast_in_dim3A_131 = vector.shape_cast %broadcast_in_dim3A_101 : vector<4x1x1xf32> to vector<4x1x1xf32>
      %broadcast_in_dim3A_132 = vector.broadcast %broadcast_in_dim3A_131 : vector<4x1x1xf32> to vector<4x8x128xf32>
      %select_n3A_133 = arith.select %eq3A_104, %broadcast_in_dim3A_132, %get3A_130 : vector<4x8x128xi1>, vector<4x8x128xf32>
      %swap3A_134 = arith.constant 0 : index
      %swap3A_135 = arith.constant 0 : index
      %swap3A_136 = arith.constant 0 : index
      %swap3A_137 = vector.load %arg5[%swap3A_134, %swap3A_135, %swap3A_136] : memref<4x8x128xf32, #tpu.memory_space<vmem>>, vector<4x8x128xf32>
      tpu.vector_store %arg5[%swap3A_134, %swap3A_135, %swap3A_136], %select_n3A_133 {strides = array<i32>} : memref<4x8x128xf32, #tpu.memory_space<vmem>>, vector<4x8x128xf32>,
      %sub3A_138 = vector.broadcast %broadcast_in_dim3A_89 : vector<4x1x1xf32> to vector<4x32x128xf32>
      %sub3A_139 = arith.subf %get3A_2, %sub3A_138 : vector<4x32x128xf32>
      %integer_pow3A = arith.mulf %sub3A_139, %sub3A_139 : vector<4x32x128xf32>
      %sub3A_140 = vector.broadcast %broadcast_in_dim3A_95 : vector<4x1x1xf32> to vector<4x32x128xf32>
      %sub3A_141 = arith.subf %get3A_6, %sub3A_140 : vector<4x32x128xf32>
      %integer_pow3A_142 = arith.mulf %sub3A_141, %sub3A_141 : vector<4x32x128xf32>
      %add3A_143 = arith.addf %integer_pow3A, %integer_pow3A_142 : vector<4x32x128xf32>
      %sub3A_144 = vector.broadcast %broadcast_in_dim3A_101 : vector<4x1x1xf32> to vector<4x32x128xf32>
      %sub3A_145 = arith.subf %get3A_10, %sub3A_144 : vector<4x32x128xf32>
      %integer_pow3A_146 = arith.mulf %sub3A_145, %sub3A_145 : vector<4x32x128xf32>
      %add3A_147 = arith.addf %add3A_143, %integer_pow3A_146 : vector<4x32x128xf32>
      %min3A = arith.minimumf %scan3A_80, %add3A_147 : vector<4x32x128xf32>
      %reduce_max3A = arith.constant dense<0xFF800000> : vector<4xf32>
      %reduce_max3A_148 = vector.multi_reduction <maximumf>, %min3A, %reduce_max3A [1, 2] : vector<4x32x128xf32> to vector<4xf32>
      %broadcast_in_dim3A_149 = vector.shape_cast %reduce_max3A_148 : vector<4xf32> to vector<4x1x1xf32>
      %eq3A_150 = vector.broadcast %broadcast_in_dim3A_149 : vector<4x1x1xf32> to vector<4x32x128xf32>
      %eq3A_151 = arith.cmpf oeq, %min3A, %eq3A_150 : vector<4x32x128xf32>
      %jit3A_152 = arith.constant 4096 : i32
      %broadcast_in_dim3A_153 = vector.broadcast %jit3A_152 : i32 to vector<4x32x128xi32>
      %select_n3A_154 = arith.select %eq3A_151, %add3A, %broadcast_in_dim3A_153 : vector<4x32x128xi1>, vector<4x32x128xi32>
      %reduce_min3A = arith.constant dense<2147483647> : vector<4xi32>
      %reduce_min3A_155 = vector.multi_reduction <minsi>, %select_n3A_154, %reduce_min3A [1, 2] : vector<4x32x128xi32> to vector<4xi32>
      %broadcast_in_dim3A_156 = vector.shape_cast %reduce_min3A_155 : vector<4xi32> to vector<4x1x1xi32>
      scf.yield %min3A, %broadcast_in_dim3A_156 : vector<4x32x128xf32>, vector<4x1x1xi32>
    }
    %scan3A_27 = arith.constant 1023 : i32
    %eq3A = vector.broadcast %scan3A_26#1 : vector<4x1x1xi32> to vector<4x32x128xi32>
    %eq3A_28 = arith.cmpi eq, %add3A, %eq3A : vector<4x32x128xi32>
    %jit3A = arith.constant 0.000000e+00 : f32
    %broadcast_in_dim3A_29 = vector.broadcast %jit3A : f32 to vector<4x32x128xf32>
    %select_n3A = arith.select %eq3A_28, %get3A_2, %broadcast_in_dim3A_29 : vector<4x32x128xi1>, vector<4x32x128xf32>
    %reduce_sum3A = arith.constant dense<0.000000e+00> : vector<4xf32>
    %reduce_sum3A_30 = vector.multi_reduction <add>, %select_n3A, %reduce_sum3A [1, 2] : vector<4x32x128xf32> to vector<4xf32>
    %broadcast_in_dim3A_31 = vector.shape_cast %reduce_sum3A_30 : vector<4xf32> to vector<4x1x1xf32>
    %jit3A_32 = arith.constant 0.000000e+00 : f32
    %broadcast_in_dim3A_33 = vector.broadcast %jit3A_32 : f32 to vector<4x32x128xf32>
    %select_n3A_34 = arith.select %eq3A_28, %get3A_6, %broadcast_in_dim3A_33 : vector<4x32x128xi1>, vector<4x32x128xf32>
    %reduce_sum3A_35 = arith.constant dense<0.000000e+00> : vector<4xf32>
    %reduce_sum3A_36 = vector.multi_reduction <add>, %select_n3A_34, %reduce_sum3A_35 [1, 2] : vector<4x32x128xf32> to vector<4xf32>
    %broadcast_in_dim3A_37 = vector.shape_cast %reduce_sum3A_36 : vector<4xf32> to vector<4x1x1xf32>
    %jit3A_38 = arith.constant 0.000000e+00 : f32
    %broadcast_in_dim3A_39 = vector.broadcast %jit3A_38 : f32 to vector<4x32x128xf32>
    %select_n3A_40 = arith.select %eq3A_28, %get3A_10, %broadcast_in_dim3A_39 : vector<4x32x128xi1>, vector<4x32x128xf32>
    %reduce_sum3A_41 = arith.constant dense<0.000000e+00> : vector<4xf32>
    %reduce_sum3A_42 = vector.multi_reduction <add>, %select_n3A_40, %reduce_sum3A_41 [1, 2] : vector<4x32x128xf32> to vector<4xf32>
    %broadcast_in_dim3A_43 = vector.shape_cast %reduce_sum3A_42 : vector<4xf32> to vector<4x1x1xf32>
    %eq3A_44 = arith.constant 1023 : i32
    %eq3A_45 = vector.broadcast %eq3A_44 : i32 to vector<4x8x128xi32>
    %eq3A_46 = arith.cmpi eq, %add3A_19, %eq3A_45 : vector<4x8x128xi32>
    %get3A_47 = arith.constant 0 : index
    %get3A_48 = arith.constant 0 : index
    %get3A_49 = arith.constant 0 : index
    %get3A_50 = vector.load %arg3[%get3A_47, %get3A_48, %get3A_49] : memref<4x8x128xf32, #tpu.memory_space<vmem>>, vector<4x8x128xf32>
    %broadcast_in_dim3A_51 = vector.shape_cast %broadcast_in_dim3A_31 : vector<4x1x1xf32> to vector<4x1x1xf32>
    %broadcast_in_dim3A_52 = vector.broadcast %broadcast_in_dim3A_51 : vector<4x1x1xf32> to vector<4x8x128xf32>
    %select_n3A_53 = arith.select %eq3A_46, %broadcast_in_dim3A_52, %get3A_50 : vector<4x8x128xi1>, vector<4x8x128xf32>
    %swap3A = arith.constant 0 : index
    %swap3A_54 = arith.constant 0 : index
    %swap3A_55 = arith.constant 0 : index
    %swap3A_56 = vector.load %arg3[%swap3A, %swap3A_54, %swap3A_55] : memref<4x8x128xf32, #tpu.memory_space<vmem>>, vector<4x8x128xf32>
    tpu.vector_store %arg3[%swap3A, %swap3A_54, %swap3A_55], %select_n3A_53 {strides = array<i32>} : memref<4x8x128xf32, #tpu.memory_space<vmem>>, vector<4x8x128xf32>,
    %get3A_57 = arith.constant 0 : index
    %get3A_58 = arith.constant 0 : index
    %get3A_59 = arith.constant 0 : index
    %get3A_60 = vector.load %arg4[%get3A_57, %get3A_58, %get3A_59] : memref<4x8x128xf32, #tpu.memory_space<vmem>>, vector<4x8x128xf32>
    %broadcast_in_dim3A_61 = vector.shape_cast %broadcast_in_dim3A_37 : vector<4x1x1xf32> to vector<4x1x1xf32>
    %broadcast_in_dim3A_62 = vector.broadcast %broadcast_in_dim3A_61 : vector<4x1x1xf32> to vector<4x8x128xf32>
    %select_n3A_63 = arith.select %eq3A_46, %broadcast_in_dim3A_62, %get3A_60 : vector<4x8x128xi1>, vector<4x8x128xf32>
    %swap3A_64 = arith.constant 0 : index
    %swap3A_65 = arith.constant 0 : index
    %swap3A_66 = arith.constant 0 : index
    %swap3A_67 = vector.load %arg4[%swap3A_64, %swap3A_65, %swap3A_66] : memref<4x8x128xf32, #tpu.memory_space<vmem>>, vector<4x8x128xf32>
    tpu.vector_store %arg4[%swap3A_64, %swap3A_65, %swap3A_66], %select_n3A_63 {strides = array<i32>} : memref<4x8x128xf32, #tpu.memory_space<vmem>>, vector<4x8x128xf32>,
    %get3A_68 = arith.constant 0 : index
    %get3A_69 = arith.constant 0 : index
    %get3A_70 = arith.constant 0 : index
    %get3A_71 = vector.load %arg5[%get3A_68, %get3A_69, %get3A_70] : memref<4x8x128xf32, #tpu.memory_space<vmem>>, vector<4x8x128xf32>
    %broadcast_in_dim3A_72 = vector.shape_cast %broadcast_in_dim3A_43 : vector<4x1x1xf32> to vector<4x1x1xf32>
    %broadcast_in_dim3A_73 = vector.broadcast %broadcast_in_dim3A_72 : vector<4x1x1xf32> to vector<4x8x128xf32>
    %select_n3A_74 = arith.select %eq3A_46, %broadcast_in_dim3A_73, %get3A_71 : vector<4x8x128xi1>, vector<4x8x128xf32>
    %swap3A_75 = arith.constant 0 : index
    %swap3A_76 = arith.constant 0 : index
    %swap3A_77 = arith.constant 0 : index
    %swap3A_78 = vector.load %arg5[%swap3A_75, %swap3A_76, %swap3A_77] : memref<4x8x128xf32, #tpu.memory_space<vmem>>, vector<4x8x128xf32>
    tpu.vector_store %arg5[%swap3A_75, %swap3A_76, %swap3A_77], %select_n3A_74 {strides = array<i32>} : memref<4x8x128xf32, #tpu.memory_space<vmem>>, vector<4x8x128xf32>,
    return
  }
}

module attributes {stable_mosaic.version = 14 : i64} {
  func.func @body(%arg0: i32, %arg1: i32, %arg2: memref<1x1x4096xf32, #tpu.memory_space<vmem>>, %arg3: memref<1x1x4096xf32, #tpu.memory_space<vmem>>, %arg4: memref<1x1x4096xf32, #tpu.memory_space<vmem>>, %arg5: memref<1x64x1xf32, #tpu.memory_space<vmem>>, %arg6: memref<1x64x1xf32, #tpu.memory_space<vmem>>, %arg7: memref<1x64x1xf32, #tpu.memory_space<vmem>>, %arg8: memref<1x64x64xi32, #tpu.memory_space<vmem>>, %arg9: memref<1x64x64xf32, #tpu.memory_space<vmem>>) attributes {dimension_semantics = [#tpu.dimension_semantics<arbitrary>, #tpu.dimension_semantics<arbitrary>], iteration_bounds = array<i64: 4, 16>, scalar_prefetch = 0 : i64, scratch_operands = 0 : i64, tpu.core_type = #tpu.core_type<tc>, window_params = [{transform_indices = @transform_0, window_bounds = array<i64: 1, 1, 4096>}, {transform_indices = @transform_1, window_bounds = array<i64: 1, 1, 4096>}, {transform_indices = @transform_2, window_bounds = array<i64: 1, 1, 4096>}, {transform_indices = @transform_3, window_bounds = array<i64: 1, 64, 1>}, {transform_indices = @transform_4, window_bounds = array<i64: 1, 64, 1>}, {transform_indices = @transform_5, window_bounds = array<i64: 1, 64, 1>}, {transform_indices = @transform_6, window_bounds = array<i64: 1, 64, 64>}, {transform_indices = @transform_7, window_bounds = array<i64: 1, 64, 64>}]} {
    %get3A = arith.constant 0 : index
    %get3A_0 = arith.constant 0 : index
    %get3A_1 = arith.constant 0 : index
    %get3A_2 = vector.load %arg2[%get3A, %get3A_0, %get3A_1] : memref<1x1x4096xf32, #tpu.memory_space<vmem>>, vector<1x1x4096xf32>
    %get3A_3 = vector.shape_cast %get3A_2 : vector<1x1x4096xf32> to vector<1x4096xf32>
    %get3A_4 = arith.constant 0 : index
    %get3A_5 = arith.constant 0 : index
    %get3A_6 = arith.constant 0 : index
    %get3A_7 = vector.load %arg3[%get3A_4, %get3A_5, %get3A_6] : memref<1x1x4096xf32, #tpu.memory_space<vmem>>, vector<1x1x4096xf32>
    %get3A_8 = vector.shape_cast %get3A_7 : vector<1x1x4096xf32> to vector<1x4096xf32>
    %get3A_9 = arith.constant 0 : index
    %get3A_10 = arith.constant 0 : index
    %get3A_11 = arith.constant 0 : index
    %get3A_12 = vector.load %arg4[%get3A_9, %get3A_10, %get3A_11] : memref<1x1x4096xf32, #tpu.memory_space<vmem>>, vector<1x1x4096xf32>
    %get3A_13 = vector.shape_cast %get3A_12 : vector<1x1x4096xf32> to vector<1x4096xf32>
    %get3A_14 = arith.constant 0 : index
    %get3A_15 = arith.constant 0 : index
    %get3A_16 = arith.constant 0 : index
    %get3A_17 = vector.load %arg5[%get3A_14, %get3A_15, %get3A_16] : memref<1x64x1xf32, #tpu.memory_space<vmem>>, vector<1x64x1xf32>
    %get3A_18 = vector.shape_cast %get3A_17 : vector<1x64x1xf32> to vector<64x1xf32>
    %get3A_19 = arith.constant 0 : index
    %get3A_20 = arith.constant 0 : index
    %get3A_21 = arith.constant 0 : index
    %get3A_22 = vector.load %arg6[%get3A_19, %get3A_20, %get3A_21] : memref<1x64x1xf32, #tpu.memory_space<vmem>>, vector<1x64x1xf32>
    %get3A_23 = vector.shape_cast %get3A_22 : vector<1x64x1xf32> to vector<64x1xf32>
    %get3A_24 = arith.constant 0 : index
    %get3A_25 = arith.constant 0 : index
    %get3A_26 = arith.constant 0 : index
    %get3A_27 = vector.load %arg7[%get3A_24, %get3A_25, %get3A_26] : memref<1x64x1xf32, #tpu.memory_space<vmem>>, vector<1x64x1xf32>
    %get3A_28 = vector.shape_cast %get3A_27 : vector<1x64x1xf32> to vector<64x1xf32>
    %sub3A = vector.broadcast %get3A_18 : vector<64x1xf32> to vector<64x4096xf32>
    %sub3A_29 = vector.broadcast %get3A_3 : vector<1x4096xf32> to vector<64x4096xf32>
    %sub3A_30 = arith.subf %sub3A, %sub3A_29 : vector<64x4096xf32>
    %integer_pow3A = arith.mulf %sub3A_30, %sub3A_30 : vector<64x4096xf32>
    %sub3A_31 = vector.broadcast %get3A_23 : vector<64x1xf32> to vector<64x4096xf32>
    %sub3A_32 = vector.broadcast %get3A_8 : vector<1x4096xf32> to vector<64x4096xf32>
    %sub3A_33 = arith.subf %sub3A_31, %sub3A_32 : vector<64x4096xf32>
    %integer_pow3A_34 = arith.mulf %sub3A_33, %sub3A_33 : vector<64x4096xf32>
    %add3A = arith.addf %integer_pow3A, %integer_pow3A_34 : vector<64x4096xf32>
    %sub3A_35 = vector.broadcast %get3A_28 : vector<64x1xf32> to vector<64x4096xf32>
    %sub3A_36 = vector.broadcast %get3A_13 : vector<1x4096xf32> to vector<64x4096xf32>
    %sub3A_37 = arith.subf %sub3A_35, %sub3A_36 : vector<64x4096xf32>
    %integer_pow3A_38 = arith.mulf %sub3A_37, %sub3A_37 : vector<64x4096xf32>
    %add3A_39 = arith.addf %add3A, %integer_pow3A_38 : vector<64x4096xf32>
    %le3A = arith.constant 2.500000e-03 : f32
    %le3A_40 = vector.broadcast %le3A : f32 to vector<64x4096xf32>
    %le3A_41 = arith.cmpf ole, %add3A_39, %le3A_40 : vector<64x4096xf32>
    %jit3A = arith.constant 0x7F800000 : f32
    %broadcast_in_dim3A = vector.broadcast %jit3A : f32 to vector<64x4096xf32>
    %select_n3A = arith.select %le3A_41, %add3A_39, %broadcast_in_dim3A : vector<64x4096xi1>, vector<64x4096xf32>
    %iota3A = tpu.iota {dimensions = array<i32: 1>} : vector<64x4096xi32>
    %iota3A_42 = tpu.iota {dimensions = array<i32: 1>} : vector<64x64xi32>
    %lt3A = arith.constant 0x7F800000 : f32
    %lt3A_43 = vector.broadcast %lt3A : f32 to vector<64x4096xf32>
    %lt3A_44 = arith.cmpf olt, %select_n3A, %lt3A_43 : vector<64x4096xf32>
    %jit3A_45 = arith.constant 1 : i32
    %jit3A_46 = arith.constant 0 : i32
    %broadcast_in_dim3A_47 = vector.broadcast %jit3A_45 : i32 to vector<64x4096xi32>
    %broadcast_in_dim3A_48 = vector.broadcast %jit3A_46 : i32 to vector<64x4096xi32>
    %select_n3A_49 = arith.select %lt3A_44, %broadcast_in_dim3A_47, %broadcast_in_dim3A_48 : vector<64x4096xi1>, vector<64x4096xi32>
    %reduce_sum3A = arith.constant dense<0> : vector<64xi32>
    %reduce_sum3A_50 = vector.multi_reduction <add>, %select_n3A_49, %reduce_sum3A [1] : vector<64x4096xi32> to vector<64xi32>
    %reduce_max3A = vector.shape_cast %reduce_sum3A_50 : vector<64xi32> to vector<1x64xi32>
    %reduce_max3A_51 = arith.constant dense<-2147483648> : vector<1xi32>
    %reduce_max3A_52 = vector.multi_reduction <maxsi>, %reduce_max3A, %reduce_max3A_51 [1] : vector<1x64xi32> to vector<1xi32>
    %reduce_max3A_53 = vector.shape_cast %reduce_max3A_52 : vector<1xi32> to vector<1x1xi32>
    %reduce_max3A_54 = vector.extract %reduce_max3A_53[0, 0] : i32 from vector<1x1xi32>
    %min3A = arith.constant 64 : i32
    %min3A_55 = arith.minsi %reduce_max3A_54, %min3A : i32
    %broadcast_in_dim3A_56 = arith.constant 0 : i32
    %broadcast_in_dim3A_57 = vector.broadcast %broadcast_in_dim3A_56 : i32 to vector<64x64xi32>
    %broadcast_in_dim3A_58 = arith.constant 0.000000e+00 : f32
    %broadcast_in_dim3A_59 = vector.broadcast %broadcast_in_dim3A_58 : f32 to vector<64x64xf32>
    %while3A = arith.constant 0 : i32
    %while3A_60 = arith.subi %min3A_55, %while3A : i32
    %while3A_61 = arith.addi %while3A, %while3A_60 : i32
    %while3A_62 = arith.constant 1 : i32
    %while3A_63 = arith.divsi %while3A_60, %while3A_62 : i32
    %while3A_64 = arith.muli %while3A_63, %while3A_62 : i32
    %while3A_65 = arith.addi %while3A, %while3A_64 : i32
    %while3A_66 = arith.constant 1 : i32
    %while3A_67:3 = scf.for %while3A_96 = %while3A to %while3A_65 step %while3A_66 iter_args(%while3A_97 = %select_n3A, %while3A_98 = %broadcast_in_dim3A_57, %while3A_99 = %broadcast_in_dim3A_59) -> (vector<64x4096xf32>, vector<64x64xi32>, vector<64x64xf32>)  : i32 {
      %reduce_min3A = arith.constant dense<0x7F800000> : vector<64xf32>
      %reduce_min3A_100 = vector.multi_reduction <minimumf>, %while3A_97, %reduce_min3A [1] : vector<64x4096xf32> to vector<64xf32>
      %broadcast_in_dim3A_101 = vector.shape_cast %reduce_min3A_100 : vector<64xf32> to vector<64x1xf32>
      %eq3A_102 = vector.broadcast %broadcast_in_dim3A_101 : vector<64x1xf32> to vector<64x4096xf32>
      %eq3A_103 = arith.cmpf oeq, %while3A_97, %eq3A_102 : vector<64x4096xf32>
      %jit3A_104 = arith.constant 4096 : i32
      %broadcast_in_dim3A_105 = vector.broadcast %jit3A_104 : i32 to vector<64x4096xi32>
      %select_n3A_106 = arith.select %eq3A_103, %iota3A, %broadcast_in_dim3A_105 : vector<64x4096xi1>, vector<64x4096xi32>
      %reduce_min3A_107 = arith.constant dense<2147483647> : vector<64xi32>
      %reduce_min3A_108 = vector.multi_reduction <minsi>, %select_n3A_106, %reduce_min3A_107 [1] : vector<64x4096xi32> to vector<64xi32>
      %broadcast_in_dim3A_109 = vector.shape_cast %reduce_min3A_108 : vector<64xi32> to vector<64x1xi32>
      %lt3A_110 = arith.constant 0x7F800000 : f32
      %lt3A_111 = vector.broadcast %lt3A_110 : f32 to vector<64x1xf32>
      %lt3A_112 = arith.cmpf olt, %broadcast_in_dim3A_101, %lt3A_111 : vector<64x1xf32>
      %eq3A_113 = vector.broadcast %while3A_96 : i32 to vector<64x64xi32>
      %eq3A_114 = arith.cmpi eq, %iota3A_42, %eq3A_113 : vector<64x64xi32>
      %broadcast_in_dim3A_115 = vector.shape_cast %broadcast_in_dim3A_109 : vector<64x1xi32> to vector<64x1xi32>
      %broadcast_in_dim3A_116 = vector.broadcast %broadcast_in_dim3A_115 : vector<64x1xi32> to vector<64x64xi32>
      %select_n3A_117 = arith.select %eq3A_114, %broadcast_in_dim3A_116, %while3A_98 : vector<64x64xi1>, vector<64x64xi32>
      %eq3A_118 = vector.broadcast %while3A_96 : i32 to vector<64x64xi32>
      %eq3A_119 = arith.cmpi eq, %iota3A_42, %eq3A_118 : vector<64x64xi32>
      %jit3A_120 = arith.constant 1.000000e+00 : f32
      %jit3A_121 = arith.constant 0.000000e+00 : f32
      %broadcast_in_dim3A_122 = vector.broadcast %jit3A_120 : f32 to vector<64x1xf32>
      %broadcast_in_dim3A_123 = vector.broadcast %jit3A_121 : f32 to vector<64x1xf32>
      %select_n3A_124 = arith.select %lt3A_112, %broadcast_in_dim3A_122, %broadcast_in_dim3A_123 : vector<64x1xi1>, vector<64x1xf32>
      %broadcast_in_dim3A_125 = vector.shape_cast %select_n3A_124 : vector<64x1xf32> to vector<64x1xf32>
      %broadcast_in_dim3A_126 = vector.broadcast %broadcast_in_dim3A_125 : vector<64x1xf32> to vector<64x64xf32>
      %select_n3A_127 = arith.select %eq3A_119, %broadcast_in_dim3A_126, %while3A_99 : vector<64x64xi1>, vector<64x64xf32>
      %eq3A_128 = vector.broadcast %broadcast_in_dim3A_109 : vector<64x1xi32> to vector<64x4096xi32>
      %eq3A_129 = arith.cmpi eq, %iota3A, %eq3A_128 : vector<64x4096xi32>
      %jit3A_130 = arith.constant 0x7F800000 : f32
      %broadcast_in_dim3A_131 = vector.broadcast %jit3A_130 : f32 to vector<64x4096xf32>
      %select_n3A_132 = arith.select %eq3A_129, %broadcast_in_dim3A_131, %while3A_97 : vector<64x4096xi1>, vector<64x4096xf32>
      scf.yield %select_n3A_132, %select_n3A_117, %select_n3A_127 : vector<64x4096xf32>, vector<64x64xi32>, vector<64x64xf32>
    }
    %while3A_68 = arith.constant 1 : i32
    %while3A_69:3 = scf.for %while3A_96 = %while3A_65 to %while3A_61 step %while3A_68 iter_args(%while3A_97 = %while3A_67#0, %while3A_98 = %while3A_67#1, %while3A_99 = %while3A_67#2) -> (vector<64x4096xf32>, vector<64x64xi32>, vector<64x64xf32>)  : i32 {
      %reduce_min3A = arith.constant dense<0x7F800000> : vector<64xf32>
      %reduce_min3A_100 = vector.multi_reduction <minimumf>, %while3A_97, %reduce_min3A [1] : vector<64x4096xf32> to vector<64xf32>
      %broadcast_in_dim3A_101 = vector.shape_cast %reduce_min3A_100 : vector<64xf32> to vector<64x1xf32>
      %eq3A_102 = vector.broadcast %broadcast_in_dim3A_101 : vector<64x1xf32> to vector<64x4096xf32>
      %eq3A_103 = arith.cmpf oeq, %while3A_97, %eq3A_102 : vector<64x4096xf32>
      %jit3A_104 = arith.constant 4096 : i32
      %broadcast_in_dim3A_105 = vector.broadcast %jit3A_104 : i32 to vector<64x4096xi32>
      %select_n3A_106 = arith.select %eq3A_103, %iota3A, %broadcast_in_dim3A_105 : vector<64x4096xi1>, vector<64x4096xi32>
      %reduce_min3A_107 = arith.constant dense<2147483647> : vector<64xi32>
      %reduce_min3A_108 = vector.multi_reduction <minsi>, %select_n3A_106, %reduce_min3A_107 [1] : vector<64x4096xi32> to vector<64xi32>
      %broadcast_in_dim3A_109 = vector.shape_cast %reduce_min3A_108 : vector<64xi32> to vector<64x1xi32>
      %lt3A_110 = arith.constant 0x7F800000 : f32
      %lt3A_111 = vector.broadcast %lt3A_110 : f32 to vector<64x1xf32>
      %lt3A_112 = arith.cmpf olt, %broadcast_in_dim3A_101, %lt3A_111 : vector<64x1xf32>
      %eq3A_113 = vector.broadcast %while3A_96 : i32 to vector<64x64xi32>
      %eq3A_114 = arith.cmpi eq, %iota3A_42, %eq3A_113 : vector<64x64xi32>
      %broadcast_in_dim3A_115 = vector.shape_cast %broadcast_in_dim3A_109 : vector<64x1xi32> to vector<64x1xi32>
      %broadcast_in_dim3A_116 = vector.broadcast %broadcast_in_dim3A_115 : vector<64x1xi32> to vector<64x64xi32>
      %select_n3A_117 = arith.select %eq3A_114, %broadcast_in_dim3A_116, %while3A_98 : vector<64x64xi1>, vector<64x64xi32>
      %eq3A_118 = vector.broadcast %while3A_96 : i32 to vector<64x64xi32>
      %eq3A_119 = arith.cmpi eq, %iota3A_42, %eq3A_118 : vector<64x64xi32>
      %jit3A_120 = arith.constant 1.000000e+00 : f32
      %jit3A_121 = arith.constant 0.000000e+00 : f32
      %broadcast_in_dim3A_122 = vector.broadcast %jit3A_120 : f32 to vector<64x1xf32>
      %broadcast_in_dim3A_123 = vector.broadcast %jit3A_121 : f32 to vector<64x1xf32>
      %select_n3A_124 = arith.select %lt3A_112, %broadcast_in_dim3A_122, %broadcast_in_dim3A_123 : vector<64x1xi1>, vector<64x1xf32>
      %broadcast_in_dim3A_125 = vector.shape_cast %select_n3A_124 : vector<64x1xf32> to vector<64x1xf32>
      %broadcast_in_dim3A_126 = vector.broadcast %broadcast_in_dim3A_125 : vector<64x1xf32> to vector<64x64xf32>
      %select_n3A_127 = arith.select %eq3A_119, %broadcast_in_dim3A_126, %while3A_99 : vector<64x64xi1>, vector<64x64xf32>
      %eq3A_128 = vector.broadcast %broadcast_in_dim3A_109 : vector<64x1xi32> to vector<64x4096xi32>
      %eq3A_129 = arith.cmpi eq, %iota3A, %eq3A_128 : vector<64x4096xi32>
      %jit3A_130 = arith.constant 0x7F800000 : f32
      %broadcast_in_dim3A_131 = vector.broadcast %jit3A_130 : f32 to vector<64x4096xf32>
      %select_n3A_132 = arith.select %eq3A_129, %broadcast_in_dim3A_131, %while3A_97 : vector<64x4096xi1>, vector<64x4096xf32>
      scf.yield %select_n3A_132, %select_n3A_117, %select_n3A_127 : vector<64x4096xf32>, vector<64x64xi32>, vector<64x64xf32>
    }
    %jit3A_70 = arith.constant 2 : i32
    %eq3A = arith.constant 0 : i32
    %eq3A_71 = arith.cmpi eq, %jit3A_70, %eq3A : i32
    %jit3A_72 = arith.constant 1 : i32
    %select_n3A_73 = arith.select %eq3A_71, %jit3A_72, %jit3A_70 : i32
    %rem3A = arith.remsi %arg0, %select_n3A_73 : i32
    %ne3A = arith.constant 0 : i32
    %ne3A_74 = arith.cmpi ne, %rem3A, %ne3A : i32
    %lt3A_75 = arith.constant 0 : i32
    %lt3A_76 = arith.cmpi slt, %rem3A, %lt3A_75 : i32
    %lt3A_77 = arith.constant 0 : i32
    %lt3A_78 = arith.cmpi slt, %select_n3A_73, %lt3A_77 : i32
    %ne3A_79 = arith.xori %lt3A_76, %lt3A_78 : i1
    %and3A = arith.andi %ne3A_79, %ne3A_74 : i1
    %add3A_80 = arith.addi %rem3A, %select_n3A_73 : i32
    %select_n3A_81 = arith.select %and3A, %add3A_80, %rem3A : i32
    %mul3A = arith.constant 4096 : i32
    %mul3A_82 = arith.muli %select_n3A_81, %mul3A : i32
    %add3A_83 = vector.broadcast %mul3A_82 : i32 to vector<64x64xi32>
    %add3A_84 = arith.addi %while3A_69#1, %add3A_83 : vector<64x64xi32>
    %swap3A = arith.constant 0 : index
    %swap3A_85 = arith.constant 0 : index
    %swap3A_86 = arith.constant 0 : index
    %swap3A_87 = vector.load %arg8[%swap3A, %swap3A_85, %swap3A_86] : memref<1x64x64xi32, #tpu.memory_space<vmem>>, vector<1x64x64xi32>
    %swap3A_88 = vector.shape_cast %swap3A_87 : vector<1x64x64xi32> to vector<64x64xi32>
    %swap3A_89 = vector.shape_cast %add3A_84 : vector<64x64xi32> to vector<1x64x64xi32>
    tpu.vector_store %arg8[%swap3A, %swap3A_85, %swap3A_86], %swap3A_89 {strides = array<i32>} : memref<1x64x64xi32, #tpu.memory_space<vmem>>, vector<1x64x64xi32>,
    %swap3A_90 = arith.constant 0 : index
    %swap3A_91 = arith.constant 0 : index
    %swap3A_92 = arith.constant 0 : index
    %swap3A_93 = vector.load %arg9[%swap3A_90, %swap3A_91, %swap3A_92] : memref<1x64x64xf32, #tpu.memory_space<vmem>>, vector<1x64x64xf32>
    %swap3A_94 = vector.shape_cast %swap3A_93 : vector<1x64x64xf32> to vector<64x64xf32>
    %swap3A_95 = vector.shape_cast %while3A_69#2 : vector<64x64xf32> to vector<1x64x64xf32>
    tpu.vector_store %arg9[%swap3A_90, %swap3A_91, %swap3A_92], %swap3A_95 {strides = array<i32>} : memref<1x64x64xf32, #tpu.memory_space<vmem>>, vector<1x64x64xf32>,
    return
  }
  func.func @transform_0(%arg0: i32, %arg1: i32) -> (i32, i32, i32) {
    %c0_i32 = arith.constant 0 : i32
    %c0_i32_0 = arith.constant 0 : i32
    %c0_i32_1 = arith.constant 0 : i32
    return %arg0, %c0_i32, %c0_i32_0 : i32, i32, i32
  }
  func.func @transform_1(%arg0: i32, %arg1: i32) -> (i32, i32, i32) {
    %c0_i32 = arith.constant 0 : i32
    %c0_i32_0 = arith.constant 0 : i32
    %c0_i32_1 = arith.constant 0 : i32
    return %arg0, %c0_i32, %c0_i32_0 : i32, i32, i32
  }
  func.func @transform_2(%arg0: i32, %arg1: i32) -> (i32, i32, i32) {
    %c0_i32 = arith.constant 0 : i32
    %c0_i32_0 = arith.constant 0 : i32
    %c0_i32_1 = arith.constant 0 : i32
    return %arg0, %c0_i32, %c0_i32_0 : i32, i32, i32
  }
  func.func @transform_3(%arg0: i32, %arg1: i32) -> (i32, i32, i32) {
    %c0_i32 = arith.constant 0 : i32
    %c0_i32_0 = arith.constant 0 : i32
    return %arg0, %arg1, %c0_i32 : i32, i32, i32
  }
  func.func @transform_4(%arg0: i32, %arg1: i32) -> (i32, i32, i32) {
    %c0_i32 = arith.constant 0 : i32
    %c0_i32_0 = arith.constant 0 : i32
    return %arg0, %arg1, %c0_i32 : i32, i32, i32
  }
  func.func @transform_5(%arg0: i32, %arg1: i32) -> (i32, i32, i32) {
    %c0_i32 = arith.constant 0 : i32
    %c0_i32_0 = arith.constant 0 : i32
    return %arg0, %arg1, %c0_i32 : i32, i32, i32
  }
  func.func @transform_6(%arg0: i32, %arg1: i32) -> (i32, i32, i32) {
    %c0_i32 = arith.constant 0 : i32
    %c0_i32_0 = arith.constant 0 : i32
    return %arg0, %arg1, %c0_i32 : i32, i32, i32
  }
  func.func @transform_7(%arg0: i32, %arg1: i32) -> (i32, i32, i32) {
    %c0_i32 = arith.constant 0 : i32
    %c0_i32_0 = arith.constant 0 : i32
    return %arg0, %arg1, %c0_i32 : i32, i32, i32
  }
}

module attributes {stable_mosaic.version = 14 : i64} {
  func.func @body(%arg0: i32, %arg1: memref<1x4096x1xi32, #tpu.memory_space<vmem>>, %arg2: memref<3x32xf32, #tpu.memory_space<vmem>>, %arg3: memref<4096x32xf32, #tpu.memory_space<vmem>>, %arg4: memref<1x4096x32xf32, #tpu.memory_space<vmem>>) attributes {dimension_semantics = [#tpu.dimension_semantics<arbitrary>], iteration_bounds = array<i64: 4>, scalar_prefetch = 0 : i64, scratch_operands = 0 : i64, tpu.core_type = #tpu.core_type<tc>, window_params = [{transform_indices = @transform_0, window_bounds = array<i64: 1, 4096, 1>}, {pipeline_mode = #tpu.pipeline_mode<synchronous>, transform_indices = @transform_1, window_bounds = array<i64: 3, 32>}, {pipeline_mode = #tpu.pipeline_mode<synchronous>, transform_indices = @transform_2, window_bounds = array<i64: 4096, 32>}, {transform_indices = @transform_3, window_bounds = array<i64: 1, 4096, 32>}]} {
    %get3A = arith.constant 0 : index
    %get3A_0 = arith.constant 0 : index
    %get3A_1 = arith.constant 0 : index
    %get3A_2 = vector.load %arg1[%get3A, %get3A_0, %get3A_1] : memref<1x4096x1xi32, #tpu.memory_space<vmem>>, vector<1x4096x1xi32>
    %get3A_3 = vector.shape_cast %get3A_2 : vector<1x4096x1xi32> to vector<4096x1xi32>
    %get3A_4 = arith.constant 0 : index
    %get3A_5 = arith.constant 0 : index
    %get3A_6 = vector.load %arg2[%get3A_4, %get3A_5] : memref<3x32xf32, #tpu.memory_space<vmem>>, vector<3x32xf32>
    %get3A_7 = arith.constant 0 : index
    %get3A_8 = arith.constant 0 : index
    %get3A_9 = vector.load %arg3[%get3A_7, %get3A_8] : memref<4096x32xf32, #tpu.memory_space<vmem>>, vector<4096x32xf32>
    %eq3A = arith.constant 0 : i32
    %eq3A_10 = vector.broadcast %eq3A : i32 to vector<4096x1xi32>
    %eq3A_11 = arith.cmpi eq, %get3A_3, %eq3A_10 : vector<4096x1xi32>
    %jit3A = arith.constant 1.000000e+00 : f32
    %jit3A_12 = arith.constant 0.000000e+00 : f32
    %broadcast_in_dim3A = vector.broadcast %jit3A : f32 to vector<4096x1xf32>
    %broadcast_in_dim3A_13 = vector.broadcast %jit3A_12 : f32 to vector<4096x1xf32>
    %select_n3A = arith.select %eq3A_11, %broadcast_in_dim3A, %broadcast_in_dim3A_13 : vector<4096x1xi1>, vector<4096x1xf32>
    %slice3A = vector.extract_strided_slice %get3A_6 {offsets = [0, 0], sizes = [1, 32], strides = [1, 1]} : vector<3x32xf32> to vector<1x32xf32>
    %mul3A = vector.broadcast %select_n3A : vector<4096x1xf32> to vector<4096x32xf32>
    %mul3A_14 = vector.broadcast %slice3A : vector<1x32xf32> to vector<4096x32xf32>
    %mul3A_15 = arith.mulf %mul3A, %mul3A_14 : vector<4096x32xf32>
    %add3A = arith.addf %get3A_9, %mul3A_15 : vector<4096x32xf32>
    %eq3A_16 = arith.constant 1 : i32
    %eq3A_17 = vector.broadcast %eq3A_16 : i32 to vector<4096x1xi32>
    %eq3A_18 = arith.cmpi eq, %get3A_3, %eq3A_17 : vector<4096x1xi32>
    %jit3A_19 = arith.constant 1.000000e+00 : f32
    %jit3A_20 = arith.constant 0.000000e+00 : f32
    %broadcast_in_dim3A_21 = vector.broadcast %jit3A_19 : f32 to vector<4096x1xf32>
    %broadcast_in_dim3A_22 = vector.broadcast %jit3A_20 : f32 to vector<4096x1xf32>
    %select_n3A_23 = arith.select %eq3A_18, %broadcast_in_dim3A_21, %broadcast_in_dim3A_22 : vector<4096x1xi1>, vector<4096x1xf32>
    %slice3A_24 = vector.extract_strided_slice %get3A_6 {offsets = [1, 0], sizes = [1, 32], strides = [1, 1]} : vector<3x32xf32> to vector<1x32xf32>
    %mul3A_25 = vector.broadcast %select_n3A_23 : vector<4096x1xf32> to vector<4096x32xf32>
    %mul3A_26 = vector.broadcast %slice3A_24 : vector<1x32xf32> to vector<4096x32xf32>
    %mul3A_27 = arith.mulf %mul3A_25, %mul3A_26 : vector<4096x32xf32>
    %add3A_28 = arith.addf %add3A, %mul3A_27 : vector<4096x32xf32>
    %eq3A_29 = arith.constant 2 : i32
    %eq3A_30 = vector.broadcast %eq3A_29 : i32 to vector<4096x1xi32>
    %eq3A_31 = arith.cmpi eq, %get3A_3, %eq3A_30 : vector<4096x1xi32>
    %jit3A_32 = arith.constant 1.000000e+00 : f32
    %jit3A_33 = arith.constant 0.000000e+00 : f32
    %broadcast_in_dim3A_34 = vector.broadcast %jit3A_32 : f32 to vector<4096x1xf32>
    %broadcast_in_dim3A_35 = vector.broadcast %jit3A_33 : f32 to vector<4096x1xf32>
    %select_n3A_36 = arith.select %eq3A_31, %broadcast_in_dim3A_34, %broadcast_in_dim3A_35 : vector<4096x1xi1>, vector<4096x1xf32>
    %slice3A_37 = vector.extract_strided_slice %get3A_6 {offsets = [2, 0], sizes = [1, 32], strides = [1, 1]} : vector<3x32xf32> to vector<1x32xf32>
    %mul3A_38 = vector.broadcast %select_n3A_36 : vector<4096x1xf32> to vector<4096x32xf32>
    %mul3A_39 = vector.broadcast %slice3A_37 : vector<1x32xf32> to vector<4096x32xf32>
    %mul3A_40 = arith.mulf %mul3A_38, %mul3A_39 : vector<4096x32xf32>
    %add3A_41 = arith.addf %add3A_28, %mul3A_40 : vector<4096x32xf32>
    %swap3A = arith.constant 0 : index
    %swap3A_42 = arith.constant 0 : index
    %swap3A_43 = arith.constant 0 : index
    %swap3A_44 = vector.load %arg4[%swap3A, %swap3A_42, %swap3A_43] : memref<1x4096x32xf32, #tpu.memory_space<vmem>>, vector<1x4096x32xf32>
    %swap3A_45 = vector.shape_cast %swap3A_44 : vector<1x4096x32xf32> to vector<4096x32xf32>
    %swap3A_46 = vector.shape_cast %add3A_41 : vector<4096x32xf32> to vector<1x4096x32xf32>
    tpu.vector_store %arg4[%swap3A, %swap3A_42, %swap3A_43], %swap3A_46 {strides = array<i32>} : memref<1x4096x32xf32, #tpu.memory_space<vmem>>, vector<1x4096x32xf32>,
    return
  }
  func.func @transform_0(%arg0: i32) -> (i32, i32, i32) {
    %c0_i32 = arith.constant 0 : i32
    %c0_i32_0 = arith.constant 0 : i32
    %c0_i32_1 = arith.constant 0 : i32
    return %arg0, %c0_i32, %c0_i32_0 : i32, i32, i32
  }
  func.func @transform_1(%arg0: i32) -> (i32, i32) {
    %c0_i32 = arith.constant 0 : i32
    %c0_i32_0 = arith.constant 0 : i32
    %c0_i32_1 = arith.constant 0 : i32
    return %c0_i32, %c0_i32_0 : i32, i32
  }
  func.func @transform_2(%arg0: i32) -> (i32, i32) {
    %c0_i32 = arith.constant 0 : i32
    %c0_i32_0 = arith.constant 0 : i32
    %c0_i32_1 = arith.constant 0 : i32
    return %c0_i32, %c0_i32_0 : i32, i32
  }
  func.func @transform_3(%arg0: i32) -> (i32, i32, i32) {
    %c0_i32 = arith.constant 0 : i32
    %c0_i32_0 = arith.constant 0 : i32
    %c0_i32_1 = arith.constant 0 : i32
    return %arg0, %c0_i32, %c0_i32_0 : i32, i32, i32
  }
}

module attributes {stable_mosaic.version = 14 : i64} {
  func.func @body(%arg0: i32, %arg1: memref<2048x35xf32, #tpu.memory_space<vmem>>, %arg2: memref<35x128xf32, #tpu.memory_space<vmem>>, %arg3: memref<1x128xf32, #tpu.memory_space<vmem>>, %arg4: memref<2048x128xf32, #tpu.memory_space<vmem>>) attributes {dimension_semantics = [#tpu.dimension_semantics<arbitrary>], iteration_bounds = array<i64: 8>, scalar_prefetch = 0 : i64, scratch_operands = 0 : i64, tpu.core_type = #tpu.core_type<tc>, window_params = [{transform_indices = @transform_0, window_bounds = array<i64: 2048, 35>}, {pipeline_mode = #tpu.pipeline_mode<synchronous>, transform_indices = @transform_1, window_bounds = array<i64: 35, 128>}, {pipeline_mode = #tpu.pipeline_mode<synchronous>, transform_indices = @transform_2, window_bounds = array<i64: 1, 128>}, {transform_indices = @transform_3, window_bounds = array<i64: 2048, 128>}]} {
    %get3A = arith.constant 0 : index
    %get3A_0 = arith.constant 0 : index
    %get3A_1 = vector.load %arg1[%get3A, %get3A_0] : memref<2048x35xf32, #tpu.memory_space<vmem>>, vector<2048x35xf32>
    %get3A_2 = arith.constant 0 : index
    %get3A_3 = arith.constant 0 : index
    %get3A_4 = vector.load %arg2[%get3A_2, %get3A_3] : memref<35x128xf32, #tpu.memory_space<vmem>>, vector<35x128xf32>
    %dot_general3A = arith.constant dense<0.000000e+00> : vector<2048x128xf32>
    %dot_general3A_5 = tpu.matmul %get3A_1, %get3A_4, %dot_general3A {dimension_numbers = #tpu.dot_dimension_numbers<[1], [0], [0], [1], [0, 0, 1, 1], [], []>, transpose_lhs_hint = false} : vector<2048x35xf32>, vector<35x128xf32>, vector<2048x128xf32> -> vector<2048x128xf32>
    %get3A_6 = arith.constant 0 : index
    %get3A_7 = arith.constant 0 : index
    %get3A_8 = vector.load %arg3[%get3A_6, %get3A_7] : memref<1x128xf32, #tpu.memory_space<vmem>>, vector<1x128xf32>
    %add3A = vector.broadcast %get3A_8 : vector<1x128xf32> to vector<2048x128xf32>
    %add3A_9 = arith.addf %dot_general3A_5, %add3A : vector<2048x128xf32>
    %swap3A = arith.constant 0 : index
    %swap3A_10 = arith.constant 0 : index
    %swap3A_11 = vector.load %arg4[%swap3A, %swap3A_10] : memref<2048x128xf32, #tpu.memory_space<vmem>>, vector<2048x128xf32>
    tpu.vector_store %arg4[%swap3A, %swap3A_10], %add3A_9 {strides = array<i32>} : memref<2048x128xf32, #tpu.memory_space<vmem>>, vector<2048x128xf32>,
    return
  }
  func.func @transform_0(%arg0: i32) -> (i32, i32) {
    %c0_i32 = arith.constant 0 : i32
    %c0_i32_0 = arith.constant 0 : i32
    return %arg0, %c0_i32 : i32, i32
  }
  func.func @transform_1(%arg0: i32) -> (i32, i32) {
    %c0_i32 = arith.constant 0 : i32
    %c0_i32_0 = arith.constant 0 : i32
    %c0_i32_1 = arith.constant 0 : i32
    return %c0_i32, %c0_i32_0 : i32, i32
  }
  func.func @transform_2(%arg0: i32) -> (i32, i32) {
    %c0_i32 = arith.constant 0 : i32
    %c0_i32_0 = arith.constant 0 : i32
    %c0_i32_1 = arith.constant 0 : i32
    return %c0_i32, %c0_i32_0 : i32, i32
  }
  func.func @transform_3(%arg0: i32) -> (i32, i32) {
    %c0_i32 = arith.constant 0 : i32
    %c0_i32_0 = arith.constant 0 : i32
    return %arg0, %c0_i32 : i32, i32
  }
}

module attributes {stable_mosaic.version = 14 : i64} {
  func.func @body(%arg0: memref<4x8x128xf32, #tpu.memory_space<vmem>>, %arg1: memref<4x8x128xf32, #tpu.memory_space<vmem>>, %arg2: memref<4x8x128xf32, #tpu.memory_space<vmem>>, %arg3: memref<4x2x128xf32, #tpu.memory_space<vmem>>, %arg4: memref<4x2x128xf32, #tpu.memory_space<vmem>>, %arg5: memref<4x2x128xf32, #tpu.memory_space<vmem>>) attributes {dimension_semantics = [], scalar_prefetch = 0 : i64, scratch_operands = 0 : i64, tpu.core_type = #tpu.core_type<tc>} {
    %get3A = arith.constant 0 : index
    %get3A_0 = arith.constant 0 : index
    %get3A_1 = arith.constant 0 : index
    %get3A_2 = vector.load %arg0[%get3A, %get3A_0, %get3A_1] : memref<4x8x128xf32, #tpu.memory_space<vmem>>, vector<4x8x128xf32>
    %get3A_3 = arith.constant 0 : index
    %get3A_4 = arith.constant 0 : index
    %get3A_5 = arith.constant 0 : index
    %get3A_6 = vector.load %arg1[%get3A_3, %get3A_4, %get3A_5] : memref<4x8x128xf32, #tpu.memory_space<vmem>>, vector<4x8x128xf32>
    %get3A_7 = arith.constant 0 : index
    %get3A_8 = arith.constant 0 : index
    %get3A_9 = arith.constant 0 : index
    %get3A_10 = vector.load %arg2[%get3A_7, %get3A_8, %get3A_9] : memref<4x8x128xf32, #tpu.memory_space<vmem>>, vector<4x8x128xf32>
    %iota3A = tpu.iota {dimensions = array<i32: 1>} : vector<4x8x128xi32>
    %mul3A = arith.constant 128 : i32
    %mul3A_11 = vector.broadcast %mul3A : i32 to vector<4x8x128xi32>
    %mul3A_12 = arith.muli %iota3A, %mul3A_11 : vector<4x8x128xi32>
    %iota3A_13 = tpu.iota {dimensions = array<i32: 2>} : vector<4x8x128xi32>
    %add3A = arith.addi %mul3A_12, %iota3A_13 : vector<4x8x128xi32>
    %iota3A_14 = tpu.iota {dimensions = array<i32: 1>} : vector<4x2x128xi32>
    %mul3A_15 = arith.constant 128 : i32
    %mul3A_16 = vector.broadcast %mul3A_15 : i32 to vector<4x2x128xi32>
    %mul3A_17 = arith.muli %iota3A_14, %mul3A_16 : vector<4x2x128xi32>
    %iota3A_18 = tpu.iota {dimensions = array<i32: 2>} : vector<4x2x128xi32>
    %add3A_19 = arith.addi %mul3A_17, %iota3A_18 : vector<4x2x128xi32>
    %broadcast_in_dim3A = arith.constant 0x7F800000 : f32
    %broadcast_in_dim3A_20 = vector.broadcast %broadcast_in_dim3A : f32 to vector<4x8x128xf32>
    %broadcast_in_dim3A_21 = arith.constant 0 : i32
    %broadcast_in_dim3A_22 = vector.broadcast %broadcast_in_dim3A_21 : i32 to vector<4x1x1xi32>
    %scan3A = arith.constant 1 : i32
    %scan3A_23 = arith.constant 255 : i32
    %scan3A_24 = arith.addi %scan3A, %scan3A_23 : i32
    %scan3A_25 = arith.constant 1 : i32
    %scan3A_26:2 = scf.for %scan3A_79 = %scan3A to %scan3A_24 step %scan3A_25 iter_args(%scan3A_80 = %broadcast_in_dim3A_20, %scan3A_81 = %broadcast_in_dim3A_22) -> (vector<4x8x128xf32>, vector<4x1x1xi32>)  : i32 {
      %eq3A_82 = vector.broadcast %scan3A_81 : vector<4x1x1xi32> to vector<4x8x128xi32>
      %eq3A_83 = arith.cmpi eq, %add3A, %eq3A_82 : vector<4x8x128xi32>
      %jit3A_84 = arith.constant 0.000000e+00 : f32
      %broadcast_in_dim3A_85 = vector.broadcast %jit3A_84 : f32 to vector<4x8x128xf32>
      %select_n3A_86 = arith.select %eq3A_83, %get3A_2, %broadcast_in_dim3A_85 : vector<4x8x128xi1>, vector<4x8x128xf32>
      %reduce_sum3A_87 = arith.constant dense<0.000000e+00> : vector<4xf32>
      %reduce_sum3A_88 = vector.multi_reduction <add>, %select_n3A_86, %reduce_sum3A_87 [1, 2] : vector<4x8x128xf32> to vector<4xf32>
      %broadcast_in_dim3A_89 = vector.shape_cast %reduce_sum3A_88 : vector<4xf32> to vector<4x1x1xf32>
      %jit3A_90 = arith.constant 0.000000e+00 : f32
      %broadcast_in_dim3A_91 = vector.broadcast %jit3A_90 : f32 to vector<4x8x128xf32>
      %select_n3A_92 = arith.select %eq3A_83, %get3A_6, %broadcast_in_dim3A_91 : vector<4x8x128xi1>, vector<4x8x128xf32>
      %reduce_sum3A_93 = arith.constant dense<0.000000e+00> : vector<4xf32>
      %reduce_sum3A_94 = vector.multi_reduction <add>, %select_n3A_92, %reduce_sum3A_93 [1, 2] : vector<4x8x128xf32> to vector<4xf32>
      %broadcast_in_dim3A_95 = vector.shape_cast %reduce_sum3A_94 : vector<4xf32> to vector<4x1x1xf32>
      %jit3A_96 = arith.constant 0.000000e+00 : f32
      %broadcast_in_dim3A_97 = vector.broadcast %jit3A_96 : f32 to vector<4x8x128xf32>
      %select_n3A_98 = arith.select %eq3A_83, %get3A_10, %broadcast_in_dim3A_97 : vector<4x8x128xi1>, vector<4x8x128xf32>
      %reduce_sum3A_99 = arith.constant dense<0.000000e+00> : vector<4xf32>
      %reduce_sum3A_100 = vector.multi_reduction <add>, %select_n3A_98, %reduce_sum3A_99 [1, 2] : vector<4x8x128xf32> to vector<4xf32>
      %broadcast_in_dim3A_101 = vector.shape_cast %reduce_sum3A_100 : vector<4xf32> to vector<4x1x1xf32>
      %sub3A = arith.constant 1 : i32
      %sub3A_102 = arith.subi %scan3A_79, %sub3A : i32
      %eq3A_103 = vector.broadcast %sub3A_102 : i32 to vector<4x2x128xi32>
      %eq3A_104 = arith.cmpi eq, %add3A_19, %eq3A_103 : vector<4x2x128xi32>
      %get3A_105 = arith.constant 0 : index
      %get3A_106 = arith.constant 0 : index
      %get3A_107 = arith.constant 0 : index
      %get3A_108 = vector.load %arg3[%get3A_105, %get3A_106, %get3A_107] : memref<4x2x128xf32, #tpu.memory_space<vmem>>, vector<4x2x128xf32>
      %broadcast_in_dim3A_109 = vector.shape_cast %broadcast_in_dim3A_89 : vector<4x1x1xf32> to vector<4x1x1xf32>
      %broadcast_in_dim3A_110 = vector.broadcast %broadcast_in_dim3A_109 : vector<4x1x1xf32> to vector<4x2x128xf32>
      %select_n3A_111 = arith.select %eq3A_104, %broadcast_in_dim3A_110, %get3A_108 : vector<4x2x128xi1>, vector<4x2x128xf32>
      %swap3A_112 = arith.constant 0 : index
      %swap3A_113 = arith.constant 0 : index
      %swap3A_114 = arith.constant 0 : index
      %swap3A_115 = vector.load %arg3[%swap3A_112, %swap3A_113, %swap3A_114] : memref<4x2x128xf32, #tpu.memory_space<vmem>>, vector<4x2x128xf32>
      tpu.vector_store %arg3[%swap3A_112, %swap3A_113, %swap3A_114], %select_n3A_111 {strides = array<i32>} : memref<4x2x128xf32, #tpu.memory_space<vmem>>, vector<4x2x128xf32>,
      %get3A_116 = arith.constant 0 : index
      %get3A_117 = arith.constant 0 : index
      %get3A_118 = arith.constant 0 : index
      %get3A_119 = vector.load %arg4[%get3A_116, %get3A_117, %get3A_118] : memref<4x2x128xf32, #tpu.memory_space<vmem>>, vector<4x2x128xf32>
      %broadcast_in_dim3A_120 = vector.shape_cast %broadcast_in_dim3A_95 : vector<4x1x1xf32> to vector<4x1x1xf32>
      %broadcast_in_dim3A_121 = vector.broadcast %broadcast_in_dim3A_120 : vector<4x1x1xf32> to vector<4x2x128xf32>
      %select_n3A_122 = arith.select %eq3A_104, %broadcast_in_dim3A_121, %get3A_119 : vector<4x2x128xi1>, vector<4x2x128xf32>
      %swap3A_123 = arith.constant 0 : index
      %swap3A_124 = arith.constant 0 : index
      %swap3A_125 = arith.constant 0 : index
      %swap3A_126 = vector.load %arg4[%swap3A_123, %swap3A_124, %swap3A_125] : memref<4x2x128xf32, #tpu.memory_space<vmem>>, vector<4x2x128xf32>
      tpu.vector_store %arg4[%swap3A_123, %swap3A_124, %swap3A_125], %select_n3A_122 {strides = array<i32>} : memref<4x2x128xf32, #tpu.memory_space<vmem>>, vector<4x2x128xf32>,
      %get3A_127 = arith.constant 0 : index
      %get3A_128 = arith.constant 0 : index
      %get3A_129 = arith.constant 0 : index
      %get3A_130 = vector.load %arg5[%get3A_127, %get3A_128, %get3A_129] : memref<4x2x128xf32, #tpu.memory_space<vmem>>, vector<4x2x128xf32>
      %broadcast_in_dim3A_131 = vector.shape_cast %broadcast_in_dim3A_101 : vector<4x1x1xf32> to vector<4x1x1xf32>
      %broadcast_in_dim3A_132 = vector.broadcast %broadcast_in_dim3A_131 : vector<4x1x1xf32> to vector<4x2x128xf32>
      %select_n3A_133 = arith.select %eq3A_104, %broadcast_in_dim3A_132, %get3A_130 : vector<4x2x128xi1>, vector<4x2x128xf32>
      %swap3A_134 = arith.constant 0 : index
      %swap3A_135 = arith.constant 0 : index
      %swap3A_136 = arith.constant 0 : index
      %swap3A_137 = vector.load %arg5[%swap3A_134, %swap3A_135, %swap3A_136] : memref<4x2x128xf32, #tpu.memory_space<vmem>>, vector<4x2x128xf32>
      tpu.vector_store %arg5[%swap3A_134, %swap3A_135, %swap3A_136], %select_n3A_133 {strides = array<i32>} : memref<4x2x128xf32, #tpu.memory_space<vmem>>, vector<4x2x128xf32>,
      %sub3A_138 = vector.broadcast %broadcast_in_dim3A_89 : vector<4x1x1xf32> to vector<4x8x128xf32>
      %sub3A_139 = arith.subf %get3A_2, %sub3A_138 : vector<4x8x128xf32>
      %integer_pow3A = arith.mulf %sub3A_139, %sub3A_139 : vector<4x8x128xf32>
      %sub3A_140 = vector.broadcast %broadcast_in_dim3A_95 : vector<4x1x1xf32> to vector<4x8x128xf32>
      %sub3A_141 = arith.subf %get3A_6, %sub3A_140 : vector<4x8x128xf32>
      %integer_pow3A_142 = arith.mulf %sub3A_141, %sub3A_141 : vector<4x8x128xf32>
      %add3A_143 = arith.addf %integer_pow3A, %integer_pow3A_142 : vector<4x8x128xf32>
      %sub3A_144 = vector.broadcast %broadcast_in_dim3A_101 : vector<4x1x1xf32> to vector<4x8x128xf32>
      %sub3A_145 = arith.subf %get3A_10, %sub3A_144 : vector<4x8x128xf32>
      %integer_pow3A_146 = arith.mulf %sub3A_145, %sub3A_145 : vector<4x8x128xf32>
      %add3A_147 = arith.addf %add3A_143, %integer_pow3A_146 : vector<4x8x128xf32>
      %min3A = arith.minimumf %scan3A_80, %add3A_147 : vector<4x8x128xf32>
      %reduce_max3A = arith.constant dense<0xFF800000> : vector<4xf32>
      %reduce_max3A_148 = vector.multi_reduction <maximumf>, %min3A, %reduce_max3A [1, 2] : vector<4x8x128xf32> to vector<4xf32>
      %broadcast_in_dim3A_149 = vector.shape_cast %reduce_max3A_148 : vector<4xf32> to vector<4x1x1xf32>
      %eq3A_150 = vector.broadcast %broadcast_in_dim3A_149 : vector<4x1x1xf32> to vector<4x8x128xf32>
      %eq3A_151 = arith.cmpf oeq, %min3A, %eq3A_150 : vector<4x8x128xf32>
      %jit3A_152 = arith.constant 1024 : i32
      %broadcast_in_dim3A_153 = vector.broadcast %jit3A_152 : i32 to vector<4x8x128xi32>
      %select_n3A_154 = arith.select %eq3A_151, %add3A, %broadcast_in_dim3A_153 : vector<4x8x128xi1>, vector<4x8x128xi32>
      %reduce_min3A = arith.constant dense<2147483647> : vector<4xi32>
      %reduce_min3A_155 = vector.multi_reduction <minsi>, %select_n3A_154, %reduce_min3A [1, 2] : vector<4x8x128xi32> to vector<4xi32>
      %broadcast_in_dim3A_156 = vector.shape_cast %reduce_min3A_155 : vector<4xi32> to vector<4x1x1xi32>
      scf.yield %min3A, %broadcast_in_dim3A_156 : vector<4x8x128xf32>, vector<4x1x1xi32>
    }
    %scan3A_27 = arith.constant 255 : i32
    %eq3A = vector.broadcast %scan3A_26#1 : vector<4x1x1xi32> to vector<4x8x128xi32>
    %eq3A_28 = arith.cmpi eq, %add3A, %eq3A : vector<4x8x128xi32>
    %jit3A = arith.constant 0.000000e+00 : f32
    %broadcast_in_dim3A_29 = vector.broadcast %jit3A : f32 to vector<4x8x128xf32>
    %select_n3A = arith.select %eq3A_28, %get3A_2, %broadcast_in_dim3A_29 : vector<4x8x128xi1>, vector<4x8x128xf32>
    %reduce_sum3A = arith.constant dense<0.000000e+00> : vector<4xf32>
    %reduce_sum3A_30 = vector.multi_reduction <add>, %select_n3A, %reduce_sum3A [1, 2] : vector<4x8x128xf32> to vector<4xf32>
    %broadcast_in_dim3A_31 = vector.shape_cast %reduce_sum3A_30 : vector<4xf32> to vector<4x1x1xf32>
    %jit3A_32 = arith.constant 0.000000e+00 : f32
    %broadcast_in_dim3A_33 = vector.broadcast %jit3A_32 : f32 to vector<4x8x128xf32>
    %select_n3A_34 = arith.select %eq3A_28, %get3A_6, %broadcast_in_dim3A_33 : vector<4x8x128xi1>, vector<4x8x128xf32>
    %reduce_sum3A_35 = arith.constant dense<0.000000e+00> : vector<4xf32>
    %reduce_sum3A_36 = vector.multi_reduction <add>, %select_n3A_34, %reduce_sum3A_35 [1, 2] : vector<4x8x128xf32> to vector<4xf32>
    %broadcast_in_dim3A_37 = vector.shape_cast %reduce_sum3A_36 : vector<4xf32> to vector<4x1x1xf32>
    %jit3A_38 = arith.constant 0.000000e+00 : f32
    %broadcast_in_dim3A_39 = vector.broadcast %jit3A_38 : f32 to vector<4x8x128xf32>
    %select_n3A_40 = arith.select %eq3A_28, %get3A_10, %broadcast_in_dim3A_39 : vector<4x8x128xi1>, vector<4x8x128xf32>
    %reduce_sum3A_41 = arith.constant dense<0.000000e+00> : vector<4xf32>
    %reduce_sum3A_42 = vector.multi_reduction <add>, %select_n3A_40, %reduce_sum3A_41 [1, 2] : vector<4x8x128xf32> to vector<4xf32>
    %broadcast_in_dim3A_43 = vector.shape_cast %reduce_sum3A_42 : vector<4xf32> to vector<4x1x1xf32>
    %eq3A_44 = arith.constant 255 : i32
    %eq3A_45 = vector.broadcast %eq3A_44 : i32 to vector<4x2x128xi32>
    %eq3A_46 = arith.cmpi eq, %add3A_19, %eq3A_45 : vector<4x2x128xi32>
    %get3A_47 = arith.constant 0 : index
    %get3A_48 = arith.constant 0 : index
    %get3A_49 = arith.constant 0 : index
    %get3A_50 = vector.load %arg3[%get3A_47, %get3A_48, %get3A_49] : memref<4x2x128xf32, #tpu.memory_space<vmem>>, vector<4x2x128xf32>
    %broadcast_in_dim3A_51 = vector.shape_cast %broadcast_in_dim3A_31 : vector<4x1x1xf32> to vector<4x1x1xf32>
    %broadcast_in_dim3A_52 = vector.broadcast %broadcast_in_dim3A_51 : vector<4x1x1xf32> to vector<4x2x128xf32>
    %select_n3A_53 = arith.select %eq3A_46, %broadcast_in_dim3A_52, %get3A_50 : vector<4x2x128xi1>, vector<4x2x128xf32>
    %swap3A = arith.constant 0 : index
    %swap3A_54 = arith.constant 0 : index
    %swap3A_55 = arith.constant 0 : index
    %swap3A_56 = vector.load %arg3[%swap3A, %swap3A_54, %swap3A_55] : memref<4x2x128xf32, #tpu.memory_space<vmem>>, vector<4x2x128xf32>
    tpu.vector_store %arg3[%swap3A, %swap3A_54, %swap3A_55], %select_n3A_53 {strides = array<i32>} : memref<4x2x128xf32, #tpu.memory_space<vmem>>, vector<4x2x128xf32>,
    %get3A_57 = arith.constant 0 : index
    %get3A_58 = arith.constant 0 : index
    %get3A_59 = arith.constant 0 : index
    %get3A_60 = vector.load %arg4[%get3A_57, %get3A_58, %get3A_59] : memref<4x2x128xf32, #tpu.memory_space<vmem>>, vector<4x2x128xf32>
    %broadcast_in_dim3A_61 = vector.shape_cast %broadcast_in_dim3A_37 : vector<4x1x1xf32> to vector<4x1x1xf32>
    %broadcast_in_dim3A_62 = vector.broadcast %broadcast_in_dim3A_61 : vector<4x1x1xf32> to vector<4x2x128xf32>
    %select_n3A_63 = arith.select %eq3A_46, %broadcast_in_dim3A_62, %get3A_60 : vector<4x2x128xi1>, vector<4x2x128xf32>
    %swap3A_64 = arith.constant 0 : index
    %swap3A_65 = arith.constant 0 : index
    %swap3A_66 = arith.constant 0 : index
    %swap3A_67 = vector.load %arg4[%swap3A_64, %swap3A_65, %swap3A_66] : memref<4x2x128xf32, #tpu.memory_space<vmem>>, vector<4x2x128xf32>
    tpu.vector_store %arg4[%swap3A_64, %swap3A_65, %swap3A_66], %select_n3A_63 {strides = array<i32>} : memref<4x2x128xf32, #tpu.memory_space<vmem>>, vector<4x2x128xf32>,
    %get3A_68 = arith.constant 0 : index
    %get3A_69 = arith.constant 0 : index
    %get3A_70 = arith.constant 0 : index
    %get3A_71 = vector.load %arg5[%get3A_68, %get3A_69, %get3A_70] : memref<4x2x128xf32, #tpu.memory_space<vmem>>, vector<4x2x128xf32>
    %broadcast_in_dim3A_72 = vector.shape_cast %broadcast_in_dim3A_43 : vector<4x1x1xf32> to vector<4x1x1xf32>
    %broadcast_in_dim3A_73 = vector.broadcast %broadcast_in_dim3A_72 : vector<4x1x1xf32> to vector<4x2x128xf32>
    %select_n3A_74 = arith.select %eq3A_46, %broadcast_in_dim3A_73, %get3A_71 : vector<4x2x128xi1>, vector<4x2x128xf32>
    %swap3A_75 = arith.constant 0 : index
    %swap3A_76 = arith.constant 0 : index
    %swap3A_77 = arith.constant 0 : index
    %swap3A_78 = vector.load %arg5[%swap3A_75, %swap3A_76, %swap3A_77] : memref<4x2x128xf32, #tpu.memory_space<vmem>>, vector<4x2x128xf32>
    tpu.vector_store %arg5[%swap3A_75, %swap3A_76, %swap3A_77], %select_n3A_74 {strides = array<i32>} : memref<4x2x128xf32, #tpu.memory_space<vmem>>, vector<4x2x128xf32>,
    return
  }
}

module attributes {stable_mosaic.version = 14 : i64} {
  func.func @body(%arg0: i32, %arg1: i32, %arg2: memref<1x1x1024xf32, #tpu.memory_space<vmem>>, %arg3: memref<1x1x1024xf32, #tpu.memory_space<vmem>>, %arg4: memref<1x1x1024xf32, #tpu.memory_space<vmem>>, %arg5: memref<1x64x1xf32, #tpu.memory_space<vmem>>, %arg6: memref<1x64x1xf32, #tpu.memory_space<vmem>>, %arg7: memref<1x64x1xf32, #tpu.memory_space<vmem>>, %arg8: memref<1x64x64xi32, #tpu.memory_space<vmem>>, %arg9: memref<1x64x64xf32, #tpu.memory_space<vmem>>) attributes {dimension_semantics = [#tpu.dimension_semantics<arbitrary>, #tpu.dimension_semantics<arbitrary>], iteration_bounds = array<i64: 4, 4>, scalar_prefetch = 0 : i64, scratch_operands = 0 : i64, tpu.core_type = #tpu.core_type<tc>, window_params = [{transform_indices = @transform_0, window_bounds = array<i64: 1, 1, 1024>}, {transform_indices = @transform_1, window_bounds = array<i64: 1, 1, 1024>}, {transform_indices = @transform_2, window_bounds = array<i64: 1, 1, 1024>}, {transform_indices = @transform_3, window_bounds = array<i64: 1, 64, 1>}, {transform_indices = @transform_4, window_bounds = array<i64: 1, 64, 1>}, {transform_indices = @transform_5, window_bounds = array<i64: 1, 64, 1>}, {transform_indices = @transform_6, window_bounds = array<i64: 1, 64, 64>}, {transform_indices = @transform_7, window_bounds = array<i64: 1, 64, 64>}]} {
    %get3A = arith.constant 0 : index
    %get3A_0 = arith.constant 0 : index
    %get3A_1 = arith.constant 0 : index
    %get3A_2 = vector.load %arg2[%get3A, %get3A_0, %get3A_1] : memref<1x1x1024xf32, #tpu.memory_space<vmem>>, vector<1x1x1024xf32>
    %get3A_3 = vector.shape_cast %get3A_2 : vector<1x1x1024xf32> to vector<1x1024xf32>
    %get3A_4 = arith.constant 0 : index
    %get3A_5 = arith.constant 0 : index
    %get3A_6 = arith.constant 0 : index
    %get3A_7 = vector.load %arg3[%get3A_4, %get3A_5, %get3A_6] : memref<1x1x1024xf32, #tpu.memory_space<vmem>>, vector<1x1x1024xf32>
    %get3A_8 = vector.shape_cast %get3A_7 : vector<1x1x1024xf32> to vector<1x1024xf32>
    %get3A_9 = arith.constant 0 : index
    %get3A_10 = arith.constant 0 : index
    %get3A_11 = arith.constant 0 : index
    %get3A_12 = vector.load %arg4[%get3A_9, %get3A_10, %get3A_11] : memref<1x1x1024xf32, #tpu.memory_space<vmem>>, vector<1x1x1024xf32>
    %get3A_13 = vector.shape_cast %get3A_12 : vector<1x1x1024xf32> to vector<1x1024xf32>
    %get3A_14 = arith.constant 0 : index
    %get3A_15 = arith.constant 0 : index
    %get3A_16 = arith.constant 0 : index
    %get3A_17 = vector.load %arg5[%get3A_14, %get3A_15, %get3A_16] : memref<1x64x1xf32, #tpu.memory_space<vmem>>, vector<1x64x1xf32>
    %get3A_18 = vector.shape_cast %get3A_17 : vector<1x64x1xf32> to vector<64x1xf32>
    %get3A_19 = arith.constant 0 : index
    %get3A_20 = arith.constant 0 : index
    %get3A_21 = arith.constant 0 : index
    %get3A_22 = vector.load %arg6[%get3A_19, %get3A_20, %get3A_21] : memref<1x64x1xf32, #tpu.memory_space<vmem>>, vector<1x64x1xf32>
    %get3A_23 = vector.shape_cast %get3A_22 : vector<1x64x1xf32> to vector<64x1xf32>
    %get3A_24 = arith.constant 0 : index
    %get3A_25 = arith.constant 0 : index
    %get3A_26 = arith.constant 0 : index
    %get3A_27 = vector.load %arg7[%get3A_24, %get3A_25, %get3A_26] : memref<1x64x1xf32, #tpu.memory_space<vmem>>, vector<1x64x1xf32>
    %get3A_28 = vector.shape_cast %get3A_27 : vector<1x64x1xf32> to vector<64x1xf32>
    %sub3A = vector.broadcast %get3A_18 : vector<64x1xf32> to vector<64x1024xf32>
    %sub3A_29 = vector.broadcast %get3A_3 : vector<1x1024xf32> to vector<64x1024xf32>
    %sub3A_30 = arith.subf %sub3A, %sub3A_29 : vector<64x1024xf32>
    %integer_pow3A = arith.mulf %sub3A_30, %sub3A_30 : vector<64x1024xf32>
    %sub3A_31 = vector.broadcast %get3A_23 : vector<64x1xf32> to vector<64x1024xf32>
    %sub3A_32 = vector.broadcast %get3A_8 : vector<1x1024xf32> to vector<64x1024xf32>
    %sub3A_33 = arith.subf %sub3A_31, %sub3A_32 : vector<64x1024xf32>
    %integer_pow3A_34 = arith.mulf %sub3A_33, %sub3A_33 : vector<64x1024xf32>
    %add3A = arith.addf %integer_pow3A, %integer_pow3A_34 : vector<64x1024xf32>
    %sub3A_35 = vector.broadcast %get3A_28 : vector<64x1xf32> to vector<64x1024xf32>
    %sub3A_36 = vector.broadcast %get3A_13 : vector<1x1024xf32> to vector<64x1024xf32>
    %sub3A_37 = arith.subf %sub3A_35, %sub3A_36 : vector<64x1024xf32>
    %integer_pow3A_38 = arith.mulf %sub3A_37, %sub3A_37 : vector<64x1024xf32>
    %add3A_39 = arith.addf %add3A, %integer_pow3A_38 : vector<64x1024xf32>
    %le3A = arith.constant 9.000000e-02 : f32
    %le3A_40 = vector.broadcast %le3A : f32 to vector<64x1024xf32>
    %le3A_41 = arith.cmpf ole, %add3A_39, %le3A_40 : vector<64x1024xf32>
    %jit3A = arith.constant 0x7F800000 : f32
    %broadcast_in_dim3A = vector.broadcast %jit3A : f32 to vector<64x1024xf32>
    %select_n3A = arith.select %le3A_41, %add3A_39, %broadcast_in_dim3A : vector<64x1024xi1>, vector<64x1024xf32>
    %iota3A = tpu.iota {dimensions = array<i32: 1>} : vector<64x1024xi32>
    %iota3A_42 = tpu.iota {dimensions = array<i32: 1>} : vector<64x64xi32>
    %lt3A = arith.constant 0x7F800000 : f32
    %lt3A_43 = vector.broadcast %lt3A : f32 to vector<64x1024xf32>
    %lt3A_44 = arith.cmpf olt, %select_n3A, %lt3A_43 : vector<64x1024xf32>
    %jit3A_45 = arith.constant 1 : i32
    %jit3A_46 = arith.constant 0 : i32
    %broadcast_in_dim3A_47 = vector.broadcast %jit3A_45 : i32 to vector<64x1024xi32>
    %broadcast_in_dim3A_48 = vector.broadcast %jit3A_46 : i32 to vector<64x1024xi32>
    %select_n3A_49 = arith.select %lt3A_44, %broadcast_in_dim3A_47, %broadcast_in_dim3A_48 : vector<64x1024xi1>, vector<64x1024xi32>
    %reduce_sum3A = arith.constant dense<0> : vector<64xi32>
    %reduce_sum3A_50 = vector.multi_reduction <add>, %select_n3A_49, %reduce_sum3A [1] : vector<64x1024xi32> to vector<64xi32>
    %reduce_max3A = vector.shape_cast %reduce_sum3A_50 : vector<64xi32> to vector<1x64xi32>
    %reduce_max3A_51 = arith.constant dense<-2147483648> : vector<1xi32>
    %reduce_max3A_52 = vector.multi_reduction <maxsi>, %reduce_max3A, %reduce_max3A_51 [1] : vector<1x64xi32> to vector<1xi32>
    %reduce_max3A_53 = vector.shape_cast %reduce_max3A_52 : vector<1xi32> to vector<1x1xi32>
    %reduce_max3A_54 = vector.extract %reduce_max3A_53[0, 0] : i32 from vector<1x1xi32>
    %min3A = arith.constant 64 : i32
    %min3A_55 = arith.minsi %reduce_max3A_54, %min3A : i32
    %broadcast_in_dim3A_56 = arith.constant 0 : i32
    %broadcast_in_dim3A_57 = vector.broadcast %broadcast_in_dim3A_56 : i32 to vector<64x64xi32>
    %broadcast_in_dim3A_58 = arith.constant 0.000000e+00 : f32
    %broadcast_in_dim3A_59 = vector.broadcast %broadcast_in_dim3A_58 : f32 to vector<64x64xf32>
    %while3A = arith.constant 0 : i32
    %while3A_60 = arith.subi %min3A_55, %while3A : i32
    %while3A_61 = arith.addi %while3A, %while3A_60 : i32
    %while3A_62 = arith.constant 1 : i32
    %while3A_63 = arith.divsi %while3A_60, %while3A_62 : i32
    %while3A_64 = arith.muli %while3A_63, %while3A_62 : i32
    %while3A_65 = arith.addi %while3A, %while3A_64 : i32
    %while3A_66 = arith.constant 1 : i32
    %while3A_67:3 = scf.for %while3A_96 = %while3A to %while3A_65 step %while3A_66 iter_args(%while3A_97 = %select_n3A, %while3A_98 = %broadcast_in_dim3A_57, %while3A_99 = %broadcast_in_dim3A_59) -> (vector<64x1024xf32>, vector<64x64xi32>, vector<64x64xf32>)  : i32 {
      %reduce_min3A = arith.constant dense<0x7F800000> : vector<64xf32>
      %reduce_min3A_100 = vector.multi_reduction <minimumf>, %while3A_97, %reduce_min3A [1] : vector<64x1024xf32> to vector<64xf32>
      %broadcast_in_dim3A_101 = vector.shape_cast %reduce_min3A_100 : vector<64xf32> to vector<64x1xf32>
      %eq3A_102 = vector.broadcast %broadcast_in_dim3A_101 : vector<64x1xf32> to vector<64x1024xf32>
      %eq3A_103 = arith.cmpf oeq, %while3A_97, %eq3A_102 : vector<64x1024xf32>
      %jit3A_104 = arith.constant 1024 : i32
      %broadcast_in_dim3A_105 = vector.broadcast %jit3A_104 : i32 to vector<64x1024xi32>
      %select_n3A_106 = arith.select %eq3A_103, %iota3A, %broadcast_in_dim3A_105 : vector<64x1024xi1>, vector<64x1024xi32>
      %reduce_min3A_107 = arith.constant dense<2147483647> : vector<64xi32>
      %reduce_min3A_108 = vector.multi_reduction <minsi>, %select_n3A_106, %reduce_min3A_107 [1] : vector<64x1024xi32> to vector<64xi32>
      %broadcast_in_dim3A_109 = vector.shape_cast %reduce_min3A_108 : vector<64xi32> to vector<64x1xi32>
      %lt3A_110 = arith.constant 0x7F800000 : f32
      %lt3A_111 = vector.broadcast %lt3A_110 : f32 to vector<64x1xf32>
      %lt3A_112 = arith.cmpf olt, %broadcast_in_dim3A_101, %lt3A_111 : vector<64x1xf32>
      %eq3A_113 = vector.broadcast %while3A_96 : i32 to vector<64x64xi32>
      %eq3A_114 = arith.cmpi eq, %iota3A_42, %eq3A_113 : vector<64x64xi32>
      %broadcast_in_dim3A_115 = vector.shape_cast %broadcast_in_dim3A_109 : vector<64x1xi32> to vector<64x1xi32>
      %broadcast_in_dim3A_116 = vector.broadcast %broadcast_in_dim3A_115 : vector<64x1xi32> to vector<64x64xi32>
      %select_n3A_117 = arith.select %eq3A_114, %broadcast_in_dim3A_116, %while3A_98 : vector<64x64xi1>, vector<64x64xi32>
      %eq3A_118 = vector.broadcast %while3A_96 : i32 to vector<64x64xi32>
      %eq3A_119 = arith.cmpi eq, %iota3A_42, %eq3A_118 : vector<64x64xi32>
      %jit3A_120 = arith.constant 1.000000e+00 : f32
      %jit3A_121 = arith.constant 0.000000e+00 : f32
      %broadcast_in_dim3A_122 = vector.broadcast %jit3A_120 : f32 to vector<64x1xf32>
      %broadcast_in_dim3A_123 = vector.broadcast %jit3A_121 : f32 to vector<64x1xf32>
      %select_n3A_124 = arith.select %lt3A_112, %broadcast_in_dim3A_122, %broadcast_in_dim3A_123 : vector<64x1xi1>, vector<64x1xf32>
      %broadcast_in_dim3A_125 = vector.shape_cast %select_n3A_124 : vector<64x1xf32> to vector<64x1xf32>
      %broadcast_in_dim3A_126 = vector.broadcast %broadcast_in_dim3A_125 : vector<64x1xf32> to vector<64x64xf32>
      %select_n3A_127 = arith.select %eq3A_119, %broadcast_in_dim3A_126, %while3A_99 : vector<64x64xi1>, vector<64x64xf32>
      %eq3A_128 = vector.broadcast %broadcast_in_dim3A_109 : vector<64x1xi32> to vector<64x1024xi32>
      %eq3A_129 = arith.cmpi eq, %iota3A, %eq3A_128 : vector<64x1024xi32>
      %jit3A_130 = arith.constant 0x7F800000 : f32
      %broadcast_in_dim3A_131 = vector.broadcast %jit3A_130 : f32 to vector<64x1024xf32>
      %select_n3A_132 = arith.select %eq3A_129, %broadcast_in_dim3A_131, %while3A_97 : vector<64x1024xi1>, vector<64x1024xf32>
      scf.yield %select_n3A_132, %select_n3A_117, %select_n3A_127 : vector<64x1024xf32>, vector<64x64xi32>, vector<64x64xf32>
    }
    %while3A_68 = arith.constant 1 : i32
    %while3A_69:3 = scf.for %while3A_96 = %while3A_65 to %while3A_61 step %while3A_68 iter_args(%while3A_97 = %while3A_67#0, %while3A_98 = %while3A_67#1, %while3A_99 = %while3A_67#2) -> (vector<64x1024xf32>, vector<64x64xi32>, vector<64x64xf32>)  : i32 {
      %reduce_min3A = arith.constant dense<0x7F800000> : vector<64xf32>
      %reduce_min3A_100 = vector.multi_reduction <minimumf>, %while3A_97, %reduce_min3A [1] : vector<64x1024xf32> to vector<64xf32>
      %broadcast_in_dim3A_101 = vector.shape_cast %reduce_min3A_100 : vector<64xf32> to vector<64x1xf32>
      %eq3A_102 = vector.broadcast %broadcast_in_dim3A_101 : vector<64x1xf32> to vector<64x1024xf32>
      %eq3A_103 = arith.cmpf oeq, %while3A_97, %eq3A_102 : vector<64x1024xf32>
      %jit3A_104 = arith.constant 1024 : i32
      %broadcast_in_dim3A_105 = vector.broadcast %jit3A_104 : i32 to vector<64x1024xi32>
      %select_n3A_106 = arith.select %eq3A_103, %iota3A, %broadcast_in_dim3A_105 : vector<64x1024xi1>, vector<64x1024xi32>
      %reduce_min3A_107 = arith.constant dense<2147483647> : vector<64xi32>
      %reduce_min3A_108 = vector.multi_reduction <minsi>, %select_n3A_106, %reduce_min3A_107 [1] : vector<64x1024xi32> to vector<64xi32>
      %broadcast_in_dim3A_109 = vector.shape_cast %reduce_min3A_108 : vector<64xi32> to vector<64x1xi32>
      %lt3A_110 = arith.constant 0x7F800000 : f32
      %lt3A_111 = vector.broadcast %lt3A_110 : f32 to vector<64x1xf32>
      %lt3A_112 = arith.cmpf olt, %broadcast_in_dim3A_101, %lt3A_111 : vector<64x1xf32>
      %eq3A_113 = vector.broadcast %while3A_96 : i32 to vector<64x64xi32>
      %eq3A_114 = arith.cmpi eq, %iota3A_42, %eq3A_113 : vector<64x64xi32>
      %broadcast_in_dim3A_115 = vector.shape_cast %broadcast_in_dim3A_109 : vector<64x1xi32> to vector<64x1xi32>
      %broadcast_in_dim3A_116 = vector.broadcast %broadcast_in_dim3A_115 : vector<64x1xi32> to vector<64x64xi32>
      %select_n3A_117 = arith.select %eq3A_114, %broadcast_in_dim3A_116, %while3A_98 : vector<64x64xi1>, vector<64x64xi32>
      %eq3A_118 = vector.broadcast %while3A_96 : i32 to vector<64x64xi32>
      %eq3A_119 = arith.cmpi eq, %iota3A_42, %eq3A_118 : vector<64x64xi32>
      %jit3A_120 = arith.constant 1.000000e+00 : f32
      %jit3A_121 = arith.constant 0.000000e+00 : f32
      %broadcast_in_dim3A_122 = vector.broadcast %jit3A_120 : f32 to vector<64x1xf32>
      %broadcast_in_dim3A_123 = vector.broadcast %jit3A_121 : f32 to vector<64x1xf32>
      %select_n3A_124 = arith.select %lt3A_112, %broadcast_in_dim3A_122, %broadcast_in_dim3A_123 : vector<64x1xi1>, vector<64x1xf32>
      %broadcast_in_dim3A_125 = vector.shape_cast %select_n3A_124 : vector<64x1xf32> to vector<64x1xf32>
      %broadcast_in_dim3A_126 = vector.broadcast %broadcast_in_dim3A_125 : vector<64x1xf32> to vector<64x64xf32>
      %select_n3A_127 = arith.select %eq3A_119, %broadcast_in_dim3A_126, %while3A_99 : vector<64x64xi1>, vector<64x64xf32>
      %eq3A_128 = vector.broadcast %broadcast_in_dim3A_109 : vector<64x1xi32> to vector<64x1024xi32>
      %eq3A_129 = arith.cmpi eq, %iota3A, %eq3A_128 : vector<64x1024xi32>
      %jit3A_130 = arith.constant 0x7F800000 : f32
      %broadcast_in_dim3A_131 = vector.broadcast %jit3A_130 : f32 to vector<64x1024xf32>
      %select_n3A_132 = arith.select %eq3A_129, %broadcast_in_dim3A_131, %while3A_97 : vector<64x1024xi1>, vector<64x1024xf32>
      scf.yield %select_n3A_132, %select_n3A_117, %select_n3A_127 : vector<64x1024xf32>, vector<64x64xi32>, vector<64x64xf32>
    }
    %jit3A_70 = arith.constant 2 : i32
    %eq3A = arith.constant 0 : i32
    %eq3A_71 = arith.cmpi eq, %jit3A_70, %eq3A : i32
    %jit3A_72 = arith.constant 1 : i32
    %select_n3A_73 = arith.select %eq3A_71, %jit3A_72, %jit3A_70 : i32
    %rem3A = arith.remsi %arg0, %select_n3A_73 : i32
    %ne3A = arith.constant 0 : i32
    %ne3A_74 = arith.cmpi ne, %rem3A, %ne3A : i32
    %lt3A_75 = arith.constant 0 : i32
    %lt3A_76 = arith.cmpi slt, %rem3A, %lt3A_75 : i32
    %lt3A_77 = arith.constant 0 : i32
    %lt3A_78 = arith.cmpi slt, %select_n3A_73, %lt3A_77 : i32
    %ne3A_79 = arith.xori %lt3A_76, %lt3A_78 : i1
    %and3A = arith.andi %ne3A_79, %ne3A_74 : i1
    %add3A_80 = arith.addi %rem3A, %select_n3A_73 : i32
    %select_n3A_81 = arith.select %and3A, %add3A_80, %rem3A : i32
    %mul3A = arith.constant 1024 : i32
    %mul3A_82 = arith.muli %select_n3A_81, %mul3A : i32
    %add3A_83 = vector.broadcast %mul3A_82 : i32 to vector<64x64xi32>
    %add3A_84 = arith.addi %while3A_69#1, %add3A_83 : vector<64x64xi32>
    %swap3A = arith.constant 0 : index
    %swap3A_85 = arith.constant 0 : index
    %swap3A_86 = arith.constant 0 : index
    %swap3A_87 = vector.load %arg8[%swap3A, %swap3A_85, %swap3A_86] : memref<1x64x64xi32, #tpu.memory_space<vmem>>, vector<1x64x64xi32>
    %swap3A_88 = vector.shape_cast %swap3A_87 : vector<1x64x64xi32> to vector<64x64xi32>
    %swap3A_89 = vector.shape_cast %add3A_84 : vector<64x64xi32> to vector<1x64x64xi32>
    tpu.vector_store %arg8[%swap3A, %swap3A_85, %swap3A_86], %swap3A_89 {strides = array<i32>} : memref<1x64x64xi32, #tpu.memory_space<vmem>>, vector<1x64x64xi32>,
    %swap3A_90 = arith.constant 0 : index
    %swap3A_91 = arith.constant 0 : index
    %swap3A_92 = arith.constant 0 : index
    %swap3A_93 = vector.load %arg9[%swap3A_90, %swap3A_91, %swap3A_92] : memref<1x64x64xf32, #tpu.memory_space<vmem>>, vector<1x64x64xf32>
    %swap3A_94 = vector.shape_cast %swap3A_93 : vector<1x64x64xf32> to vector<64x64xf32>
    %swap3A_95 = vector.shape_cast %while3A_69#2 : vector<64x64xf32> to vector<1x64x64xf32>
    tpu.vector_store %arg9[%swap3A_90, %swap3A_91, %swap3A_92], %swap3A_95 {strides = array<i32>} : memref<1x64x64xf32, #tpu.memory_space<vmem>>, vector<1x64x64xf32>,
    return
  }
  func.func @transform_0(%arg0: i32, %arg1: i32) -> (i32, i32, i32) {
    %c0_i32 = arith.constant 0 : i32
    %c0_i32_0 = arith.constant 0 : i32
    %c0_i32_1 = arith.constant 0 : i32
    return %arg0, %c0_i32, %c0_i32_0 : i32, i32, i32
  }
  func.func @transform_1(%arg0: i32, %arg1: i32) -> (i32, i32, i32) {
    %c0_i32 = arith.constant 0 : i32
    %c0_i32_0 = arith.constant 0 : i32
    %c0_i32_1 = arith.constant 0 : i32
    return %arg0, %c0_i32, %c0_i32_0 : i32, i32, i32
  }
  func.func @transform_2(%arg0: i32, %arg1: i32) -> (i32, i32, i32) {
    %c0_i32 = arith.constant 0 : i32
    %c0_i32_0 = arith.constant 0 : i32
    %c0_i32_1 = arith.constant 0 : i32
    return %arg0, %c0_i32, %c0_i32_0 : i32, i32, i32
  }
  func.func @transform_3(%arg0: i32, %arg1: i32) -> (i32, i32, i32) {
    %c0_i32 = arith.constant 0 : i32
    %c0_i32_0 = arith.constant 0 : i32
    return %arg0, %arg1, %c0_i32 : i32, i32, i32
  }
  func.func @transform_4(%arg0: i32, %arg1: i32) -> (i32, i32, i32) {
    %c0_i32 = arith.constant 0 : i32
    %c0_i32_0 = arith.constant 0 : i32
    return %arg0, %arg1, %c0_i32 : i32, i32, i32
  }
  func.func @transform_5(%arg0: i32, %arg1: i32) -> (i32, i32, i32) {
    %c0_i32 = arith.constant 0 : i32
    %c0_i32_0 = arith.constant 0 : i32
    return %arg0, %arg1, %c0_i32 : i32, i32, i32
  }
  func.func @transform_6(%arg0: i32, %arg1: i32) -> (i32, i32, i32) {
    %c0_i32 = arith.constant 0 : i32
    %c0_i32_0 = arith.constant 0 : i32
    return %arg0, %arg1, %c0_i32 : i32, i32, i32
  }
  func.func @transform_7(%arg0: i32, %arg1: i32) -> (i32, i32, i32) {
    %c0_i32 = arith.constant 0 : i32
    %c0_i32_0 = arith.constant 0 : i32
    return %arg0, %arg1, %c0_i32 : i32, i32, i32
  }
}

module attributes {stable_mosaic.version = 14 : i64} {
  func.func @body(%arg0: i32, %arg1: memref<2048x3xf32, #tpu.memory_space<vmem>>, %arg2: memref<3x128xf32, #tpu.memory_space<vmem>>, %arg3: memref<1x128xf32, #tpu.memory_space<vmem>>, %arg4: memref<2048x128xf32, #tpu.memory_space<vmem>>) attributes {dimension_semantics = [#tpu.dimension_semantics<arbitrary>], iteration_bounds = array<i64: 2>, scalar_prefetch = 0 : i64, scratch_operands = 0 : i64, tpu.core_type = #tpu.core_type<tc>, window_params = [{transform_indices = @transform_0, window_bounds = array<i64: 2048, 3>}, {pipeline_mode = #tpu.pipeline_mode<synchronous>, transform_indices = @transform_1, window_bounds = array<i64: 3, 128>}, {pipeline_mode = #tpu.pipeline_mode<synchronous>, transform_indices = @transform_2, window_bounds = array<i64: 1, 128>}, {transform_indices = @transform_3, window_bounds = array<i64: 2048, 128>}]} {
    %get3A = arith.constant 0 : index
    %get3A_0 = arith.constant 0 : index
    %get3A_1 = vector.load %arg1[%get3A, %get3A_0] : memref<2048x3xf32, #tpu.memory_space<vmem>>, vector<2048x3xf32>
    %get3A_2 = arith.constant 0 : index
    %get3A_3 = arith.constant 0 : index
    %get3A_4 = vector.load %arg2[%get3A_2, %get3A_3] : memref<3x128xf32, #tpu.memory_space<vmem>>, vector<3x128xf32>
    %dot_general3A = arith.constant dense<0.000000e+00> : vector<2048x128xf32>
    %dot_general3A_5 = tpu.matmul %get3A_1, %get3A_4, %dot_general3A {dimension_numbers = #tpu.dot_dimension_numbers<[1], [0], [0], [1], [0, 0, 1, 1], [], []>, transpose_lhs_hint = false} : vector<2048x3xf32>, vector<3x128xf32>, vector<2048x128xf32> -> vector<2048x128xf32>
    %get3A_6 = arith.constant 0 : index
    %get3A_7 = arith.constant 0 : index
    %get3A_8 = vector.load %arg3[%get3A_6, %get3A_7] : memref<1x128xf32, #tpu.memory_space<vmem>>, vector<1x128xf32>
    %add3A = vector.broadcast %get3A_8 : vector<1x128xf32> to vector<2048x128xf32>
    %add3A_9 = arith.addf %dot_general3A_5, %add3A : vector<2048x128xf32>
    %swap3A = arith.constant 0 : index
    %swap3A_10 = arith.constant 0 : index
    %swap3A_11 = vector.load %arg4[%swap3A, %swap3A_10] : memref<2048x128xf32, #tpu.memory_space<vmem>>, vector<2048x128xf32>
    tpu.vector_store %arg4[%swap3A, %swap3A_10], %add3A_9 {strides = array<i32>} : memref<2048x128xf32, #tpu.memory_space<vmem>>, vector<2048x128xf32>,
    return
  }
  func.func @transform_0(%arg0: i32) -> (i32, i32) {
    %c0_i32 = arith.constant 0 : i32
    %c0_i32_0 = arith.constant 0 : i32
    return %arg0, %c0_i32 : i32, i32
  }
  func.func @transform_1(%arg0: i32) -> (i32, i32) {
    %c0_i32 = arith.constant 0 : i32
    %c0_i32_0 = arith.constant 0 : i32
    %c0_i32_1 = arith.constant 0 : i32
    return %c0_i32, %c0_i32_0 : i32, i32
  }
  func.func @transform_2(%arg0: i32) -> (i32, i32) {
    %c0_i32 = arith.constant 0 : i32
    %c0_i32_0 = arith.constant 0 : i32
    %c0_i32_1 = arith.constant 0 : i32
    return %c0_i32, %c0_i32_0 : i32, i32
  }
  func.func @transform_3(%arg0: i32) -> (i32, i32) {
    %c0_i32 = arith.constant 0 : i32
    %c0_i32_0 = arith.constant 0 : i32
    return %arg0, %c0_i32 : i32, i32
  }
}

module attributes {stable_mosaic.version = 14 : i64} {
  func.func @body(%arg0: i32, %arg1: i32, %arg2: memref<4096x128xf32, #tpu.memory_space<vmem>>, %arg3: memref<1x64x128xf32, #tpu.memory_space<vmem>>, %arg4: memref<1x64x64xf32, #tpu.memory_space<vmem>>, %arg5: memref<128x64xf32, #tpu.memory_space<vmem>>, %arg6: memref<1x64xf32, #tpu.memory_space<vmem>>, %arg7: memref<64x64xf32, #tpu.memory_space<vmem>>, %arg8: memref<1x64xf32, #tpu.memory_space<vmem>>, %arg9: memref<1x64x64xf32, #tpu.memory_space<vmem>>) attributes {dimension_semantics = [#tpu.dimension_semantics<arbitrary>, #tpu.dimension_semantics<arbitrary>], iteration_bounds = array<i64: 4, 16>, scalar_prefetch = 0 : i64, scratch_operands = 0 : i64, tpu.core_type = #tpu.core_type<tc>, window_params = [{transform_indices = @transform_0, window_bounds = array<i64: 4096, 128>}, {transform_indices = @transform_1, window_bounds = array<i64: 1, 64, 128>}, {transform_indices = @transform_2, window_bounds = array<i64: 1, 64, 64>}, {pipeline_mode = #tpu.pipeline_mode<synchronous>, transform_indices = @transform_3, window_bounds = array<i64: 128, 64>}, {pipeline_mode = #tpu.pipeline_mode<synchronous>, transform_indices = @transform_4, window_bounds = array<i64: 1, 64>}, {pipeline_mode = #tpu.pipeline_mode<synchronous>, transform_indices = @transform_5, window_bounds = array<i64: 64, 64>}, {pipeline_mode = #tpu.pipeline_mode<synchronous>, transform_indices = @transform_6, window_bounds = array<i64: 1, 64>}, {transform_indices = @transform_7, window_bounds = array<i64: 1, 64, 64>}]} {
    %get3A = arith.constant 0 : index
    %get3A_0 = arith.constant 0 : index
    %get3A_1 = vector.load %arg2[%get3A, %get3A_0] : memref<4096x128xf32, #tpu.memory_space<vmem>>, vector<4096x128xf32>
    %get3A_2 = arith.constant 0 : index
    %get3A_3 = arith.constant 0 : index
    %get3A_4 = arith.constant 0 : index
    %get3A_5 = vector.load %arg3[%get3A_2, %get3A_3, %get3A_4] : memref<1x64x128xf32, #tpu.memory_space<vmem>>, vector<1x64x128xf32>
    %get3A_6 = vector.shape_cast %get3A_5 : vector<1x64x128xf32> to vector<64x128xf32>
    %reshape3A = vector.shape_cast %get3A_1 : vector<4096x128xf32> to vector<64x64x128xf32>
    %broadcast_in_dim3A = vector.shape_cast %get3A_6 : vector<64x128xf32> to vector<64x1x128xf32>
    %add3A = vector.broadcast %broadcast_in_dim3A : vector<64x1x128xf32> to vector<64x64x128xf32>
    %add3A_7 = arith.addf %reshape3A, %add3A : vector<64x64x128xf32>
    %max3A = arith.constant 0.000000e+00 : f32
    %max3A_8 = vector.broadcast %max3A : f32 to vector<64x64x128xf32>
    %max3A_9 = arith.maximumf %add3A_7, %max3A_8 : vector<64x64x128xf32>
    %reshape3A_10 = vector.shape_cast %max3A_9 : vector<64x64x128xf32> to vector<4096x128xf32>
    %get3A_11 = arith.constant 0 : index
    %get3A_12 = arith.constant 0 : index
    %get3A_13 = vector.load %arg5[%get3A_11, %get3A_12] : memref<128x64xf32, #tpu.memory_space<vmem>>, vector<128x64xf32>
    %dot_general3A = arith.constant dense<0.000000e+00> : vector<4096x64xf32>
    %dot_general3A_14 = tpu.matmul %reshape3A_10, %get3A_13, %dot_general3A {dimension_numbers = #tpu.dot_dimension_numbers<[1], [0], [0], [1], [0, 0, 1, 1], [], []>, transpose_lhs_hint = false} : vector<4096x128xf32>, vector<128x64xf32>, vector<4096x64xf32> -> vector<4096x64xf32>
    %get3A_15 = arith.constant 0 : index
    %get3A_16 = arith.constant 0 : index
    %get3A_17 = vector.load %arg6[%get3A_15, %get3A_16] : memref<1x64xf32, #tpu.memory_space<vmem>>, vector<1x64xf32>
    %add3A_18 = vector.broadcast %get3A_17 : vector<1x64xf32> to vector<4096x64xf32>
    %add3A_19 = arith.addf %dot_general3A_14, %add3A_18 : vector<4096x64xf32>
    %max3A_20 = arith.constant 0.000000e+00 : f32
    %max3A_21 = vector.broadcast %max3A_20 : f32 to vector<4096x64xf32>
    %max3A_22 = arith.maximumf %add3A_19, %max3A_21 : vector<4096x64xf32>
    %get3A_23 = arith.constant 0 : index
    %get3A_24 = arith.constant 0 : index
    %get3A_25 = vector.load %arg7[%get3A_23, %get3A_24] : memref<64x64xf32, #tpu.memory_space<vmem>>, vector<64x64xf32>
    %dot_general3A_26 = arith.constant dense<0.000000e+00> : vector<4096x64xf32>
    %dot_general3A_27 = tpu.matmul %max3A_22, %get3A_25, %dot_general3A_26 {dimension_numbers = #tpu.dot_dimension_numbers<[1], [0], [0], [1], [0, 0, 1, 1], [], []>, transpose_lhs_hint = false} : vector<4096x64xf32>, vector<64x64xf32>, vector<4096x64xf32> -> vector<4096x64xf32>
    %get3A_28 = arith.constant 0 : index
    %get3A_29 = arith.constant 0 : index
    %get3A_30 = vector.load %arg8[%get3A_28, %get3A_29] : memref<1x64xf32, #tpu.memory_space<vmem>>, vector<1x64xf32>
    %add3A_31 = vector.broadcast %get3A_30 : vector<1x64xf32> to vector<4096x64xf32>
    %add3A_32 = arith.addf %dot_general3A_27, %add3A_31 : vector<4096x64xf32>
    %get3A_33 = arith.constant 0 : index
    %get3A_34 = arith.constant 0 : index
    %get3A_35 = arith.constant 0 : index
    %get3A_36 = vector.load %arg4[%get3A_33, %get3A_34, %get3A_35] : memref<1x64x64xf32, #tpu.memory_space<vmem>>, vector<1x64x64xf32>
    %get3A_37 = vector.shape_cast %get3A_36 : vector<1x64x64xf32> to vector<64x64xf32>
    %broadcast_in_dim3A_38 = vector.shape_cast %get3A_37 : vector<64x64xf32> to vector<64x64x1xf32>
    %gt3A = arith.constant 5.000000e-01 : f32
    %gt3A_39 = vector.broadcast %gt3A : f32 to vector<64x64x1xf32>
    %gt3A_40 = arith.cmpf ogt, %broadcast_in_dim3A_38, %gt3A_39 : vector<64x64x1xf32>
    %reshape3A_41 = vector.shape_cast %add3A_32 : vector<4096x64xf32> to vector<64x64x64xf32>
    %jit3A = arith.constant 0xFF800000 : f32
    %broadcast_in_dim3A_42 = vector.shape_cast %gt3A_40 : vector<64x64x1xi1> to vector<64x64x1xi1>
    %broadcast_in_dim3A_43 = vector.broadcast %broadcast_in_dim3A_42 : vector<64x64x1xi1> to vector<64x64x64xi1>
    %broadcast_in_dim3A_44 = vector.broadcast %jit3A : f32 to vector<64x64x64xf32>
    %select_n3A = arith.select %broadcast_in_dim3A_43, %reshape3A_41, %broadcast_in_dim3A_44 : vector<64x64x64xi1>, vector<64x64x64xf32>
    %reduce_max3A = arith.constant dense<0xFF800000> : vector<64x64xf32>
    %reduce_max3A_45 = vector.multi_reduction <maximumf>, %select_n3A, %reduce_max3A [1] : vector<64x64x64xf32> to vector<64x64xf32>
    %swap3A = arith.constant 0 : index
    %swap3A_46 = arith.constant 0 : index
    %swap3A_47 = arith.constant 0 : index
    %swap3A_48 = vector.load %arg9[%swap3A, %swap3A_46, %swap3A_47] : memref<1x64x64xf32, #tpu.memory_space<vmem>>, vector<1x64x64xf32>
    %swap3A_49 = vector.shape_cast %swap3A_48 : vector<1x64x64xf32> to vector<64x64xf32>
    %swap3A_50 = vector.shape_cast %reduce_max3A_45 : vector<64x64xf32> to vector<1x64x64xf32>
    tpu.vector_store %arg9[%swap3A, %swap3A_46, %swap3A_47], %swap3A_50 {strides = array<i32>} : memref<1x64x64xf32, #tpu.memory_space<vmem>>, vector<1x64x64xf32>,
    return
  }
  func.func @transform_0(%arg0: i32, %arg1: i32) -> (i32, i32) {
    %mul3A = arith.constant 16 : i32
    %mul3A_0 = arith.muli %arg0, %mul3A : i32
    %add3A = arith.addi %mul3A_0, %arg1 : i32
    %c0_i32 = arith.constant 0 : i32
    %c0_i32_1 = arith.constant 0 : i32
    return %add3A, %c0_i32 : i32, i32
  }
  func.func @transform_1(%arg0: i32, %arg1: i32) -> (i32, i32, i32) {
    %c0_i32 = arith.constant 0 : i32
    %c0_i32_0 = arith.constant 0 : i32
    return %arg0, %arg1, %c0_i32 : i32, i32, i32
  }
  func.func @transform_2(%arg0: i32, %arg1: i32) -> (i32, i32, i32) {
    %c0_i32 = arith.constant 0 : i32
    %c0_i32_0 = arith.constant 0 : i32
    return %arg0, %arg1, %c0_i32 : i32, i32, i32
  }
  func.func @transform_3(%arg0: i32, %arg1: i32) -> (i32, i32) {
    %c0_i32 = arith.constant 0 : i32
    %c0_i32_0 = arith.constant 0 : i32
    %c0_i32_1 = arith.constant 0 : i32
    return %c0_i32, %c0_i32_0 : i32, i32
  }
  func.func @transform_4(%arg0: i32, %arg1: i32) -> (i32, i32) {
    %c0_i32 = arith.constant 0 : i32
    %c0_i32_0 = arith.constant 0 : i32
    %c0_i32_1 = arith.constant 0 : i32
    return %c0_i32, %c0_i32_0 : i32, i32
  }
  func.func @transform_5(%arg0: i32, %arg1: i32) -> (i32, i32) {
    %c0_i32 = arith.constant 0 : i32
    %c0_i32_0 = arith.constant 0 : i32
    %c0_i32_1 = arith.constant 0 : i32
    return %c0_i32, %c0_i32_0 : i32, i32
  }
  func.func @transform_6(%arg0: i32, %arg1: i32) -> (i32, i32) {
    %c0_i32 = arith.constant 0 : i32
    %c0_i32_0 = arith.constant 0 : i32
    %c0_i32_1 = arith.constant 0 : i32
    return %c0_i32, %c0_i32_0 : i32, i32
  }
  func.func @transform_7(%arg0: i32, %arg1: i32) -> (i32, i32, i32) {
    %c0_i32 = arith.constant 0 : i32
    %c0_i32_0 = arith.constant 0 : i32
    return %arg0, %arg1, %c0_i32 : i32, i32, i32
  }
}

module attributes {stable_mosaic.version = 14 : i64} {
  func.func @body(%arg0: i32, %arg1: memref<2048x67xf32, #tpu.memory_space<vmem>>, %arg2: memref<67x128xf32, #tpu.memory_space<vmem>>, %arg3: memref<1x128xf32, #tpu.memory_space<vmem>>, %arg4: memref<2048x128xf32, #tpu.memory_space<vmem>>) attributes {dimension_semantics = [#tpu.dimension_semantics<arbitrary>], iteration_bounds = array<i64: 2>, scalar_prefetch = 0 : i64, scratch_operands = 0 : i64, tpu.core_type = #tpu.core_type<tc>, window_params = [{transform_indices = @transform_0, window_bounds = array<i64: 2048, 67>}, {pipeline_mode = #tpu.pipeline_mode<synchronous>, transform_indices = @transform_1, window_bounds = array<i64: 67, 128>}, {pipeline_mode = #tpu.pipeline_mode<synchronous>, transform_indices = @transform_2, window_bounds = array<i64: 1, 128>}, {transform_indices = @transform_3, window_bounds = array<i64: 2048, 128>}]} {
    %get3A = arith.constant 0 : index
    %get3A_0 = arith.constant 0 : index
    %get3A_1 = vector.load %arg1[%get3A, %get3A_0] : memref<2048x67xf32, #tpu.memory_space<vmem>>, vector<2048x67xf32>
    %get3A_2 = arith.constant 0 : index
    %get3A_3 = arith.constant 0 : index
    %get3A_4 = vector.load %arg2[%get3A_2, %get3A_3] : memref<67x128xf32, #tpu.memory_space<vmem>>, vector<67x128xf32>
    %dot_general3A = arith.constant dense<0.000000e+00> : vector<2048x128xf32>
    %dot_general3A_5 = tpu.matmul %get3A_1, %get3A_4, %dot_general3A {dimension_numbers = #tpu.dot_dimension_numbers<[1], [0], [0], [1], [0, 0, 1, 1], [], []>, transpose_lhs_hint = false} : vector<2048x67xf32>, vector<67x128xf32>, vector<2048x128xf32> -> vector<2048x128xf32>
    %get3A_6 = arith.constant 0 : index
    %get3A_7 = arith.constant 0 : index
    %get3A_8 = vector.load %arg3[%get3A_6, %get3A_7] : memref<1x128xf32, #tpu.memory_space<vmem>>, vector<1x128xf32>
    %add3A = vector.broadcast %get3A_8 : vector<1x128xf32> to vector<2048x128xf32>
    %add3A_9 = arith.addf %dot_general3A_5, %add3A : vector<2048x128xf32>
    %swap3A = arith.constant 0 : index
    %swap3A_10 = arith.constant 0 : index
    %swap3A_11 = vector.load %arg4[%swap3A, %swap3A_10] : memref<2048x128xf32, #tpu.memory_space<vmem>>, vector<2048x128xf32>
    tpu.vector_store %arg4[%swap3A, %swap3A_10], %add3A_9 {strides = array<i32>} : memref<2048x128xf32, #tpu.memory_space<vmem>>, vector<2048x128xf32>,
    return
  }
  func.func @transform_0(%arg0: i32) -> (i32, i32) {
    %c0_i32 = arith.constant 0 : i32
    %c0_i32_0 = arith.constant 0 : i32
    return %arg0, %c0_i32 : i32, i32
  }
  func.func @transform_1(%arg0: i32) -> (i32, i32) {
    %c0_i32 = arith.constant 0 : i32
    %c0_i32_0 = arith.constant 0 : i32
    %c0_i32_1 = arith.constant 0 : i32
    return %c0_i32, %c0_i32_0 : i32, i32
  }
  func.func @transform_2(%arg0: i32) -> (i32, i32) {
    %c0_i32 = arith.constant 0 : i32
    %c0_i32_0 = arith.constant 0 : i32
    %c0_i32_1 = arith.constant 0 : i32
    return %c0_i32, %c0_i32_0 : i32, i32
  }
  func.func @transform_3(%arg0: i32) -> (i32, i32) {
    %c0_i32 = arith.constant 0 : i32
    %c0_i32_0 = arith.constant 0 : i32
    return %arg0, %c0_i32 : i32, i32
  }
}

module attributes {stable_mosaic.version = 14 : i64} {
  func.func @body(%arg0: memref<4x2x128xf32, #tpu.memory_space<vmem>>, %arg1: memref<4x2x128xf32, #tpu.memory_space<vmem>>, %arg2: memref<4x2x128xf32, #tpu.memory_space<vmem>>, %arg3: memref<4x1x64xf32, #tpu.memory_space<vmem>>, %arg4: memref<4x1x64xf32, #tpu.memory_space<vmem>>, %arg5: memref<4x1x64xf32, #tpu.memory_space<vmem>>) attributes {dimension_semantics = [], scalar_prefetch = 0 : i64, scratch_operands = 0 : i64, tpu.core_type = #tpu.core_type<tc>} {
    %get3A = arith.constant 0 : index
    %get3A_0 = arith.constant 0 : index
    %get3A_1 = arith.constant 0 : index
    %get3A_2 = vector.load %arg0[%get3A, %get3A_0, %get3A_1] : memref<4x2x128xf32, #tpu.memory_space<vmem>>, vector<4x2x128xf32>
    %get3A_3 = arith.constant 0 : index
    %get3A_4 = arith.constant 0 : index
    %get3A_5 = arith.constant 0 : index
    %get3A_6 = vector.load %arg1[%get3A_3, %get3A_4, %get3A_5] : memref<4x2x128xf32, #tpu.memory_space<vmem>>, vector<4x2x128xf32>
    %get3A_7 = arith.constant 0 : index
    %get3A_8 = arith.constant 0 : index
    %get3A_9 = arith.constant 0 : index
    %get3A_10 = vector.load %arg2[%get3A_7, %get3A_8, %get3A_9] : memref<4x2x128xf32, #tpu.memory_space<vmem>>, vector<4x2x128xf32>
    %iota3A = tpu.iota {dimensions = array<i32: 1>} : vector<4x2x128xi32>
    %mul3A = arith.constant 128 : i32
    %mul3A_11 = vector.broadcast %mul3A : i32 to vector<4x2x128xi32>
    %mul3A_12 = arith.muli %iota3A, %mul3A_11 : vector<4x2x128xi32>
    %iota3A_13 = tpu.iota {dimensions = array<i32: 2>} : vector<4x2x128xi32>
    %add3A = arith.addi %mul3A_12, %iota3A_13 : vector<4x2x128xi32>
    %iota3A_14 = tpu.iota {dimensions = array<i32: 1>} : vector<4x1x64xi32>
    %mul3A_15 = arith.constant 64 : i32
    %mul3A_16 = vector.broadcast %mul3A_15 : i32 to vector<4x1x64xi32>
    %mul3A_17 = arith.muli %iota3A_14, %mul3A_16 : vector<4x1x64xi32>
    %iota3A_18 = tpu.iota {dimensions = array<i32: 2>} : vector<4x1x64xi32>
    %add3A_19 = arith.addi %mul3A_17, %iota3A_18 : vector<4x1x64xi32>
    %broadcast_in_dim3A = arith.constant 0x7F800000 : f32
    %broadcast_in_dim3A_20 = vector.broadcast %broadcast_in_dim3A : f32 to vector<4x2x128xf32>
    %broadcast_in_dim3A_21 = arith.constant 0 : i32
    %broadcast_in_dim3A_22 = vector.broadcast %broadcast_in_dim3A_21 : i32 to vector<4x1x1xi32>
    %scan3A = arith.constant 1 : i32
    %scan3A_23 = arith.constant 63 : i32
    %scan3A_24 = arith.addi %scan3A, %scan3A_23 : i32
    %scan3A_25 = arith.constant 1 : i32
    %scan3A_26:2 = scf.for %scan3A_79 = %scan3A to %scan3A_24 step %scan3A_25 iter_args(%scan3A_80 = %broadcast_in_dim3A_20, %scan3A_81 = %broadcast_in_dim3A_22) -> (vector<4x2x128xf32>, vector<4x1x1xi32>)  : i32 {
      %eq3A_82 = vector.broadcast %scan3A_81 : vector<4x1x1xi32> to vector<4x2x128xi32>
      %eq3A_83 = arith.cmpi eq, %add3A, %eq3A_82 : vector<4x2x128xi32>
      %jit3A_84 = arith.constant 0.000000e+00 : f32
      %broadcast_in_dim3A_85 = vector.broadcast %jit3A_84 : f32 to vector<4x2x128xf32>
      %select_n3A_86 = arith.select %eq3A_83, %get3A_2, %broadcast_in_dim3A_85 : vector<4x2x128xi1>, vector<4x2x128xf32>
      %reduce_sum3A_87 = arith.constant dense<0.000000e+00> : vector<4xf32>
      %reduce_sum3A_88 = vector.multi_reduction <add>, %select_n3A_86, %reduce_sum3A_87 [1, 2] : vector<4x2x128xf32> to vector<4xf32>
      %broadcast_in_dim3A_89 = vector.shape_cast %reduce_sum3A_88 : vector<4xf32> to vector<4x1x1xf32>
      %jit3A_90 = arith.constant 0.000000e+00 : f32
      %broadcast_in_dim3A_91 = vector.broadcast %jit3A_90 : f32 to vector<4x2x128xf32>
      %select_n3A_92 = arith.select %eq3A_83, %get3A_6, %broadcast_in_dim3A_91 : vector<4x2x128xi1>, vector<4x2x128xf32>
      %reduce_sum3A_93 = arith.constant dense<0.000000e+00> : vector<4xf32>
      %reduce_sum3A_94 = vector.multi_reduction <add>, %select_n3A_92, %reduce_sum3A_93 [1, 2] : vector<4x2x128xf32> to vector<4xf32>
      %broadcast_in_dim3A_95 = vector.shape_cast %reduce_sum3A_94 : vector<4xf32> to vector<4x1x1xf32>
      %jit3A_96 = arith.constant 0.000000e+00 : f32
      %broadcast_in_dim3A_97 = vector.broadcast %jit3A_96 : f32 to vector<4x2x128xf32>
      %select_n3A_98 = arith.select %eq3A_83, %get3A_10, %broadcast_in_dim3A_97 : vector<4x2x128xi1>, vector<4x2x128xf32>
      %reduce_sum3A_99 = arith.constant dense<0.000000e+00> : vector<4xf32>
      %reduce_sum3A_100 = vector.multi_reduction <add>, %select_n3A_98, %reduce_sum3A_99 [1, 2] : vector<4x2x128xf32> to vector<4xf32>
      %broadcast_in_dim3A_101 = vector.shape_cast %reduce_sum3A_100 : vector<4xf32> to vector<4x1x1xf32>
      %sub3A = arith.constant 1 : i32
      %sub3A_102 = arith.subi %scan3A_79, %sub3A : i32
      %eq3A_103 = vector.broadcast %sub3A_102 : i32 to vector<4x1x64xi32>
      %eq3A_104 = arith.cmpi eq, %add3A_19, %eq3A_103 : vector<4x1x64xi32>
      %get3A_105 = arith.constant 0 : index
      %get3A_106 = arith.constant 0 : index
      %get3A_107 = arith.constant 0 : index
      %get3A_108 = vector.load %arg3[%get3A_105, %get3A_106, %get3A_107] : memref<4x1x64xf32, #tpu.memory_space<vmem>>, vector<4x1x64xf32>
      %broadcast_in_dim3A_109 = vector.shape_cast %broadcast_in_dim3A_89 : vector<4x1x1xf32> to vector<4x1x1xf32>
      %broadcast_in_dim3A_110 = vector.broadcast %broadcast_in_dim3A_109 : vector<4x1x1xf32> to vector<4x1x64xf32>
      %select_n3A_111 = arith.select %eq3A_104, %broadcast_in_dim3A_110, %get3A_108 : vector<4x1x64xi1>, vector<4x1x64xf32>
      %swap3A_112 = arith.constant 0 : index
      %swap3A_113 = arith.constant 0 : index
      %swap3A_114 = arith.constant 0 : index
      %swap3A_115 = vector.load %arg3[%swap3A_112, %swap3A_113, %swap3A_114] : memref<4x1x64xf32, #tpu.memory_space<vmem>>, vector<4x1x64xf32>
      tpu.vector_store %arg3[%swap3A_112, %swap3A_113, %swap3A_114], %select_n3A_111 {strides = array<i32>} : memref<4x1x64xf32, #tpu.memory_space<vmem>>, vector<4x1x64xf32>,
      %get3A_116 = arith.constant 0 : index
      %get3A_117 = arith.constant 0 : index
      %get3A_118 = arith.constant 0 : index
      %get3A_119 = vector.load %arg4[%get3A_116, %get3A_117, %get3A_118] : memref<4x1x64xf32, #tpu.memory_space<vmem>>, vector<4x1x64xf32>
      %broadcast_in_dim3A_120 = vector.shape_cast %broadcast_in_dim3A_95 : vector<4x1x1xf32> to vector<4x1x1xf32>
      %broadcast_in_dim3A_121 = vector.broadcast %broadcast_in_dim3A_120 : vector<4x1x1xf32> to vector<4x1x64xf32>
      %select_n3A_122 = arith.select %eq3A_104, %broadcast_in_dim3A_121, %get3A_119 : vector<4x1x64xi1>, vector<4x1x64xf32>
      %swap3A_123 = arith.constant 0 : index
      %swap3A_124 = arith.constant 0 : index
      %swap3A_125 = arith.constant 0 : index
      %swap3A_126 = vector.load %arg4[%swap3A_123, %swap3A_124, %swap3A_125] : memref<4x1x64xf32, #tpu.memory_space<vmem>>, vector<4x1x64xf32>
      tpu.vector_store %arg4[%swap3A_123, %swap3A_124, %swap3A_125], %select_n3A_122 {strides = array<i32>} : memref<4x1x64xf32, #tpu.memory_space<vmem>>, vector<4x1x64xf32>,
      %get3A_127 = arith.constant 0 : index
      %get3A_128 = arith.constant 0 : index
      %get3A_129 = arith.constant 0 : index
      %get3A_130 = vector.load %arg5[%get3A_127, %get3A_128, %get3A_129] : memref<4x1x64xf32, #tpu.memory_space<vmem>>, vector<4x1x64xf32>
      %broadcast_in_dim3A_131 = vector.shape_cast %broadcast_in_dim3A_101 : vector<4x1x1xf32> to vector<4x1x1xf32>
      %broadcast_in_dim3A_132 = vector.broadcast %broadcast_in_dim3A_131 : vector<4x1x1xf32> to vector<4x1x64xf32>
      %select_n3A_133 = arith.select %eq3A_104, %broadcast_in_dim3A_132, %get3A_130 : vector<4x1x64xi1>, vector<4x1x64xf32>
      %swap3A_134 = arith.constant 0 : index
      %swap3A_135 = arith.constant 0 : index
      %swap3A_136 = arith.constant 0 : index
      %swap3A_137 = vector.load %arg5[%swap3A_134, %swap3A_135, %swap3A_136] : memref<4x1x64xf32, #tpu.memory_space<vmem>>, vector<4x1x64xf32>
      tpu.vector_store %arg5[%swap3A_134, %swap3A_135, %swap3A_136], %select_n3A_133 {strides = array<i32>} : memref<4x1x64xf32, #tpu.memory_space<vmem>>, vector<4x1x64xf32>,
      %sub3A_138 = vector.broadcast %broadcast_in_dim3A_89 : vector<4x1x1xf32> to vector<4x2x128xf32>
      %sub3A_139 = arith.subf %get3A_2, %sub3A_138 : vector<4x2x128xf32>
      %integer_pow3A = arith.mulf %sub3A_139, %sub3A_139 : vector<4x2x128xf32>
      %sub3A_140 = vector.broadcast %broadcast_in_dim3A_95 : vector<4x1x1xf32> to vector<4x2x128xf32>
      %sub3A_141 = arith.subf %get3A_6, %sub3A_140 : vector<4x2x128xf32>
      %integer_pow3A_142 = arith.mulf %sub3A_141, %sub3A_141 : vector<4x2x128xf32>
      %add3A_143 = arith.addf %integer_pow3A, %integer_pow3A_142 : vector<4x2x128xf32>
      %sub3A_144 = vector.broadcast %broadcast_in_dim3A_101 : vector<4x1x1xf32> to vector<4x2x128xf32>
      %sub3A_145 = arith.subf %get3A_10, %sub3A_144 : vector<4x2x128xf32>
      %integer_pow3A_146 = arith.mulf %sub3A_145, %sub3A_145 : vector<4x2x128xf32>
      %add3A_147 = arith.addf %add3A_143, %integer_pow3A_146 : vector<4x2x128xf32>
      %min3A = arith.minimumf %scan3A_80, %add3A_147 : vector<4x2x128xf32>
      %reduce_max3A = arith.constant dense<0xFF800000> : vector<4xf32>
      %reduce_max3A_148 = vector.multi_reduction <maximumf>, %min3A, %reduce_max3A [1, 2] : vector<4x2x128xf32> to vector<4xf32>
      %broadcast_in_dim3A_149 = vector.shape_cast %reduce_max3A_148 : vector<4xf32> to vector<4x1x1xf32>
      %eq3A_150 = vector.broadcast %broadcast_in_dim3A_149 : vector<4x1x1xf32> to vector<4x2x128xf32>
      %eq3A_151 = arith.cmpf oeq, %min3A, %eq3A_150 : vector<4x2x128xf32>
      %jit3A_152 = arith.constant 256 : i32
      %broadcast_in_dim3A_153 = vector.broadcast %jit3A_152 : i32 to vector<4x2x128xi32>
      %select_n3A_154 = arith.select %eq3A_151, %add3A, %broadcast_in_dim3A_153 : vector<4x2x128xi1>, vector<4x2x128xi32>
      %reduce_min3A = arith.constant dense<2147483647> : vector<4xi32>
      %reduce_min3A_155 = vector.multi_reduction <minsi>, %select_n3A_154, %reduce_min3A [1, 2] : vector<4x2x128xi32> to vector<4xi32>
      %broadcast_in_dim3A_156 = vector.shape_cast %reduce_min3A_155 : vector<4xi32> to vector<4x1x1xi32>
      scf.yield %min3A, %broadcast_in_dim3A_156 : vector<4x2x128xf32>, vector<4x1x1xi32>
    }
    %scan3A_27 = arith.constant 63 : i32
    %eq3A = vector.broadcast %scan3A_26#1 : vector<4x1x1xi32> to vector<4x2x128xi32>
    %eq3A_28 = arith.cmpi eq, %add3A, %eq3A : vector<4x2x128xi32>
    %jit3A = arith.constant 0.000000e+00 : f32
    %broadcast_in_dim3A_29 = vector.broadcast %jit3A : f32 to vector<4x2x128xf32>
    %select_n3A = arith.select %eq3A_28, %get3A_2, %broadcast_in_dim3A_29 : vector<4x2x128xi1>, vector<4x2x128xf32>
    %reduce_sum3A = arith.constant dense<0.000000e+00> : vector<4xf32>
    %reduce_sum3A_30 = vector.multi_reduction <add>, %select_n3A, %reduce_sum3A [1, 2] : vector<4x2x128xf32> to vector<4xf32>
    %broadcast_in_dim3A_31 = vector.shape_cast %reduce_sum3A_30 : vector<4xf32> to vector<4x1x1xf32>
    %jit3A_32 = arith.constant 0.000000e+00 : f32
    %broadcast_in_dim3A_33 = vector.broadcast %jit3A_32 : f32 to vector<4x2x128xf32>
    %select_n3A_34 = arith.select %eq3A_28, %get3A_6, %broadcast_in_dim3A_33 : vector<4x2x128xi1>, vector<4x2x128xf32>
    %reduce_sum3A_35 = arith.constant dense<0.000000e+00> : vector<4xf32>
    %reduce_sum3A_36 = vector.multi_reduction <add>, %select_n3A_34, %reduce_sum3A_35 [1, 2] : vector<4x2x128xf32> to vector<4xf32>
    %broadcast_in_dim3A_37 = vector.shape_cast %reduce_sum3A_36 : vector<4xf32> to vector<4x1x1xf32>
    %jit3A_38 = arith.constant 0.000000e+00 : f32
    %broadcast_in_dim3A_39 = vector.broadcast %jit3A_38 : f32 to vector<4x2x128xf32>
    %select_n3A_40 = arith.select %eq3A_28, %get3A_10, %broadcast_in_dim3A_39 : vector<4x2x128xi1>, vector<4x2x128xf32>
    %reduce_sum3A_41 = arith.constant dense<0.000000e+00> : vector<4xf32>
    %reduce_sum3A_42 = vector.multi_reduction <add>, %select_n3A_40, %reduce_sum3A_41 [1, 2] : vector<4x2x128xf32> to vector<4xf32>
    %broadcast_in_dim3A_43 = vector.shape_cast %reduce_sum3A_42 : vector<4xf32> to vector<4x1x1xf32>
    %eq3A_44 = arith.constant 63 : i32
    %eq3A_45 = vector.broadcast %eq3A_44 : i32 to vector<4x1x64xi32>
    %eq3A_46 = arith.cmpi eq, %add3A_19, %eq3A_45 : vector<4x1x64xi32>
    %get3A_47 = arith.constant 0 : index
    %get3A_48 = arith.constant 0 : index
    %get3A_49 = arith.constant 0 : index
    %get3A_50 = vector.load %arg3[%get3A_47, %get3A_48, %get3A_49] : memref<4x1x64xf32, #tpu.memory_space<vmem>>, vector<4x1x64xf32>
    %broadcast_in_dim3A_51 = vector.shape_cast %broadcast_in_dim3A_31 : vector<4x1x1xf32> to vector<4x1x1xf32>
    %broadcast_in_dim3A_52 = vector.broadcast %broadcast_in_dim3A_51 : vector<4x1x1xf32> to vector<4x1x64xf32>
    %select_n3A_53 = arith.select %eq3A_46, %broadcast_in_dim3A_52, %get3A_50 : vector<4x1x64xi1>, vector<4x1x64xf32>
    %swap3A = arith.constant 0 : index
    %swap3A_54 = arith.constant 0 : index
    %swap3A_55 = arith.constant 0 : index
    %swap3A_56 = vector.load %arg3[%swap3A, %swap3A_54, %swap3A_55] : memref<4x1x64xf32, #tpu.memory_space<vmem>>, vector<4x1x64xf32>
    tpu.vector_store %arg3[%swap3A, %swap3A_54, %swap3A_55], %select_n3A_53 {strides = array<i32>} : memref<4x1x64xf32, #tpu.memory_space<vmem>>, vector<4x1x64xf32>,
    %get3A_57 = arith.constant 0 : index
    %get3A_58 = arith.constant 0 : index
    %get3A_59 = arith.constant 0 : index
    %get3A_60 = vector.load %arg4[%get3A_57, %get3A_58, %get3A_59] : memref<4x1x64xf32, #tpu.memory_space<vmem>>, vector<4x1x64xf32>
    %broadcast_in_dim3A_61 = vector.shape_cast %broadcast_in_dim3A_37 : vector<4x1x1xf32> to vector<4x1x1xf32>
    %broadcast_in_dim3A_62 = vector.broadcast %broadcast_in_dim3A_61 : vector<4x1x1xf32> to vector<4x1x64xf32>
    %select_n3A_63 = arith.select %eq3A_46, %broadcast_in_dim3A_62, %get3A_60 : vector<4x1x64xi1>, vector<4x1x64xf32>
    %swap3A_64 = arith.constant 0 : index
    %swap3A_65 = arith.constant 0 : index
    %swap3A_66 = arith.constant 0 : index
    %swap3A_67 = vector.load %arg4[%swap3A_64, %swap3A_65, %swap3A_66] : memref<4x1x64xf32, #tpu.memory_space<vmem>>, vector<4x1x64xf32>
    tpu.vector_store %arg4[%swap3A_64, %swap3A_65, %swap3A_66], %select_n3A_63 {strides = array<i32>} : memref<4x1x64xf32, #tpu.memory_space<vmem>>, vector<4x1x64xf32>,
    %get3A_68 = arith.constant 0 : index
    %get3A_69 = arith.constant 0 : index
    %get3A_70 = arith.constant 0 : index
    %get3A_71 = vector.load %arg5[%get3A_68, %get3A_69, %get3A_70] : memref<4x1x64xf32, #tpu.memory_space<vmem>>, vector<4x1x64xf32>
    %broadcast_in_dim3A_72 = vector.shape_cast %broadcast_in_dim3A_43 : vector<4x1x1xf32> to vector<4x1x1xf32>
    %broadcast_in_dim3A_73 = vector.broadcast %broadcast_in_dim3A_72 : vector<4x1x1xf32> to vector<4x1x64xf32>
    %select_n3A_74 = arith.select %eq3A_46, %broadcast_in_dim3A_73, %get3A_71 : vector<4x1x64xi1>, vector<4x1x64xf32>
    %swap3A_75 = arith.constant 0 : index
    %swap3A_76 = arith.constant 0 : index
    %swap3A_77 = arith.constant 0 : index
    %swap3A_78 = vector.load %arg5[%swap3A_75, %swap3A_76, %swap3A_77] : memref<4x1x64xf32, #tpu.memory_space<vmem>>, vector<4x1x64xf32>
    tpu.vector_store %arg5[%swap3A_75, %swap3A_76, %swap3A_77], %select_n3A_74 {strides = array<i32>} : memref<4x1x64xf32, #tpu.memory_space<vmem>>, vector<4x1x64xf32>,
    return
  }
}

module attributes {stable_mosaic.version = 14 : i64} {
  func.func @body(%arg0: i32, %arg1: i32, %arg2: memref<1x1x256xf32, #tpu.memory_space<vmem>>, %arg3: memref<1x1x256xf32, #tpu.memory_space<vmem>>, %arg4: memref<1x1x256xf32, #tpu.memory_space<vmem>>, %arg5: memref<1x64x1xf32, #tpu.memory_space<vmem>>, %arg6: memref<1x64x1xf32, #tpu.memory_space<vmem>>, %arg7: memref<1x64x1xf32, #tpu.memory_space<vmem>>, %arg8: memref<1x64x64xi32, #tpu.memory_space<vmem>>, %arg9: memref<1x64x64xf32, #tpu.memory_space<vmem>>) attributes {dimension_semantics = [#tpu.dimension_semantics<arbitrary>, #tpu.dimension_semantics<arbitrary>], iteration_bounds = array<i64: 4, 1>, scalar_prefetch = 0 : i64, scratch_operands = 0 : i64, tpu.core_type = #tpu.core_type<tc>, window_params = [{transform_indices = @transform_0, window_bounds = array<i64: 1, 1, 256>}, {transform_indices = @transform_1, window_bounds = array<i64: 1, 1, 256>}, {transform_indices = @transform_2, window_bounds = array<i64: 1, 1, 256>}, {transform_indices = @transform_3, window_bounds = array<i64: 1, 64, 1>}, {transform_indices = @transform_4, window_bounds = array<i64: 1, 64, 1>}, {transform_indices = @transform_5, window_bounds = array<i64: 1, 64, 1>}, {transform_indices = @transform_6, window_bounds = array<i64: 1, 64, 64>}, {transform_indices = @transform_7, window_bounds = array<i64: 1, 64, 64>}]} {
    %get3A = arith.constant 0 : index
    %get3A_0 = arith.constant 0 : index
    %get3A_1 = arith.constant 0 : index
    %get3A_2 = vector.load %arg2[%get3A, %get3A_0, %get3A_1] : memref<1x1x256xf32, #tpu.memory_space<vmem>>, vector<1x1x256xf32>
    %get3A_3 = vector.shape_cast %get3A_2 : vector<1x1x256xf32> to vector<1x256xf32>
    %get3A_4 = arith.constant 0 : index
    %get3A_5 = arith.constant 0 : index
    %get3A_6 = arith.constant 0 : index
    %get3A_7 = vector.load %arg3[%get3A_4, %get3A_5, %get3A_6] : memref<1x1x256xf32, #tpu.memory_space<vmem>>, vector<1x1x256xf32>
    %get3A_8 = vector.shape_cast %get3A_7 : vector<1x1x256xf32> to vector<1x256xf32>
    %get3A_9 = arith.constant 0 : index
    %get3A_10 = arith.constant 0 : index
    %get3A_11 = arith.constant 0 : index
    %get3A_12 = vector.load %arg4[%get3A_9, %get3A_10, %get3A_11] : memref<1x1x256xf32, #tpu.memory_space<vmem>>, vector<1x1x256xf32>
    %get3A_13 = vector.shape_cast %get3A_12 : vector<1x1x256xf32> to vector<1x256xf32>
    %get3A_14 = arith.constant 0 : index
    %get3A_15 = arith.constant 0 : index
    %get3A_16 = arith.constant 0 : index
    %get3A_17 = vector.load %arg5[%get3A_14, %get3A_15, %get3A_16] : memref<1x64x1xf32, #tpu.memory_space<vmem>>, vector<1x64x1xf32>
    %get3A_18 = vector.shape_cast %get3A_17 : vector<1x64x1xf32> to vector<64x1xf32>
    %get3A_19 = arith.constant 0 : index
    %get3A_20 = arith.constant 0 : index
    %get3A_21 = arith.constant 0 : index
    %get3A_22 = vector.load %arg6[%get3A_19, %get3A_20, %get3A_21] : memref<1x64x1xf32, #tpu.memory_space<vmem>>, vector<1x64x1xf32>
    %get3A_23 = vector.shape_cast %get3A_22 : vector<1x64x1xf32> to vector<64x1xf32>
    %get3A_24 = arith.constant 0 : index
    %get3A_25 = arith.constant 0 : index
    %get3A_26 = arith.constant 0 : index
    %get3A_27 = vector.load %arg7[%get3A_24, %get3A_25, %get3A_26] : memref<1x64x1xf32, #tpu.memory_space<vmem>>, vector<1x64x1xf32>
    %get3A_28 = vector.shape_cast %get3A_27 : vector<1x64x1xf32> to vector<64x1xf32>
    %sub3A = vector.broadcast %get3A_18 : vector<64x1xf32> to vector<64x256xf32>
    %sub3A_29 = vector.broadcast %get3A_3 : vector<1x256xf32> to vector<64x256xf32>
    %sub3A_30 = arith.subf %sub3A, %sub3A_29 : vector<64x256xf32>
    %integer_pow3A = arith.mulf %sub3A_30, %sub3A_30 : vector<64x256xf32>
    %sub3A_31 = vector.broadcast %get3A_23 : vector<64x1xf32> to vector<64x256xf32>
    %sub3A_32 = vector.broadcast %get3A_8 : vector<1x256xf32> to vector<64x256xf32>
    %sub3A_33 = arith.subf %sub3A_31, %sub3A_32 : vector<64x256xf32>
    %integer_pow3A_34 = arith.mulf %sub3A_33, %sub3A_33 : vector<64x256xf32>
    %add3A = arith.addf %integer_pow3A, %integer_pow3A_34 : vector<64x256xf32>
    %sub3A_35 = vector.broadcast %get3A_28 : vector<64x1xf32> to vector<64x256xf32>
    %sub3A_36 = vector.broadcast %get3A_13 : vector<1x256xf32> to vector<64x256xf32>
    %sub3A_37 = arith.subf %sub3A_35, %sub3A_36 : vector<64x256xf32>
    %integer_pow3A_38 = arith.mulf %sub3A_37, %sub3A_37 : vector<64x256xf32>
    %add3A_39 = arith.addf %add3A, %integer_pow3A_38 : vector<64x256xf32>
    %le3A = arith.constant 2.500000e-01 : f32
    %le3A_40 = vector.broadcast %le3A : f32 to vector<64x256xf32>
    %le3A_41 = arith.cmpf ole, %add3A_39, %le3A_40 : vector<64x256xf32>
    %jit3A = arith.constant 0x7F800000 : f32
    %broadcast_in_dim3A = vector.broadcast %jit3A : f32 to vector<64x256xf32>
    %select_n3A = arith.select %le3A_41, %add3A_39, %broadcast_in_dim3A : vector<64x256xi1>, vector<64x256xf32>
    %iota3A = tpu.iota {dimensions = array<i32: 1>} : vector<64x256xi32>
    %iota3A_42 = tpu.iota {dimensions = array<i32: 1>} : vector<64x64xi32>
    %lt3A = arith.constant 0x7F800000 : f32
    %lt3A_43 = vector.broadcast %lt3A : f32 to vector<64x256xf32>
    %lt3A_44 = arith.cmpf olt, %select_n3A, %lt3A_43 : vector<64x256xf32>
    %jit3A_45 = arith.constant 1 : i32
    %jit3A_46 = arith.constant 0 : i32
    %broadcast_in_dim3A_47 = vector.broadcast %jit3A_45 : i32 to vector<64x256xi32>
    %broadcast_in_dim3A_48 = vector.broadcast %jit3A_46 : i32 to vector<64x256xi32>
    %select_n3A_49 = arith.select %lt3A_44, %broadcast_in_dim3A_47, %broadcast_in_dim3A_48 : vector<64x256xi1>, vector<64x256xi32>
    %reduce_sum3A = arith.constant dense<0> : vector<64xi32>
    %reduce_sum3A_50 = vector.multi_reduction <add>, %select_n3A_49, %reduce_sum3A [1] : vector<64x256xi32> to vector<64xi32>
    %reduce_max3A = vector.shape_cast %reduce_sum3A_50 : vector<64xi32> to vector<1x64xi32>
    %reduce_max3A_51 = arith.constant dense<-2147483648> : vector<1xi32>
    %reduce_max3A_52 = vector.multi_reduction <maxsi>, %reduce_max3A, %reduce_max3A_51 [1] : vector<1x64xi32> to vector<1xi32>
    %reduce_max3A_53 = vector.shape_cast %reduce_max3A_52 : vector<1xi32> to vector<1x1xi32>
    %reduce_max3A_54 = vector.extract %reduce_max3A_53[0, 0] : i32 from vector<1x1xi32>
    %min3A = arith.constant 64 : i32
    %min3A_55 = arith.minsi %reduce_max3A_54, %min3A : i32
    %broadcast_in_dim3A_56 = arith.constant 0 : i32
    %broadcast_in_dim3A_57 = vector.broadcast %broadcast_in_dim3A_56 : i32 to vector<64x64xi32>
    %broadcast_in_dim3A_58 = arith.constant 0.000000e+00 : f32
    %broadcast_in_dim3A_59 = vector.broadcast %broadcast_in_dim3A_58 : f32 to vector<64x64xf32>
    %while3A = arith.constant 0 : i32
    %while3A_60 = arith.subi %min3A_55, %while3A : i32
    %while3A_61 = arith.addi %while3A, %while3A_60 : i32
    %while3A_62 = arith.constant 1 : i32
    %while3A_63 = arith.divsi %while3A_60, %while3A_62 : i32
    %while3A_64 = arith.muli %while3A_63, %while3A_62 : i32
    %while3A_65 = arith.addi %while3A, %while3A_64 : i32
    %while3A_66 = arith.constant 1 : i32
    %while3A_67:3 = scf.for %while3A_96 = %while3A to %while3A_65 step %while3A_66 iter_args(%while3A_97 = %select_n3A, %while3A_98 = %broadcast_in_dim3A_57, %while3A_99 = %broadcast_in_dim3A_59) -> (vector<64x256xf32>, vector<64x64xi32>, vector<64x64xf32>)  : i32 {
      %reduce_min3A = arith.constant dense<0x7F800000> : vector<64xf32>
      %reduce_min3A_100 = vector.multi_reduction <minimumf>, %while3A_97, %reduce_min3A [1] : vector<64x256xf32> to vector<64xf32>
      %broadcast_in_dim3A_101 = vector.shape_cast %reduce_min3A_100 : vector<64xf32> to vector<64x1xf32>
      %eq3A_102 = vector.broadcast %broadcast_in_dim3A_101 : vector<64x1xf32> to vector<64x256xf32>
      %eq3A_103 = arith.cmpf oeq, %while3A_97, %eq3A_102 : vector<64x256xf32>
      %jit3A_104 = arith.constant 256 : i32
      %broadcast_in_dim3A_105 = vector.broadcast %jit3A_104 : i32 to vector<64x256xi32>
      %select_n3A_106 = arith.select %eq3A_103, %iota3A, %broadcast_in_dim3A_105 : vector<64x256xi1>, vector<64x256xi32>
      %reduce_min3A_107 = arith.constant dense<2147483647> : vector<64xi32>
      %reduce_min3A_108 = vector.multi_reduction <minsi>, %select_n3A_106, %reduce_min3A_107 [1] : vector<64x256xi32> to vector<64xi32>
      %broadcast_in_dim3A_109 = vector.shape_cast %reduce_min3A_108 : vector<64xi32> to vector<64x1xi32>
      %lt3A_110 = arith.constant 0x7F800000 : f32
      %lt3A_111 = vector.broadcast %lt3A_110 : f32 to vector<64x1xf32>
      %lt3A_112 = arith.cmpf olt, %broadcast_in_dim3A_101, %lt3A_111 : vector<64x1xf32>
      %eq3A_113 = vector.broadcast %while3A_96 : i32 to vector<64x64xi32>
      %eq3A_114 = arith.cmpi eq, %iota3A_42, %eq3A_113 : vector<64x64xi32>
      %broadcast_in_dim3A_115 = vector.shape_cast %broadcast_in_dim3A_109 : vector<64x1xi32> to vector<64x1xi32>
      %broadcast_in_dim3A_116 = vector.broadcast %broadcast_in_dim3A_115 : vector<64x1xi32> to vector<64x64xi32>
      %select_n3A_117 = arith.select %eq3A_114, %broadcast_in_dim3A_116, %while3A_98 : vector<64x64xi1>, vector<64x64xi32>
      %eq3A_118 = vector.broadcast %while3A_96 : i32 to vector<64x64xi32>
      %eq3A_119 = arith.cmpi eq, %iota3A_42, %eq3A_118 : vector<64x64xi32>
      %jit3A_120 = arith.constant 1.000000e+00 : f32
      %jit3A_121 = arith.constant 0.000000e+00 : f32
      %broadcast_in_dim3A_122 = vector.broadcast %jit3A_120 : f32 to vector<64x1xf32>
      %broadcast_in_dim3A_123 = vector.broadcast %jit3A_121 : f32 to vector<64x1xf32>
      %select_n3A_124 = arith.select %lt3A_112, %broadcast_in_dim3A_122, %broadcast_in_dim3A_123 : vector<64x1xi1>, vector<64x1xf32>
      %broadcast_in_dim3A_125 = vector.shape_cast %select_n3A_124 : vector<64x1xf32> to vector<64x1xf32>
      %broadcast_in_dim3A_126 = vector.broadcast %broadcast_in_dim3A_125 : vector<64x1xf32> to vector<64x64xf32>
      %select_n3A_127 = arith.select %eq3A_119, %broadcast_in_dim3A_126, %while3A_99 : vector<64x64xi1>, vector<64x64xf32>
      %eq3A_128 = vector.broadcast %broadcast_in_dim3A_109 : vector<64x1xi32> to vector<64x256xi32>
      %eq3A_129 = arith.cmpi eq, %iota3A, %eq3A_128 : vector<64x256xi32>
      %jit3A_130 = arith.constant 0x7F800000 : f32
      %broadcast_in_dim3A_131 = vector.broadcast %jit3A_130 : f32 to vector<64x256xf32>
      %select_n3A_132 = arith.select %eq3A_129, %broadcast_in_dim3A_131, %while3A_97 : vector<64x256xi1>, vector<64x256xf32>
      scf.yield %select_n3A_132, %select_n3A_117, %select_n3A_127 : vector<64x256xf32>, vector<64x64xi32>, vector<64x64xf32>
    }
    %while3A_68 = arith.constant 1 : i32
    %while3A_69:3 = scf.for %while3A_96 = %while3A_65 to %while3A_61 step %while3A_68 iter_args(%while3A_97 = %while3A_67#0, %while3A_98 = %while3A_67#1, %while3A_99 = %while3A_67#2) -> (vector<64x256xf32>, vector<64x64xi32>, vector<64x64xf32>)  : i32 {
      %reduce_min3A = arith.constant dense<0x7F800000> : vector<64xf32>
      %reduce_min3A_100 = vector.multi_reduction <minimumf>, %while3A_97, %reduce_min3A [1] : vector<64x256xf32> to vector<64xf32>
      %broadcast_in_dim3A_101 = vector.shape_cast %reduce_min3A_100 : vector<64xf32> to vector<64x1xf32>
      %eq3A_102 = vector.broadcast %broadcast_in_dim3A_101 : vector<64x1xf32> to vector<64x256xf32>
      %eq3A_103 = arith.cmpf oeq, %while3A_97, %eq3A_102 : vector<64x256xf32>
      %jit3A_104 = arith.constant 256 : i32
      %broadcast_in_dim3A_105 = vector.broadcast %jit3A_104 : i32 to vector<64x256xi32>
      %select_n3A_106 = arith.select %eq3A_103, %iota3A, %broadcast_in_dim3A_105 : vector<64x256xi1>, vector<64x256xi32>
      %reduce_min3A_107 = arith.constant dense<2147483647> : vector<64xi32>
      %reduce_min3A_108 = vector.multi_reduction <minsi>, %select_n3A_106, %reduce_min3A_107 [1] : vector<64x256xi32> to vector<64xi32>
      %broadcast_in_dim3A_109 = vector.shape_cast %reduce_min3A_108 : vector<64xi32> to vector<64x1xi32>
      %lt3A_110 = arith.constant 0x7F800000 : f32
      %lt3A_111 = vector.broadcast %lt3A_110 : f32 to vector<64x1xf32>
      %lt3A_112 = arith.cmpf olt, %broadcast_in_dim3A_101, %lt3A_111 : vector<64x1xf32>
      %eq3A_113 = vector.broadcast %while3A_96 : i32 to vector<64x64xi32>
      %eq3A_114 = arith.cmpi eq, %iota3A_42, %eq3A_113 : vector<64x64xi32>
      %broadcast_in_dim3A_115 = vector.shape_cast %broadcast_in_dim3A_109 : vector<64x1xi32> to vector<64x1xi32>
      %broadcast_in_dim3A_116 = vector.broadcast %broadcast_in_dim3A_115 : vector<64x1xi32> to vector<64x64xi32>
      %select_n3A_117 = arith.select %eq3A_114, %broadcast_in_dim3A_116, %while3A_98 : vector<64x64xi1>, vector<64x64xi32>
      %eq3A_118 = vector.broadcast %while3A_96 : i32 to vector<64x64xi32>
      %eq3A_119 = arith.cmpi eq, %iota3A_42, %eq3A_118 : vector<64x64xi32>
      %jit3A_120 = arith.constant 1.000000e+00 : f32
      %jit3A_121 = arith.constant 0.000000e+00 : f32
      %broadcast_in_dim3A_122 = vector.broadcast %jit3A_120 : f32 to vector<64x1xf32>
      %broadcast_in_dim3A_123 = vector.broadcast %jit3A_121 : f32 to vector<64x1xf32>
      %select_n3A_124 = arith.select %lt3A_112, %broadcast_in_dim3A_122, %broadcast_in_dim3A_123 : vector<64x1xi1>, vector<64x1xf32>
      %broadcast_in_dim3A_125 = vector.shape_cast %select_n3A_124 : vector<64x1xf32> to vector<64x1xf32>
      %broadcast_in_dim3A_126 = vector.broadcast %broadcast_in_dim3A_125 : vector<64x1xf32> to vector<64x64xf32>
      %select_n3A_127 = arith.select %eq3A_119, %broadcast_in_dim3A_126, %while3A_99 : vector<64x64xi1>, vector<64x64xf32>
      %eq3A_128 = vector.broadcast %broadcast_in_dim3A_109 : vector<64x1xi32> to vector<64x256xi32>
      %eq3A_129 = arith.cmpi eq, %iota3A, %eq3A_128 : vector<64x256xi32>
      %jit3A_130 = arith.constant 0x7F800000 : f32
      %broadcast_in_dim3A_131 = vector.broadcast %jit3A_130 : f32 to vector<64x256xf32>
      %select_n3A_132 = arith.select %eq3A_129, %broadcast_in_dim3A_131, %while3A_97 : vector<64x256xi1>, vector<64x256xf32>
      scf.yield %select_n3A_132, %select_n3A_117, %select_n3A_127 : vector<64x256xf32>, vector<64x64xi32>, vector<64x64xf32>
    }
    %jit3A_70 = arith.constant 4 : i32
    %eq3A = arith.constant 0 : i32
    %eq3A_71 = arith.cmpi eq, %jit3A_70, %eq3A : i32
    %jit3A_72 = arith.constant 1 : i32
    %select_n3A_73 = arith.select %eq3A_71, %jit3A_72, %jit3A_70 : i32
    %rem3A = arith.remsi %arg0, %select_n3A_73 : i32
    %ne3A = arith.constant 0 : i32
    %ne3A_74 = arith.cmpi ne, %rem3A, %ne3A : i32
    %lt3A_75 = arith.constant 0 : i32
    %lt3A_76 = arith.cmpi slt, %rem3A, %lt3A_75 : i32
    %lt3A_77 = arith.constant 0 : i32
    %lt3A_78 = arith.cmpi slt, %select_n3A_73, %lt3A_77 : i32
    %ne3A_79 = arith.xori %lt3A_76, %lt3A_78 : i1
    %and3A = arith.andi %ne3A_79, %ne3A_74 : i1
    %add3A_80 = arith.addi %rem3A, %select_n3A_73 : i32
    %select_n3A_81 = arith.select %and3A, %add3A_80, %rem3A : i32
    %mul3A = arith.constant 256 : i32
    %mul3A_82 = arith.muli %select_n3A_81, %mul3A : i32
    %add3A_83 = vector.broadcast %mul3A_82 : i32 to vector<64x64xi32>
    %add3A_84 = arith.addi %while3A_69#1, %add3A_83 : vector<64x64xi32>
    %swap3A = arith.constant 0 : index
    %swap3A_85 = arith.constant 0 : index
    %swap3A_86 = arith.constant 0 : index
    %swap3A_87 = vector.load %arg8[%swap3A, %swap3A_85, %swap3A_86] : memref<1x64x64xi32, #tpu.memory_space<vmem>>, vector<1x64x64xi32>
    %swap3A_88 = vector.shape_cast %swap3A_87 : vector<1x64x64xi32> to vector<64x64xi32>
    %swap3A_89 = vector.shape_cast %add3A_84 : vector<64x64xi32> to vector<1x64x64xi32>
    tpu.vector_store %arg8[%swap3A, %swap3A_85, %swap3A_86], %swap3A_89 {strides = array<i32>} : memref<1x64x64xi32, #tpu.memory_space<vmem>>, vector<1x64x64xi32>,
    %swap3A_90 = arith.constant 0 : index
    %swap3A_91 = arith.constant 0 : index
    %swap3A_92 = arith.constant 0 : index
    %swap3A_93 = vector.load %arg9[%swap3A_90, %swap3A_91, %swap3A_92] : memref<1x64x64xf32, #tpu.memory_space<vmem>>, vector<1x64x64xf32>
    %swap3A_94 = vector.shape_cast %swap3A_93 : vector<1x64x64xf32> to vector<64x64xf32>
    %swap3A_95 = vector.shape_cast %while3A_69#2 : vector<64x64xf32> to vector<1x64x64xf32>
    tpu.vector_store %arg9[%swap3A_90, %swap3A_91, %swap3A_92], %swap3A_95 {strides = array<i32>} : memref<1x64x64xf32, #tpu.memory_space<vmem>>, vector<1x64x64xf32>,
    return
  }
  func.func @transform_0(%arg0: i32, %arg1: i32) -> (i32, i32, i32) {
    %c0_i32 = arith.constant 0 : i32
    %c0_i32_0 = arith.constant 0 : i32
    %c0_i32_1 = arith.constant 0 : i32
    return %arg0, %c0_i32, %c0_i32_0 : i32, i32, i32
  }
  func.func @transform_1(%arg0: i32, %arg1: i32) -> (i32, i32, i32) {
    %c0_i32 = arith.constant 0 : i32
    %c0_i32_0 = arith.constant 0 : i32
    %c0_i32_1 = arith.constant 0 : i32
    return %arg0, %c0_i32, %c0_i32_0 : i32, i32, i32
  }
  func.func @transform_2(%arg0: i32, %arg1: i32) -> (i32, i32, i32) {
    %c0_i32 = arith.constant 0 : i32
    %c0_i32_0 = arith.constant 0 : i32
    %c0_i32_1 = arith.constant 0 : i32
    return %arg0, %c0_i32, %c0_i32_0 : i32, i32, i32
  }
  func.func @transform_3(%arg0: i32, %arg1: i32) -> (i32, i32, i32) {
    %c0_i32 = arith.constant 0 : i32
    %c0_i32_0 = arith.constant 0 : i32
    return %arg0, %arg1, %c0_i32 : i32, i32, i32
  }
  func.func @transform_4(%arg0: i32, %arg1: i32) -> (i32, i32, i32) {
    %c0_i32 = arith.constant 0 : i32
    %c0_i32_0 = arith.constant 0 : i32
    return %arg0, %arg1, %c0_i32 : i32, i32, i32
  }
  func.func @transform_5(%arg0: i32, %arg1: i32) -> (i32, i32, i32) {
    %c0_i32 = arith.constant 0 : i32
    %c0_i32_0 = arith.constant 0 : i32
    return %arg0, %arg1, %c0_i32 : i32, i32, i32
  }
  func.func @transform_6(%arg0: i32, %arg1: i32) -> (i32, i32, i32) {
    %c0_i32 = arith.constant 0 : i32
    %c0_i32_0 = arith.constant 0 : i32
    return %arg0, %arg1, %c0_i32 : i32, i32, i32
  }
  func.func @transform_7(%arg0: i32, %arg1: i32) -> (i32, i32, i32) {
    %c0_i32 = arith.constant 0 : i32
    %c0_i32_0 = arith.constant 0 : i32
    return %arg0, %arg1, %c0_i32 : i32, i32, i32
  }
}

module attributes {stable_mosaic.version = 14 : i64} {
  func.func @body(%arg0: i32, %arg1: memref<1024x3xf32, #tpu.memory_space<vmem>>, %arg2: memref<3x128xf32, #tpu.memory_space<vmem>>, %arg3: memref<1x128xf32, #tpu.memory_space<vmem>>, %arg4: memref<1024x128xf32, #tpu.memory_space<vmem>>) attributes {dimension_semantics = [#tpu.dimension_semantics<arbitrary>], iteration_bounds = array<i64: 1>, scalar_prefetch = 0 : i64, scratch_operands = 0 : i64, tpu.core_type = #tpu.core_type<tc>, window_params = [{transform_indices = @transform_0, window_bounds = array<i64: 1024, 3>}, {pipeline_mode = #tpu.pipeline_mode<synchronous>, transform_indices = @transform_1, window_bounds = array<i64: 3, 128>}, {pipeline_mode = #tpu.pipeline_mode<synchronous>, transform_indices = @transform_2, window_bounds = array<i64: 1, 128>}, {transform_indices = @transform_3, window_bounds = array<i64: 1024, 128>}]} {
    %get3A = arith.constant 0 : index
    %get3A_0 = arith.constant 0 : index
    %get3A_1 = vector.load %arg1[%get3A, %get3A_0] : memref<1024x3xf32, #tpu.memory_space<vmem>>, vector<1024x3xf32>
    %get3A_2 = arith.constant 0 : index
    %get3A_3 = arith.constant 0 : index
    %get3A_4 = vector.load %arg2[%get3A_2, %get3A_3] : memref<3x128xf32, #tpu.memory_space<vmem>>, vector<3x128xf32>
    %dot_general3A = arith.constant dense<0.000000e+00> : vector<1024x128xf32>
    %dot_general3A_5 = tpu.matmul %get3A_1, %get3A_4, %dot_general3A {dimension_numbers = #tpu.dot_dimension_numbers<[1], [0], [0], [1], [0, 0, 1, 1], [], []>, transpose_lhs_hint = false} : vector<1024x3xf32>, vector<3x128xf32>, vector<1024x128xf32> -> vector<1024x128xf32>
    %get3A_6 = arith.constant 0 : index
    %get3A_7 = arith.constant 0 : index
    %get3A_8 = vector.load %arg3[%get3A_6, %get3A_7] : memref<1x128xf32, #tpu.memory_space<vmem>>, vector<1x128xf32>
    %add3A = vector.broadcast %get3A_8 : vector<1x128xf32> to vector<1024x128xf32>
    %add3A_9 = arith.addf %dot_general3A_5, %add3A : vector<1024x128xf32>
    %swap3A = arith.constant 0 : index
    %swap3A_10 = arith.constant 0 : index
    %swap3A_11 = vector.load %arg4[%swap3A, %swap3A_10] : memref<1024x128xf32, #tpu.memory_space<vmem>>, vector<1024x128xf32>
    tpu.vector_store %arg4[%swap3A, %swap3A_10], %add3A_9 {strides = array<i32>} : memref<1024x128xf32, #tpu.memory_space<vmem>>, vector<1024x128xf32>,
    return
  }
  func.func @transform_0(%arg0: i32) -> (i32, i32) {
    %c0_i32 = arith.constant 0 : i32
    %c0_i32_0 = arith.constant 0 : i32
    return %arg0, %c0_i32 : i32, i32
  }
  func.func @transform_1(%arg0: i32) -> (i32, i32) {
    %c0_i32 = arith.constant 0 : i32
    %c0_i32_0 = arith.constant 0 : i32
    %c0_i32_1 = arith.constant 0 : i32
    return %c0_i32, %c0_i32_0 : i32, i32
  }
  func.func @transform_2(%arg0: i32) -> (i32, i32) {
    %c0_i32 = arith.constant 0 : i32
    %c0_i32_0 = arith.constant 0 : i32
    %c0_i32_1 = arith.constant 0 : i32
    return %c0_i32, %c0_i32_0 : i32, i32
  }
  func.func @transform_3(%arg0: i32) -> (i32, i32) {
    %c0_i32 = arith.constant 0 : i32
    %c0_i32_0 = arith.constant 0 : i32
    return %arg0, %c0_i32 : i32, i32
  }
}

module attributes {stable_mosaic.version = 14 : i64} {
  func.func @body(%arg0: i32, %arg1: i32, %arg2: memref<4096x128xf32, #tpu.memory_space<vmem>>, %arg3: memref<1x64x128xf32, #tpu.memory_space<vmem>>, %arg4: memref<1x64x64xf32, #tpu.memory_space<vmem>>, %arg5: memref<128x128xf32, #tpu.memory_space<vmem>>, %arg6: memref<1x128xf32, #tpu.memory_space<vmem>>, %arg7: memref<128x256xf32, #tpu.memory_space<vmem>>, %arg8: memref<1x256xf32, #tpu.memory_space<vmem>>, %arg9: memref<1x64x256xf32, #tpu.memory_space<vmem>>) attributes {dimension_semantics = [#tpu.dimension_semantics<arbitrary>, #tpu.dimension_semantics<arbitrary>], iteration_bounds = array<i64: 4, 4>, scalar_prefetch = 0 : i64, scratch_operands = 0 : i64, tpu.core_type = #tpu.core_type<tc>, window_params = [{transform_indices = @transform_0, window_bounds = array<i64: 4096, 128>}, {transform_indices = @transform_1, window_bounds = array<i64: 1, 64, 128>}, {transform_indices = @transform_2, window_bounds = array<i64: 1, 64, 64>}, {pipeline_mode = #tpu.pipeline_mode<synchronous>, transform_indices = @transform_3, window_bounds = array<i64: 128, 128>}, {pipeline_mode = #tpu.pipeline_mode<synchronous>, transform_indices = @transform_4, window_bounds = array<i64: 1, 128>}, {pipeline_mode = #tpu.pipeline_mode<synchronous>, transform_indices = @transform_5, window_bounds = array<i64: 128, 256>}, {pipeline_mode = #tpu.pipeline_mode<synchronous>, transform_indices = @transform_6, window_bounds = array<i64: 1, 256>}, {transform_indices = @transform_7, window_bounds = array<i64: 1, 64, 256>}]} {
    %get3A = arith.constant 0 : index
    %get3A_0 = arith.constant 0 : index
    %get3A_1 = vector.load %arg2[%get3A, %get3A_0] : memref<4096x128xf32, #tpu.memory_space<vmem>>, vector<4096x128xf32>
    %get3A_2 = arith.constant 0 : index
    %get3A_3 = arith.constant 0 : index
    %get3A_4 = arith.constant 0 : index
    %get3A_5 = vector.load %arg3[%get3A_2, %get3A_3, %get3A_4] : memref<1x64x128xf32, #tpu.memory_space<vmem>>, vector<1x64x128xf32>
    %get3A_6 = vector.shape_cast %get3A_5 : vector<1x64x128xf32> to vector<64x128xf32>
    %reshape3A = vector.shape_cast %get3A_1 : vector<4096x128xf32> to vector<64x64x128xf32>
    %broadcast_in_dim3A = vector.shape_cast %get3A_6 : vector<64x128xf32> to vector<64x1x128xf32>
    %add3A = vector.broadcast %broadcast_in_dim3A : vector<64x1x128xf32> to vector<64x64x128xf32>
    %add3A_7 = arith.addf %reshape3A, %add3A : vector<64x64x128xf32>
    %max3A = arith.constant 0.000000e+00 : f32
    %max3A_8 = vector.broadcast %max3A : f32 to vector<64x64x128xf32>
    %max3A_9 = arith.maximumf %add3A_7, %max3A_8 : vector<64x64x128xf32>
    %reshape3A_10 = vector.shape_cast %max3A_9 : vector<64x64x128xf32> to vector<4096x128xf32>
    %get3A_11 = arith.constant 0 : index
    %get3A_12 = arith.constant 0 : index
    %get3A_13 = vector.load %arg5[%get3A_11, %get3A_12] : memref<128x128xf32, #tpu.memory_space<vmem>>, vector<128x128xf32>
    %dot_general3A = arith.constant dense<0.000000e+00> : vector<4096x128xf32>
    %dot_general3A_14 = tpu.matmul %reshape3A_10, %get3A_13, %dot_general3A {dimension_numbers = #tpu.dot_dimension_numbers<[1], [0], [0], [1], [0, 0, 1, 1], [], []>, transpose_lhs_hint = false} : vector<4096x128xf32>, vector<128x128xf32>, vector<4096x128xf32> -> vector<4096x128xf32>
    %get3A_15 = arith.constant 0 : index
    %get3A_16 = arith.constant 0 : index
    %get3A_17 = vector.load %arg6[%get3A_15, %get3A_16] : memref<1x128xf32, #tpu.memory_space<vmem>>, vector<1x128xf32>
    %add3A_18 = vector.broadcast %get3A_17 : vector<1x128xf32> to vector<4096x128xf32>
    %add3A_19 = arith.addf %dot_general3A_14, %add3A_18 : vector<4096x128xf32>
    %max3A_20 = arith.constant 0.000000e+00 : f32
    %max3A_21 = vector.broadcast %max3A_20 : f32 to vector<4096x128xf32>
    %max3A_22 = arith.maximumf %add3A_19, %max3A_21 : vector<4096x128xf32>
    %get3A_23 = arith.constant 0 : index
    %get3A_24 = arith.constant 0 : index
    %get3A_25 = vector.load %arg7[%get3A_23, %get3A_24] : memref<128x256xf32, #tpu.memory_space<vmem>>, vector<128x256xf32>
    %dot_general3A_26 = arith.constant dense<0.000000e+00> : vector<4096x256xf32>
    %dot_general3A_27 = tpu.matmul %max3A_22, %get3A_25, %dot_general3A_26 {dimension_numbers = #tpu.dot_dimension_numbers<[1], [0], [0], [1], [0, 0, 1, 1], [], []>, transpose_lhs_hint = false} : vector<4096x128xf32>, vector<128x256xf32>, vector<4096x256xf32> -> vector<4096x256xf32>
    %get3A_28 = arith.constant 0 : index
    %get3A_29 = arith.constant 0 : index
    %get3A_30 = vector.load %arg8[%get3A_28, %get3A_29] : memref<1x256xf32, #tpu.memory_space<vmem>>, vector<1x256xf32>
    %add3A_31 = vector.broadcast %get3A_30 : vector<1x256xf32> to vector<4096x256xf32>
    %add3A_32 = arith.addf %dot_general3A_27, %add3A_31 : vector<4096x256xf32>
    %get3A_33 = arith.constant 0 : index
    %get3A_34 = arith.constant 0 : index
    %get3A_35 = arith.constant 0 : index
    %get3A_36 = vector.load %arg4[%get3A_33, %get3A_34, %get3A_35] : memref<1x64x64xf32, #tpu.memory_space<vmem>>, vector<1x64x64xf32>
    %get3A_37 = vector.shape_cast %get3A_36 : vector<1x64x64xf32> to vector<64x64xf32>
    %broadcast_in_dim3A_38 = vector.shape_cast %get3A_37 : vector<64x64xf32> to vector<64x64x1xf32>
    %gt3A = arith.constant 5.000000e-01 : f32
    %gt3A_39 = vector.broadcast %gt3A : f32 to vector<64x64x1xf32>
    %gt3A_40 = arith.cmpf ogt, %broadcast_in_dim3A_38, %gt3A_39 : vector<64x64x1xf32>
    %reshape3A_41 = vector.shape_cast %add3A_32 : vector<4096x256xf32> to vector<64x64x256xf32>
    %jit3A = arith.constant 0xFF800000 : f32
    %broadcast_in_dim3A_42 = vector.shape_cast %gt3A_40 : vector<64x64x1xi1> to vector<64x64x1xi1>
    %broadcast_in_dim3A_43 = vector.broadcast %broadcast_in_dim3A_42 : vector<64x64x1xi1> to vector<64x64x256xi1>
    %broadcast_in_dim3A_44 = vector.broadcast %jit3A : f32 to vector<64x64x256xf32>
    %select_n3A = arith.select %broadcast_in_dim3A_43, %reshape3A_41, %broadcast_in_dim3A_44 : vector<64x64x256xi1>, vector<64x64x256xf32>
    %reduce_max3A = arith.constant dense<0xFF800000> : vector<64x256xf32>
    %reduce_max3A_45 = vector.multi_reduction <maximumf>, %select_n3A, %reduce_max3A [1] : vector<64x64x256xf32> to vector<64x256xf32>
    %swap3A = arith.constant 0 : index
    %swap3A_46 = arith.constant 0 : index
    %swap3A_47 = arith.constant 0 : index
    %swap3A_48 = vector.load %arg9[%swap3A, %swap3A_46, %swap3A_47] : memref<1x64x256xf32, #tpu.memory_space<vmem>>, vector<1x64x256xf32>
    %swap3A_49 = vector.shape_cast %swap3A_48 : vector<1x64x256xf32> to vector<64x256xf32>
    %swap3A_50 = vector.shape_cast %reduce_max3A_45 : vector<64x256xf32> to vector<1x64x256xf32>
    tpu.vector_store %arg9[%swap3A, %swap3A_46, %swap3A_47], %swap3A_50 {strides = array<i32>} : memref<1x64x256xf32, #tpu.memory_space<vmem>>, vector<1x64x256xf32>,
    return
  }
  func.func @transform_0(%arg0: i32, %arg1: i32) -> (i32, i32) {
    %mul3A = arith.constant 4 : i32
    %mul3A_0 = arith.muli %arg0, %mul3A : i32
    %add3A = arith.addi %mul3A_0, %arg1 : i32
    %c0_i32 = arith.constant 0 : i32
    %c0_i32_1 = arith.constant 0 : i32
    return %add3A, %c0_i32 : i32, i32
  }
  func.func @transform_1(%arg0: i32, %arg1: i32) -> (i32, i32, i32) {
    %c0_i32 = arith.constant 0 : i32
    %c0_i32_0 = arith.constant 0 : i32
    return %arg0, %arg1, %c0_i32 : i32, i32, i32
  }
  func.func @transform_2(%arg0: i32, %arg1: i32) -> (i32, i32, i32) {
    %c0_i32 = arith.constant 0 : i32
    %c0_i32_0 = arith.constant 0 : i32
    return %arg0, %arg1, %c0_i32 : i32, i32, i32
  }
  func.func @transform_3(%arg0: i32, %arg1: i32) -> (i32, i32) {
    %c0_i32 = arith.constant 0 : i32
    %c0_i32_0 = arith.constant 0 : i32
    %c0_i32_1 = arith.constant 0 : i32
    return %c0_i32, %c0_i32_0 : i32, i32
  }
  func.func @transform_4(%arg0: i32, %arg1: i32) -> (i32, i32) {
    %c0_i32 = arith.constant 0 : i32
    %c0_i32_0 = arith.constant 0 : i32
    %c0_i32_1 = arith.constant 0 : i32
    return %c0_i32, %c0_i32_0 : i32, i32
  }
  func.func @transform_5(%arg0: i32, %arg1: i32) -> (i32, i32) {
    %c0_i32 = arith.constant 0 : i32
    %c0_i32_0 = arith.constant 0 : i32
    %c0_i32_1 = arith.constant 0 : i32
    return %c0_i32, %c0_i32_0 : i32, i32
  }
  func.func @transform_6(%arg0: i32, %arg1: i32) -> (i32, i32) {
    %c0_i32 = arith.constant 0 : i32
    %c0_i32_0 = arith.constant 0 : i32
    %c0_i32_1 = arith.constant 0 : i32
    return %c0_i32, %c0_i32_0 : i32, i32
  }
  func.func @transform_7(%arg0: i32, %arg1: i32) -> (i32, i32, i32) {
    %c0_i32 = arith.constant 0 : i32
    %c0_i32_0 = arith.constant 0 : i32
    return %arg0, %arg1, %c0_i32 : i32, i32, i32
  }
}

module attributes {stable_mosaic.version = 14 : i64} {
  func.func @body(%arg0: i32, %arg1: memref<1024x259xf32, #tpu.memory_space<vmem>>, %arg2: memref<259x256xf32, #tpu.memory_space<vmem>>, %arg3: memref<1x256xf32, #tpu.memory_space<vmem>>, %arg4: memref<1024x256xf32, #tpu.memory_space<vmem>>) attributes {dimension_semantics = [#tpu.dimension_semantics<arbitrary>], iteration_bounds = array<i64: 1>, scalar_prefetch = 0 : i64, scratch_operands = 0 : i64, tpu.core_type = #tpu.core_type<tc>, window_params = [{transform_indices = @transform_0, window_bounds = array<i64: 1024, 259>}, {pipeline_mode = #tpu.pipeline_mode<synchronous>, transform_indices = @transform_1, window_bounds = array<i64: 259, 256>}, {pipeline_mode = #tpu.pipeline_mode<synchronous>, transform_indices = @transform_2, window_bounds = array<i64: 1, 256>}, {transform_indices = @transform_3, window_bounds = array<i64: 1024, 256>}]} {
    %get3A = arith.constant 0 : index
    %get3A_0 = arith.constant 0 : index
    %get3A_1 = vector.load %arg1[%get3A, %get3A_0] : memref<1024x259xf32, #tpu.memory_space<vmem>>, vector<1024x259xf32>
    %get3A_2 = arith.constant 0 : index
    %get3A_3 = arith.constant 0 : index
    %get3A_4 = vector.load %arg2[%get3A_2, %get3A_3] : memref<259x256xf32, #tpu.memory_space<vmem>>, vector<259x256xf32>
    %dot_general3A = arith.constant dense<0.000000e+00> : vector<1024x256xf32>
    %dot_general3A_5 = tpu.matmul %get3A_1, %get3A_4, %dot_general3A {dimension_numbers = #tpu.dot_dimension_numbers<[1], [0], [0], [1], [0, 0, 1, 1], [], []>, transpose_lhs_hint = false} : vector<1024x259xf32>, vector<259x256xf32>, vector<1024x256xf32> -> vector<1024x256xf32>
    %get3A_6 = arith.constant 0 : index
    %get3A_7 = arith.constant 0 : index
    %get3A_8 = vector.load %arg3[%get3A_6, %get3A_7] : memref<1x256xf32, #tpu.memory_space<vmem>>, vector<1x256xf32>
    %add3A = vector.broadcast %get3A_8 : vector<1x256xf32> to vector<1024x256xf32>
    %add3A_9 = arith.addf %dot_general3A_5, %add3A : vector<1024x256xf32>
    %swap3A = arith.constant 0 : index
    %swap3A_10 = arith.constant 0 : index
    %swap3A_11 = vector.load %arg4[%swap3A, %swap3A_10] : memref<1024x256xf32, #tpu.memory_space<vmem>>, vector<1024x256xf32>
    tpu.vector_store %arg4[%swap3A, %swap3A_10], %add3A_9 {strides = array<i32>} : memref<1024x256xf32, #tpu.memory_space<vmem>>, vector<1024x256xf32>,
    return
  }
  func.func @transform_0(%arg0: i32) -> (i32, i32) {
    %c0_i32 = arith.constant 0 : i32
    %c0_i32_0 = arith.constant 0 : i32
    return %arg0, %c0_i32 : i32, i32
  }
  func.func @transform_1(%arg0: i32) -> (i32, i32) {
    %c0_i32 = arith.constant 0 : i32
    %c0_i32_0 = arith.constant 0 : i32
    %c0_i32_1 = arith.constant 0 : i32
    return %c0_i32, %c0_i32_0 : i32, i32
  }
  func.func @transform_2(%arg0: i32) -> (i32, i32) {
    %c0_i32 = arith.constant 0 : i32
    %c0_i32_0 = arith.constant 0 : i32
    %c0_i32_1 = arith.constant 0 : i32
    return %c0_i32, %c0_i32_0 : i32, i32
  }
  func.func @transform_3(%arg0: i32) -> (i32, i32) {
    %c0_i32 = arith.constant 0 : i32
    %c0_i32_0 = arith.constant 0 : i32
    return %arg0, %c0_i32 : i32, i32
  }
}

module attributes {stable_mosaic.version = 14 : i64} {
  func.func @body(%arg0: i32, %arg1: memref<256x3xf32, #tpu.memory_space<vmem>>, %arg2: memref<3x256xf32, #tpu.memory_space<vmem>>, %arg3: memref<1x256xf32, #tpu.memory_space<vmem>>, %arg4: memref<256x256xf32, #tpu.memory_space<vmem>>) attributes {dimension_semantics = [#tpu.dimension_semantics<arbitrary>], iteration_bounds = array<i64: 1>, scalar_prefetch = 0 : i64, scratch_operands = 0 : i64, tpu.core_type = #tpu.core_type<tc>, window_params = [{transform_indices = @transform_0, window_bounds = array<i64: 256, 3>}, {pipeline_mode = #tpu.pipeline_mode<synchronous>, transform_indices = @transform_1, window_bounds = array<i64: 3, 256>}, {pipeline_mode = #tpu.pipeline_mode<synchronous>, transform_indices = @transform_2, window_bounds = array<i64: 1, 256>}, {transform_indices = @transform_3, window_bounds = array<i64: 256, 256>}]} {
    %get3A = arith.constant 0 : index
    %get3A_0 = arith.constant 0 : index
    %get3A_1 = vector.load %arg1[%get3A, %get3A_0] : memref<256x3xf32, #tpu.memory_space<vmem>>, vector<256x3xf32>
    %get3A_2 = arith.constant 0 : index
    %get3A_3 = arith.constant 0 : index
    %get3A_4 = vector.load %arg2[%get3A_2, %get3A_3] : memref<3x256xf32, #tpu.memory_space<vmem>>, vector<3x256xf32>
    %dot_general3A = arith.constant dense<0.000000e+00> : vector<256x256xf32>
    %dot_general3A_5 = tpu.matmul %get3A_1, %get3A_4, %dot_general3A {dimension_numbers = #tpu.dot_dimension_numbers<[1], [0], [0], [1], [0, 0, 1, 1], [], []>, transpose_lhs_hint = false} : vector<256x3xf32>, vector<3x256xf32>, vector<256x256xf32> -> vector<256x256xf32>
    %get3A_6 = arith.constant 0 : index
    %get3A_7 = arith.constant 0 : index
    %get3A_8 = vector.load %arg3[%get3A_6, %get3A_7] : memref<1x256xf32, #tpu.memory_space<vmem>>, vector<1x256xf32>
    %add3A = vector.broadcast %get3A_8 : vector<1x256xf32> to vector<256x256xf32>
    %add3A_9 = arith.addf %dot_general3A_5, %add3A : vector<256x256xf32>
    %swap3A = arith.constant 0 : index
    %swap3A_10 = arith.constant 0 : index
    %swap3A_11 = vector.load %arg4[%swap3A, %swap3A_10] : memref<256x256xf32, #tpu.memory_space<vmem>>, vector<256x256xf32>
    tpu.vector_store %arg4[%swap3A, %swap3A_10], %add3A_9 {strides = array<i32>} : memref<256x256xf32, #tpu.memory_space<vmem>>, vector<256x256xf32>,
    return
  }
  func.func @transform_0(%arg0: i32) -> (i32, i32) {
    %c0_i32 = arith.constant 0 : i32
    %c0_i32_0 = arith.constant 0 : i32
    return %arg0, %c0_i32 : i32, i32
  }
  func.func @transform_1(%arg0: i32) -> (i32, i32) {
    %c0_i32 = arith.constant 0 : i32
    %c0_i32_0 = arith.constant 0 : i32
    %c0_i32_1 = arith.constant 0 : i32
    return %c0_i32, %c0_i32_0 : i32, i32
  }
  func.func @transform_2(%arg0: i32) -> (i32, i32) {
    %c0_i32 = arith.constant 0 : i32
    %c0_i32_0 = arith.constant 0 : i32
    %c0_i32_1 = arith.constant 0 : i32
    return %c0_i32, %c0_i32_0 : i32, i32
  }
  func.func @transform_3(%arg0: i32) -> (i32, i32) {
    %c0_i32 = arith.constant 0 : i32
    %c0_i32_0 = arith.constant 0 : i32
    return %arg0, %c0_i32 : i32, i32
  }
}

module attributes {stable_mosaic.version = 14 : i64} {
  func.func @body(%arg0: i32, %arg1: i32, %arg2: memref<4096x256xf32, #tpu.memory_space<vmem>>, %arg3: memref<1x64x256xf32, #tpu.memory_space<vmem>>, %arg4: memref<1x64x64xf32, #tpu.memory_space<vmem>>, %arg5: memref<256x512xf32, #tpu.memory_space<vmem>>, %arg6: memref<1x512xf32, #tpu.memory_space<vmem>>, %arg7: memref<512x512xf32, #tpu.memory_space<vmem>>, %arg8: memref<1x512xf32, #tpu.memory_space<vmem>>, %arg9: memref<1x64x512xf32, #tpu.memory_space<vmem>>) attributes {dimension_semantics = [#tpu.dimension_semantics<arbitrary>, #tpu.dimension_semantics<arbitrary>], iteration_bounds = array<i64: 4, 1>, scalar_prefetch = 0 : i64, scratch_operands = 0 : i64, tpu.core_type = #tpu.core_type<tc>, window_params = [{transform_indices = @transform_0, window_bounds = array<i64: 4096, 256>}, {transform_indices = @transform_1, window_bounds = array<i64: 1, 64, 256>}, {transform_indices = @transform_2, window_bounds = array<i64: 1, 64, 64>}, {pipeline_mode = #tpu.pipeline_mode<synchronous>, transform_indices = @transform_3, window_bounds = array<i64: 256, 512>}, {pipeline_mode = #tpu.pipeline_mode<synchronous>, transform_indices = @transform_4, window_bounds = array<i64: 1, 512>}, {pipeline_mode = #tpu.pipeline_mode<synchronous>, transform_indices = @transform_5, window_bounds = array<i64: 512, 512>}, {pipeline_mode = #tpu.pipeline_mode<synchronous>, transform_indices = @transform_6, window_bounds = array<i64: 1, 512>}, {transform_indices = @transform_7, window_bounds = array<i64: 1, 64, 512>}]} {
    %get3A = arith.constant 0 : index
    %get3A_0 = arith.constant 0 : index
    %get3A_1 = vector.load %arg2[%get3A, %get3A_0] : memref<4096x256xf32, #tpu.memory_space<vmem>>, vector<4096x256xf32>
    %get3A_2 = arith.constant 0 : index
    %get3A_3 = arith.constant 0 : index
    %get3A_4 = arith.constant 0 : index
    %get3A_5 = vector.load %arg3[%get3A_2, %get3A_3, %get3A_4] : memref<1x64x256xf32, #tpu.memory_space<vmem>>, vector<1x64x256xf32>
    %get3A_6 = vector.shape_cast %get3A_5 : vector<1x64x256xf32> to vector<64x256xf32>
    %reshape3A = vector.shape_cast %get3A_1 : vector<4096x256xf32> to vector<64x64x256xf32>
    %broadcast_in_dim3A = vector.shape_cast %get3A_6 : vector<64x256xf32> to vector<64x1x256xf32>
    %add3A = vector.broadcast %broadcast_in_dim3A : vector<64x1x256xf32> to vector<64x64x256xf32>
    %add3A_7 = arith.addf %reshape3A, %add3A : vector<64x64x256xf32>
    %max3A = arith.constant 0.000000e+00 : f32
    %max3A_8 = vector.broadcast %max3A : f32 to vector<64x64x256xf32>
    %max3A_9 = arith.maximumf %add3A_7, %max3A_8 : vector<64x64x256xf32>
    %reshape3A_10 = vector.shape_cast %max3A_9 : vector<64x64x256xf32> to vector<4096x256xf32>
    %get3A_11 = arith.constant 0 : index
    %get3A_12 = arith.constant 0 : index
    %get3A_13 = vector.load %arg5[%get3A_11, %get3A_12] : memref<256x512xf32, #tpu.memory_space<vmem>>, vector<256x512xf32>
    %dot_general3A = arith.constant dense<0.000000e+00> : vector<4096x512xf32>
    %dot_general3A_14 = tpu.matmul %reshape3A_10, %get3A_13, %dot_general3A {dimension_numbers = #tpu.dot_dimension_numbers<[1], [0], [0], [1], [0, 0, 1, 1], [], []>, transpose_lhs_hint = false} : vector<4096x256xf32>, vector<256x512xf32>, vector<4096x512xf32> -> vector<4096x512xf32>
    %get3A_15 = arith.constant 0 : index
    %get3A_16 = arith.constant 0 : index
    %get3A_17 = vector.load %arg6[%get3A_15, %get3A_16] : memref<1x512xf32, #tpu.memory_space<vmem>>, vector<1x512xf32>
    %add3A_18 = vector.broadcast %get3A_17 : vector<1x512xf32> to vector<4096x512xf32>
    %add3A_19 = arith.addf %dot_general3A_14, %add3A_18 : vector<4096x512xf32>
    %max3A_20 = arith.constant 0.000000e+00 : f32
    %max3A_21 = vector.broadcast %max3A_20 : f32 to vector<4096x512xf32>
    %max3A_22 = arith.maximumf %add3A_19, %max3A_21 : vector<4096x512xf32>
    %get3A_23 = arith.constant 0 : index
    %get3A_24 = arith.constant 0 : index
    %get3A_25 = vector.load %arg7[%get3A_23, %get3A_24] : memref<512x512xf32, #tpu.memory_space<vmem>>, vector<512x512xf32>
    %dot_general3A_26 = arith.constant dense<0.000000e+00> : vector<4096x512xf32>
    %dot_general3A_27 = tpu.matmul %max3A_22, %get3A_25, %dot_general3A_26 {dimension_numbers = #tpu.dot_dimension_numbers<[1], [0], [0], [1], [0, 0, 1, 1], [], []>, transpose_lhs_hint = false} : vector<4096x512xf32>, vector<512x512xf32>, vector<4096x512xf32> -> vector<4096x512xf32>
    %get3A_28 = arith.constant 0 : index
    %get3A_29 = arith.constant 0 : index
    %get3A_30 = vector.load %arg8[%get3A_28, %get3A_29] : memref<1x512xf32, #tpu.memory_space<vmem>>, vector<1x512xf32>
    %add3A_31 = vector.broadcast %get3A_30 : vector<1x512xf32> to vector<4096x512xf32>
    %add3A_32 = arith.addf %dot_general3A_27, %add3A_31 : vector<4096x512xf32>
    %get3A_33 = arith.constant 0 : index
    %get3A_34 = arith.constant 0 : index
    %get3A_35 = arith.constant 0 : index
    %get3A_36 = vector.load %arg4[%get3A_33, %get3A_34, %get3A_35] : memref<1x64x64xf32, #tpu.memory_space<vmem>>, vector<1x64x64xf32>
    %get3A_37 = vector.shape_cast %get3A_36 : vector<1x64x64xf32> to vector<64x64xf32>
    %broadcast_in_dim3A_38 = vector.shape_cast %get3A_37 : vector<64x64xf32> to vector<64x64x1xf32>
    %gt3A = arith.constant 5.000000e-01 : f32
    %gt3A_39 = vector.broadcast %gt3A : f32 to vector<64x64x1xf32>
    %gt3A_40 = arith.cmpf ogt, %broadcast_in_dim3A_38, %gt3A_39 : vector<64x64x1xf32>
    %reshape3A_41 = vector.shape_cast %add3A_32 : vector<4096x512xf32> to vector<64x64x512xf32>
    %jit3A = arith.constant 0xFF800000 : f32
    %broadcast_in_dim3A_42 = vector.shape_cast %gt3A_40 : vector<64x64x1xi1> to vector<64x64x1xi1>
    %broadcast_in_dim3A_43 = vector.broadcast %broadcast_in_dim3A_42 : vector<64x64x1xi1> to vector<64x64x512xi1>
    %broadcast_in_dim3A_44 = vector.broadcast %jit3A : f32 to vector<64x64x512xf32>
    %select_n3A = arith.select %broadcast_in_dim3A_43, %reshape3A_41, %broadcast_in_dim3A_44 : vector<64x64x512xi1>, vector<64x64x512xf32>
    %reduce_max3A = arith.constant dense<0xFF800000> : vector<64x512xf32>
    %reduce_max3A_45 = vector.multi_reduction <maximumf>, %select_n3A, %reduce_max3A [1] : vector<64x64x512xf32> to vector<64x512xf32>
    %swap3A = arith.constant 0 : index
    %swap3A_46 = arith.constant 0 : index
    %swap3A_47 = arith.constant 0 : index
    %swap3A_48 = vector.load %arg9[%swap3A, %swap3A_46, %swap3A_47] : memref<1x64x512xf32, #tpu.memory_space<vmem>>, vector<1x64x512xf32>
    %swap3A_49 = vector.shape_cast %swap3A_48 : vector<1x64x512xf32> to vector<64x512xf32>
    %swap3A_50 = vector.shape_cast %reduce_max3A_45 : vector<64x512xf32> to vector<1x64x512xf32>
    tpu.vector_store %arg9[%swap3A, %swap3A_46, %swap3A_47], %swap3A_50 {strides = array<i32>} : memref<1x64x512xf32, #tpu.memory_space<vmem>>, vector<1x64x512xf32>,
    return
  }
  func.func @transform_0(%arg0: i32, %arg1: i32) -> (i32, i32) {
    %mul3A = arith.constant 1 : i32
    %mul3A_0 = arith.muli %arg0, %mul3A : i32
    %add3A = arith.addi %mul3A_0, %arg1 : i32
    %c0_i32 = arith.constant 0 : i32
    %c0_i32_1 = arith.constant 0 : i32
    return %add3A, %c0_i32 : i32, i32
  }
  func.func @transform_1(%arg0: i32, %arg1: i32) -> (i32, i32, i32) {
    %c0_i32 = arith.constant 0 : i32
    %c0_i32_0 = arith.constant 0 : i32
    return %arg0, %arg1, %c0_i32 : i32, i32, i32
  }
  func.func @transform_2(%arg0: i32, %arg1: i32) -> (i32, i32, i32) {
    %c0_i32 = arith.constant 0 : i32
    %c0_i32_0 = arith.constant 0 : i32
    return %arg0, %arg1, %c0_i32 : i32, i32, i32
  }
  func.func @transform_3(%arg0: i32, %arg1: i32) -> (i32, i32) {
    %c0_i32 = arith.constant 0 : i32
    %c0_i32_0 = arith.constant 0 : i32
    %c0_i32_1 = arith.constant 0 : i32
    return %c0_i32, %c0_i32_0 : i32, i32
  }
  func.func @transform_4(%arg0: i32, %arg1: i32) -> (i32, i32) {
    %c0_i32 = arith.constant 0 : i32
    %c0_i32_0 = arith.constant 0 : i32
    %c0_i32_1 = arith.constant 0 : i32
    return %c0_i32, %c0_i32_0 : i32, i32
  }
  func.func @transform_5(%arg0: i32, %arg1: i32) -> (i32, i32) {
    %c0_i32 = arith.constant 0 : i32
    %c0_i32_0 = arith.constant 0 : i32
    %c0_i32_1 = arith.constant 0 : i32
    return %c0_i32, %c0_i32_0 : i32, i32
  }
  func.func @transform_6(%arg0: i32, %arg1: i32) -> (i32, i32) {
    %c0_i32 = arith.constant 0 : i32
    %c0_i32_0 = arith.constant 0 : i32
    %c0_i32_1 = arith.constant 0 : i32
    return %c0_i32, %c0_i32_0 : i32, i32
  }
  func.func @transform_7(%arg0: i32, %arg1: i32) -> (i32, i32, i32) {
    %c0_i32 = arith.constant 0 : i32
    %c0_i32_0 = arith.constant 0 : i32
    return %arg0, %arg1, %c0_i32 : i32, i32, i32
  }
}

</mosaic_0001>

<sc_bundles>
// kernel: kernel.21.cloned.1.call-start
scs
__scs_entry_jumppad:
0x0: {  	(pc) =	sbr.rel $0x88, $3  }
0x1: {  	(tag) =	ssettag $0x0;
	lr =	simm.s32 $0x1  }
0x2: {  	[smem:$0x3F8B] =	sst lr;
	_ =	strace $0xD0000000  }
0x3: {  	_ = 	snop  }
0x4: {  	_ = 	snop  }
0x5: {  	_ = 	snop  }
0x6: {  	_ = 	snop  }
0x7: {  	_ = 	snop  }
__scs_overlays_trampoline_lowered:
0x8: {  	[smem:$0x3F9A] =	sst s0  }
0x9: {  	[smem:$0x3F9B] =	sst s1  }
0xa: {  	[smem:$0x3F9C] =	sst s2  }
0xb: {  	[smem:$0x3F9D] =	sst s3  }
0xc: {  	[smem:$0x3F9E] =	sst s4  }
0xd: {  	[smem:$0x3F9F] =	sst s5  }
0xe: {  	[smem:$0x3FA0] =	sst s6  }
0xf: {  	[smem:$0x3FA1] =	sst s7  }
0x10: {  	[smem:$0x3FA2] =	sst s8  }
0x11: {  	[smem:$0x3FA3] =	sst s9;
	s0 =	simm.s32 @!p0 $0x0  }
0x12: {  	s1 =	sld [smem:$0x3F89];
	s0 =	simm.s32 @p0 $0x1  }
0x13: {  	[smem:$0x3FA4] =	sst s0;
	s0 =	simm.s32 @!p1 $0x0  }
0x14: {  	s2 =	sld [smem:$0x3F88];
	s0 =	simm.s32 @p1 $0x1  }
0x15: {  	[smem:$0x3FA5] =	sst s0;
	s0 =	simm.s32 @!p2 $0x0  }
0x16: {  	s3 =	sld [smem:$0x3FDB];
	s0 =	simm.s32 @p2 $0x1  }
0x17: {  	s4 =	simm.s32 $0x1BF5;
	[smem:$0x3FA7] =	sst s0  }
0x18: {  	s0 =	sld [smem:$0x3F8A];
	_ =	swait.ge [sflag:s4], $0x0  }
0x19: {  	s7 =	sld [smem:$0x3F8B]  }
0x1a: {  	s8 =	sadd.s32 $0xFFFFE003, lr  }
0x1b: {  	s9 =	sadd.s32 $0xFFFFFEF7, lr;
	s5 =	simm.s32 $0xFFFFFFFF;
	p2 =	slt.u32 s8, $0xFFFFF086  }
0x1c: {  	p1 =	slt.u32 s9, $0xF7A;
	s5 =	simm.s32 @!p2 $0x0  }
0x1d: {  	s5 =	simm.s32 @p1 $0x1;
	p0 =	seq.s32 s7, s2  }
0x1e: {  	s7 =	smul.u32 @!p0 $0xF7A, s2;
	p2 =	seq.s32 @!p0 s5, $0x0  }
0x1f: {  	s9 =	smul.u32 $0xF7A, s1;
	s8 =	simm.s32 @!p0 $0x1BF5;
	p2 =	por !p2, p0  }
0x20: {  	[sflag:s8] =	ssyncset.s32 @!p0 $0xFFFFF086;
	s6 =	sadd.s32 @!p0 s3, s7;
	s7 =	simm.s32 @!p0 $0x108  }
0x21: {  	s3 =	sadd.s32 s3, s9;
	s6 =	sadd.s32 @!p0 $0x88, s6;
	s7 =	simm.s32 @p2 $0x1082  }
0x22: {  	[simem:s7], [sflag:s8] =	dma.local @!p0 [hbm:s6], $0xF7A  }
0x23: {  	s9 =	sor.u32 $0xD0000000, s2;
	s6 =	simm.s32 $0x108;
	_ =	swait.ge @!p0 [sflag:s8], $0x0  }
0x24: {  	s3 =	sadd.s32 $0x88, s3;
	s6 =	simm.s32 @!p1 $0x1082;
	[sflag:s4] =	ssyncset.s32 $0xFFFFF086  }
0x25: {  	[simem:s6], [sflag:s4] =	dma.local [hbm:s3], $0xF7A  }
0x26: {  	[smem:$0x3F8B] =	sst s1;
	(tag) =	ssettag s2;
	_ =	strace s9  }
0x27: {  	s1 =	sld [smem:$0x3F9B]  }
0x28: {  	s2 =	sld [smem:$0x3F9C]  }
0x29: {  	s4 =	sld [smem:$0x3F9E]  }
0x2a: {  	p0 =	seq.s32 s5, $0x0;
	s5 =	sld [smem:$0x3F9F]  }
0x2b: {  	s6 =	sld [smem:$0x3FA0]  }
0x2c: {  	s7 =	sld [smem:$0x3FA1]  }
0x2d: {  	s3 =	simm.s32 $0x108;
	s8 =	sld [smem:$0x3FA2]  }
0x2e: {  	s3 =	simm.s32 @!p0 $0x1082;
	s9 =	sld [smem:$0x3FA3]  }
0x2f: {  	lr =	sadd.s32 s0, s3;
	s0 =	sld [smem:$0x3F9A]  }
0x30: {  	s3 =	sld [smem:$0x3F9D]  }
0x31: {  	[smem:$0x3FA6] =	sst s10  }
0x32: {  	s10 =	sld [smem:$0x3FA4];
	_ =	sdelay $0x3  }
0x33: {  	p0 =	seq.s32 s10, $0x1;
	s10 =	sld [smem:$0x3FA6];
	_ =	sdelay $0x3  }
0x34: {  	[smem:$0x3FA6] =	sst s10  }
0x35: {  	s10 =	sld [smem:$0x3FA5];
	_ =	sdelay $0x3  }
0x36: {  	p1 =	seq.s32 s10, $0x1;
	s10 =	sld [smem:$0x3FA6];
	_ =	sdelay $0x3  }
0x37: {  	[smem:$0x3FA6] =	sst s10  }
0x38: {  	s10 =	sld [smem:$0x3FA7]  }
0x39: {  	_ = 	snop;
	(pc) =	sbr.ind lr, $3  }
0x3a: {  	_ = 	snop  }
0x3b: {  	_ = 	snop  }
0x3c: {  	p2 =	seq.s32 s10, $0x1;
	s10 =	sld [smem:$0x3FA6]  }
0x3d: {  	_ =	shalt  }
0x3e: {  	_ =	shalt  }
0x3f: {  	_ =	shalt  }
0x40: {  	_ =	shalt  }
0x41: {  	_ =	shalt  }
0x42: {  	_ =	shalt  }
0x43: {  	_ =	shalt  }
0x44: {  	_ =	shalt  }
0x45: {  	_ =	shalt  }
0x46: {  	_ =	shalt  }
0x47: {  	_ =	shalt  }
0x48: {  	_ =	shalt  }
0x49: {  	_ =	shalt  }
0x4a: {  	_ =	shalt  }
0x4b: {  	_ =	shalt  }
0x4c: {  	_ =	shalt  }
0x4d: {  	_ =	shalt  }
0x4e: {  	_ =	shalt  }
0x4f: {  	_ =	shalt  }
0x50: {  	_ =	shalt  }
0x51: {  	_ =	shalt  }
0x52: {  	_ =	shalt  }
0x53: {  	_ =	shalt  }
0x54: {  	_ =	shalt  }
0x55: {  	_ =	shalt  }
0x56: {  	_ =	shalt  }
0x57: {  	_ =	shalt  }
0x58: {  	_ =	shalt  }
0x59: {  	_ =	shalt  }
0x5a: {  	_ =	shalt  }
0x5b: {  	_ =	shalt  }
0x5c: {  	_ =	shalt  }
0x5d: {  	_ =	shalt  }
0x5e: {  	_ =	shalt  }
0x5f: {  	_ =	shalt  }
0x60: {  	_ =	shalt  }
0x61: {  	_ =	shalt  }
0x62: {  	_ =	shalt  }
0x63: {  	_ =	shalt  }
0x64: {  	_ =	shalt  }
0x65: {  	_ =	shalt  }
0x66: {  	_ =	shalt  }
0x67: {  	_ =	shalt  }
0x68: {  	_ =	shalt  }
0x69: {  	_ =	shalt  }
0x6a: {  	_ =	shalt  }
0x6b: {  	_ =	shalt  }
0x6c: {  	_ =	shalt  }
0x6d: {  	_ =	shalt  }
0x6e: {  	_ =	shalt  }
0x6f: {  	_ =	shalt  }
0x70: {  	_ =	shalt  }
0x71: {  	_ =	shalt  }
0x72: {  	_ =	shalt  }
0x73: {  	_ =	shalt  }
0x74: {  	_ =	shalt  }
0x75: {  	_ =	shalt  }
0x76: {  	_ =	shalt  }
0x77: {  	_ =	shalt  }
0x78: {  	_ =	shalt  }
0x79: {  	_ =	shalt  }
0x7a: {  	_ =	shalt  }
0x7b: {  	_ =	shalt  }
0x7c: {  	_ =	shalt  }
0x7d: {  	_ =	shalt  }
0x7e: {  	_ =	shalt  }
0x7f: {  	_ =	shalt  }
0x80: {  	_ =	shalt  }
0x81: {  	_ =	shalt  }
0x82: {  	_ =	shalt  }
0x83: {  	_ =	shalt  }
0x84: {  	_ =	shalt  }
0x85: {  	_ =	shalt  }
0x86: {  	_ =	shalt  }
0x87: {  	_ =	shalt  }
.Lfunc_end0:
.L_simem_size_0:
called_computation_lowered:
.L_overlay_start_0:
0x88: {  	s2 =	sld [smem:$0x3FD9]  }
0x89: {  	s3 =	sld [smem:$0x3FFE];
	_ =	sdelay $0x1  }
0x8a: {  	s1 =	srdreg.scid  }
0x8b: {  	s0 =	sand.u32 $0x1, s1  }
0x8c: {  	s16 =	sshll.u32 s0, $0xA;
	s2 =	sadd.s32 s3, s2  }
0x8d: {  	s2 =	sadd.s32 s2, s16  }
0x8e: {  	[smem:$0x3FB2] =	sst s2  }
0x8f: {  	_ = 	snop  }
0x90: {  	(tm) =	ssettm $0x1  }
0x91: {  	s17 =	sld [smem:$0x3FFB];
	_ =	sdelay $0x3  }
0x92: {  	_ =	strace s17  }
0x93: {  	s2 =	sld [smem:$0x3FFC];
	_ =	sdelay $0x3  }
0x94: {  	_ =	strace s2  }
0x95: {  	s2 =	sld [smem:$0x3FFD];
	_ =	sdelay $0x3  }
0x96: {  	_ =	strace s2  }
0x97: {  	_ =	strace $0x8FFFFFFF  }
0x98: {  	s18 =	sld [smem:$0x3FDB];
	_ =	sdelay $0x1  }
0x99: {  	s19 =	simm.s32 $_scs_section_size  }
0x9a: {  	s4 =	simm.s32 $_size__tile_overlayer_lowered;
	s5 =	simm.s32 $_tile_overlayer_lowered  }
0x9b: {  	s22 =	simm.s32 $0x1BFF;
	s21 =	sshll.u32 s5, $0x1;
	s2 =	sadd.s32 s19, s18  }
0x9c: {  	s6 =	simm.s32 $0x0;
	s20 =	sshll.u32 s4, $0x1;
	s4 =	sadd.s32 s21, s2  }
0x9d: {  	[timem:s6], [sflag:s22] =	dma.local [hbm:s4], s20  }
0x9e: {  	_ =	swait.ge [sflag:s22], s20  }
0x9f: {  	s3 =	ssub.s32 $0x0, s20;
	[sflag:s22] =	ssyncset.done $0x0  }
0xa0: {  	[sflag:s22] =	ssyncadd.s32 s3;
	_ =	sdelay $0x1  }
0xa1: {  	s23 =	simm.s32 $0x1B8B  }
0xa2: {  	_ =	swait.ge [sflag:s23], $0x1  }
0xa3: {  	[sflag:s23] =	ssyncset.done $0x0  }
0xa4: {  	s25 =	simm.s32 $0x1B8E;
	s24 =	sld [smem:$0x3FFE];
	[sflag:s23] =	ssyncadd.s32 $0xFFFFFFFF  }
0xa5: {  	s26 =	simm.s32 $execute0_lowered;
	[smem:$0x3FD2] =	sst s25  }
0xa6: {  	s4 =	sshll.u32 s26, $0x1;
	_ =	strace $0x80000046;
	[dreg:$0x1] =	wrdreg $0xFFFFFFFF  }
0xa7: {  	s28 =	simm.s32 $_size_execute0_lowered;
	s2 =	sadd.s32 s2, s4;
	[dreg:$0x0] =	wrdreg $0x0  }
0xa8: {  	s4 =	sshll.u32 s28, $0x1;
	[dreg:$0x2] =	wrdreg s2  }
0xa9: {  	[dreg:$0x3] =	wrdreg s4  }
0xaa: {  	[dreg:$0x4] =	wrdreg $0xC0  }
0xab: {  	_ =	task [dreg:s6], $0x5FFFF  }
0xac: {  	[dreg:$0x1] =	wrdreg $0xFFFFFFFF  }
0xad: {  	[dreg:$0x0] =	wrdreg $0x60  }
0xae: {  	[dreg:$0x2] =	wrdreg s24  }
0xaf: {  	[dreg:$0x3] =	wrdreg $0x0  }
0xb0: {  	[dreg:$0x4] =	wrdreg $0x9  }
0xb1: {  	_ =	task.clear_ibuf [dreg:s6], $0x5FFFF;
	_ =	strace $0x90000046  }
0xb2: {  	s29 =	simm.s32 $0x9;
	_ =	strace $0x80000048  }
0xb3: {  	_ =	swait.ge [sflag:s29], $0x1  }
0xb4: {  	[sflag:s29] =	ssyncadd.s32 $0xFFFFFFFF  }
0xb5: {  	_ =	strace $0x90000048  }
0xb6: {  	_ =	sfence  }
0xb7: {  	s30 =	sld [smem:$0x0];
	_ =	sdelay $0x2  }
0xb8: {  	s31 =	sshll.u32 s1, $0xD;
	s1 =	sshrl.u32 s1, $0x2  }
0xb9: {  	s3 =	sand.u32 $0x4000, s31;
	s1 =	sadd.s32 s1, s30  }
0xba: {  	s0 =	sor.u32 s3, s0;
	s1 =	sshll.u32 s1, $0x11  }
0xbb: {  	s0 =	sor.u32 s1, s0  }
0xbc: {  	s0 =	sadd.s32 $0x8F2B, s0  }
0xbd: {  	[sflag:s0] =	ssyncadd.remote.s32 $0x1  }
0xbe: {  	_ =	sfence.sel $0xFFFF  }
0xbf: {  	[dreg:$0x0] =	wrdreg $0xFFFFFFFF;
	(pc) =	sbr.abs _section_cstart, $3  }
0xc0: {  	[dreg:$0x1] =	wrdreg $0xFFFFFFFF  }
0xc1: {  	_ =	task.clear_ibuf [dreg:s6], $0x2FFFF;
	_ =	strace $0x9FFFFFFF  }
0xc2: {  	(tm) =	ssettm $0x7FFFFFFF  }
0xc3: {  	_ =	shalt  }
tec
execute0_lowered:
.L_overlay_start_1:
0x0: {  	(tag) =	ssettag $0x1  }
0x1: {  	s3 =	rddreg [dreg:$0x0]  }
0x2: {  	s1 =	rddreg [dreg:$0x1];
	s2 =	srdreg.scid  }
0x3: {  	s0 =	rddreg [dreg:$0x2];
	s8 =	stileid.u32  }
0x4: {  	s12 =	simm.s32 $0x80;
	s13 =	simm.s32 $0x12000;
	s14 =	simm.s32 $0x10080  }
0x5: {  	s15 =	simm.s32 $0x16000;
	s16 =	simm.s32 $0x1;
	s17 =	simm.s32 $0x2  }
0x6: {  	s18 =	simm.s32 $0x0;
	s7 =	sand.u32 $0x1, s2;
	s2 =	simm.s32 $0x0  }
0x7: {  	s5 =	sshll.u32 s8, $0xD;
	s11 =	sadd.s32 $0x5D400, s3;
	s31 =	sshll.u32 s8, $0x11  }
0x8: {  	p0 =	sne.s32 s8, $0x0;
	s4 =	sshll.u32 s7, $0x11;
	[smem:$0x7FF] =	sst s2  }
0x9: {  	s9 =	ssub.s32 $0x2, s7;
	s7 =	sshll.u32 s7, $0x15;
	s5 =	sor.u32 s5, s4  }
0xa: {  	_ =	strace $0x80000047;
	s4 =	sadd.s32 s4, s3;
	s10 =	sshrl.u32 s9, $0x1  }
0xb: {  	s30 =	sadd.s32 s7, s11;
	s6 =	sshrl.u32 s5, $0x3;
	s9 =	ssub.s32 s9, s10  }
0xc: {  	s5 =	sshll.u32 s5, $0x4;
	s8 =	sadd.s32 s31, s30;
	s10 =	simm.s32 $0x10000  }
0xd: {  	s6 =	sadd.s32 s6, s3;
	s3 =	sadd.s32 $0x1D400, s4;
	s29 =	sadd.s32 s5, s11  }
0xe: {  	s7 =	smax.u32 s9, $0x1;
	s9 =	sshrl.u32 @!p0 s1, $0x3;
	s11 =	simm.s32 $0x3  }
0xf: {  	s4 =	sadd.s32 $0x15400, s6;
	s5 =	sadd.s32 $0x1F000, s29;
	s6 =	sadd.s32 $0x1F800, s29  }
.LBB2_1:
0x10: {  	s19 =	simm.s32 @!p0 $0x1C03  }
0x11: {  	[spmem:s9], [sflag:s19] =	dma.local @!p0 [hbm:s3], $0x20000  }
0x12: {  	s19 =	simm.s32 @!p0 $0x3  }
0x13: {  	_ =	swait.ge @!p0 [sflag:s19], $0x20000  }
0x14: {  	[sflag:s19] =	ssyncset.done @!p0 $0x0  }
0x15: {  	[sflag:s19] =	ssyncadd.s32 @!p0 $0xFFFE0000  }
0x16: {  	[tilespmem:s10], [sflag:$0x3] =	stream.linear.gather [hbm4b:s4+s2], $0x2000, $0x38;
	[tilespmem:$0x1A000] =	vst v63  }
0x17: {  	_ =	swait.ge [sflag:s11], $0x2000  }
0x18: {  	[sflag:s11] =	ssyncset.done $0x0  }
0x19: {  	[sflag:s11] =	ssyncadd.s32 $0xFFFFE000  }
0x1a: {  	[bflag:$0x0] =	sbarrier.arrive $0xFFFF  }
0x1b: {  	[tilespmem:s13], [sflag:$0x1] =	stream.indirect.gather [spmem:s1], $0x80, s10, s12, $0xb8;
	[tilespmem:$0x1A000] =	vst v63  }
0x1c: {  	_ = 	snop  }
0x1d: {  	[tilespmem:s15], [sflag:$0x2] =	stream.indirect.gather [spmem:s1], $0x80, s14, s12, $0xb8;
	[tilespmem:$0x1A000] =	vst v63  }
0x1e: {  	_ =	swait.ge [sflag:s16], $0x4000  }
0x1f: {  	[sflag:s16] =	ssyncset.done $0x0  }
0x20: {  	s31 =	sadd.s32 $0x0, s8;
	[sflag:s16] =	ssyncadd.s32 $0xFFFFC000  }
0x21: {  	[hbm4b:s31+s2] =	stream.linear.scatter [tilespmem:s13], [sflag:$0x3], $0x4000, $0x38;
	[tilespmem:$0x1A000] =	vst v63  }
0x22: {  	_ =	swait.ge [sflag:s11], $0x4000  }
0x23: {  	[sflag:s11] =	ssyncset.done $0x0  }
0x24: {  	s20 =	simm.s32 $0x10100;
	[sflag:s11] =	ssyncadd.s32 $0xFFFFC000  }
0x25: {  	[tilespmem:s13], [sflag:$0x1] =	stream.indirect.gather [spmem:s1], $0x80, s20, s12, $0xb8;
	[tilespmem:$0x1A000] =	vst v63  }
0x26: {  	_ =	swait.ge [sflag:s17], $0x4000  }
0x27: {  	[sflag:s17] =	ssyncset.done $0x0  }
0x28: {  	s19 =	sadd.s32 $0x800, s31;
	[sflag:s17] =	ssyncadd.s32 $0xFFFFC000  }
0x29: {  	[hbm4b:s19+s2] =	stream.linear.scatter [tilespmem:s15], [sflag:$0x3], $0x4000, $0x38;
	[tilespmem:$0x1A000] =	vst v63  }
0x2a: {  	_ =	swait.ge [sflag:s11], $0x4000  }
0x2b: {  	s21 =	simm.s32 $0x10280;
	[sflag:s11] =	ssyncset.done $0x0  }
0x2c: {  	s20 =	simm.s32 $0x1000;
	s19 =	simm.s32 $0x10180;
	[sflag:s11] =	ssyncadd.s32 $0xFFFFC000  }
.LBB2_2:
0x2d: {  	[tilespmem:s15], [sflag:$0x2] =	stream.indirect.gather [spmem:s1], $0x80, s19, s12, $0xb8;
	[tilespmem:$0x1A000] =	vst v63  }
0x2e: {  	s22 =	smov.u32 s20;
	s19 =	smov.u32 s21  }
0x2f: {  	p1 =	sne.s32 s20, $0x1E000;
	s20 =	sadd.s32 $0x1000, s20;
	_ =	swait.ge [sflag:s16], $0x4000  }
0x30: {  	[sflag:s16] =	ssyncset.done $0x0  }
0x31: {  	s22 =	sadd.s32 s22, s8;
	[sflag:s16] =	ssyncadd.s32 $0xFFFFC000  }
0x32: {  	[hbm4b:s22+s2] =	stream.linear.scatter [tilespmem:s13], [sflag:$0x3], $0x4000, $0x38;
	[tilespmem:$0x1A000] =	vst v63  }
0x33: {  	_ =	swait.ge [sflag:s11], $0x4000  }
0x34: {  	[sflag:s11] =	ssyncset.done $0x0  }
0x35: {  	s23 =	sadd.s32 $0xFFFFFF80, s21;
	[sflag:s11] =	ssyncadd.s32 $0xFFFFC000  }
0x36: {  	[tilespmem:s13], [sflag:$0x1] =	stream.indirect.gather [spmem:s1], $0x80, s23, s12, $0xb8;
	[tilespmem:$0x1A000] =	vst v63  }
0x37: {  	_ =	swait.ge [sflag:s17], $0x4000  }
0x38: {  	[sflag:s17] =	ssyncset.done $0x0  }
.Ltmp0:
0x39: {  	s22 =	sadd.s32 $0x800, s22;
	[sflag:s17] =	ssyncadd.s32 $0xFFFFC000;
	(pc) =	sbr.rel @p1 .LBB2_2-.Ltmp0, $4  }
0x3a: {  	[hbm4b:s22+s2] =	stream.linear.scatter [tilespmem:s15], [sflag:$0x3], $0x4000, $0x38;
	[tilespmem:$0x1A000] =	vst v63  }
0x3b: {  	_ =	swait.ge [sflag:s11], $0x4000  }
0x3c: {  	[sflag:s11] =	ssyncset.done $0x0  }
0x3d: {  	s21 =	sadd.s32 $0x100, s21;
	[sflag:s11] =	ssyncadd.s32 $0xFFFFC000  }
0x3e: {  	[tilespmem:s15], [sflag:$0x2] =	stream.indirect.gather [spmem:s1], $0x80, s19, s12, $0xb8;
	[tilespmem:$0x1A000] =	vst v63  }
0x3f: {  	_ =	swait.ge [sflag:s16], $0x4000  }
0x40: {  	[sflag:s16] =	ssyncset.done $0x0  }
0x41: {  	[sflag:s16] =	ssyncadd.s32 $0xFFFFC000  }
0x42: {  	[hbm4b:s5+s2] =	stream.linear.scatter [tilespmem:s13], [sflag:$0x3], $0x4000, $0x38;
	[tilespmem:$0x1A000] =	vst v63  }
0x43: {  	_ =	swait.ge [sflag:s11], $0x4000  }
0x44: {  	[sflag:s11] =	ssyncset.done $0x0  }
0x45: {  	[sflag:s11] =	ssyncadd.s32 $0xFFFFC000  }
0x46: {  	s18 =	sadd.s32 $0x1, s18;
	_ =	swait.ge [sflag:s17], $0x4000  }
0x47: {  	p1 =	sne.s32 s18, s7;
	[sflag:s17] =	ssyncset.done $0x0  }
.Ltmp1:
0x48: {  	[sflag:s17] =	ssyncadd.s32 $0xFFFFC000;
	(pc) =	sbr.rel @p1 .LBB2_1-.Ltmp1, $4  }
0x49: {  	[hbm4b:s6+s2] =	stream.linear.scatter [tilespmem:s15], [sflag:$0x3], $0x4000, $0x38;
	[tilespmem:$0x1A000] =	vst v63  }
0x4a: {  	_ =	swait.ge [sflag:s11], $0x4000  }
0x4b: {  	[sflag:s11] =	ssyncset.done $0x0  }
0x4c: {  	[sflag:s11] =	ssyncadd.s32 $0xFFFFC000  }
0x4d: {  	_ =	sfence.sel $0x180000  }
0x4e: {  	[bflag:$0x0] =	sbarrier.arrive $0xFFFF  }
0x4f: {  	_ =	strace $0x90000047  }
0x50: {  	s0 =	sadd.s32 @!p0 $0x100000, s0;
	[bflag:$0x2] =	sbarrier.arrive $0xFFFF  }
0x51: {  	[sflag:s0] =	ssyncadd.tile.s32 @!p0 $0x1;
	_ =	shalt  }
.Lfunc_end2:
_tile_overlayer_lowered:
.L_overlay_start_2:
0x52: {  	(tag) =	ssettag $0x2  }
0x53: {  	s0 =	rddreg [dreg:$0x0];
	s2 =	stileid.u32  }
0x54: {  	s1 =	rddreg [dreg:$0x1];
	p0 =	sne.s32 s2, $0x0  }
0x55: {  	s3 =	rddreg [dreg:$0x2];
	[bflag:$0x3] =	sbarrier.arrive $0xFFFF;
	s2 =	simm.s32 @!p0 $0x1C03  }
0x56: {  	[timem:s3], [sflag:s2] =	dma.local @!p0 [hbm:s0], s1  }
0x57: {  	s0 =	simm.s32 @!p0 $0x3  }
0x58: {  	_ =	swait.ge @!p0 [sflag:s0], s1  }
0x59: {  	s1 =	ssub.s32 @!p0 $0x0, s1;
	[sflag:s0] =	ssyncset.done @!p0 $0x0  }
0x5a: {  	[sflag:s0] =	ssyncadd.s32 @!p0 s1  }
0x5b: {  	[bflag:$0x3] =	sbarrier.arrive $0xFFFF  }
0x5c: {  	_ =	shalt  }

// kernel: kernel.24.cloned.1.call-start
scs
__scs_entry_jumppad:
0x0: {  	(pc) =	sbr.rel $0x88, $3  }
0x1: {  	(tag) =	ssettag $0x0;
	lr =	simm.s32 $0x1  }
0x2: {  	[smem:$0x3F8B] =	sst lr;
	_ =	strace $0xD0000000  }
0x3: {  	_ = 	snop  }
0x4: {  	_ = 	snop  }
0x5: {  	_ = 	snop  }
0x6: {  	_ = 	snop  }
0x7: {  	_ = 	snop  }
__scs_overlays_trampoline_lowered:
0x8: {  	[smem:$0x3F9A] =	sst s0  }
0x9: {  	[smem:$0x3F9B] =	sst s1  }
0xa: {  	[smem:$0x3F9C] =	sst s2  }
0xb: {  	[smem:$0x3F9D] =	sst s3  }
0xc: {  	[smem:$0x3F9E] =	sst s4  }
0xd: {  	[smem:$0x3F9F] =	sst s5  }
0xe: {  	[smem:$0x3FA0] =	sst s6  }
0xf: {  	[smem:$0x3FA1] =	sst s7  }
0x10: {  	[smem:$0x3FA2] =	sst s8  }
0x11: {  	[smem:$0x3FA3] =	sst s9;
	s0 =	simm.s32 @!p0 $0x0  }
0x12: {  	s1 =	sld [smem:$0x3F89];
	s0 =	simm.s32 @p0 $0x1  }
0x13: {  	[smem:$0x3FA4] =	sst s0;
	s0 =	simm.s32 @!p1 $0x0  }
0x14: {  	s2 =	sld [smem:$0x3F88];
	s0 =	simm.s32 @p1 $0x1  }
0x15: {  	[smem:$0x3FA5] =	sst s0;
	s0 =	simm.s32 @!p2 $0x0  }
0x16: {  	s3 =	sld [smem:$0x3FDB];
	s0 =	simm.s32 @p2 $0x1  }
0x17: {  	s4 =	simm.s32 $0x1BF5;
	[smem:$0x3FA7] =	sst s0  }
0x18: {  	s0 =	sld [smem:$0x3F8A];
	_ =	swait.ge [sflag:s4], $0x0  }
0x19: {  	s7 =	sld [smem:$0x3F8B]  }
0x1a: {  	s8 =	sadd.s32 $0xFFFFE003, lr  }
0x1b: {  	s9 =	sadd.s32 $0xFFFFFEF7, lr;
	s5 =	simm.s32 $0xFFFFFFFF;
	p2 =	slt.u32 s8, $0xFFFFF086  }
0x1c: {  	p1 =	slt.u32 s9, $0xF7A;
	s5 =	simm.s32 @!p2 $0x0  }
0x1d: {  	s5 =	simm.s32 @p1 $0x1;
	p0 =	seq.s32 s7, s2  }
0x1e: {  	s7 =	smul.u32 @!p0 $0xF7A, s2;
	p2 =	seq.s32 @!p0 s5, $0x0  }
0x1f: {  	s9 =	smul.u32 $0xF7A, s1;
	s8 =	simm.s32 @!p0 $0x1BF5;
	p2 =	por !p2, p0  }
0x20: {  	[sflag:s8] =	ssyncset.s32 @!p0 $0xFFFFF086;
	s6 =	sadd.s32 @!p0 s3, s7;
	s7 =	simm.s32 @!p0 $0x108  }
0x21: {  	s3 =	sadd.s32 s3, s9;
	s6 =	sadd.s32 @!p0 $0x88, s6;
	s7 =	simm.s32 @p2 $0x1082  }
0x22: {  	[simem:s7], [sflag:s8] =	dma.local @!p0 [hbm:s6], $0xF7A  }
0x23: {  	s9 =	sor.u32 $0xD0000000, s2;
	s6 =	simm.s32 $0x108;
	_ =	swait.ge @!p0 [sflag:s8], $0x0  }
0x24: {  	s3 =	sadd.s32 $0x88, s3;
	s6 =	simm.s32 @!p1 $0x1082;
	[sflag:s4] =	ssyncset.s32 $0xFFFFF086  }
0x25: {  	[simem:s6], [sflag:s4] =	dma.local [hbm:s3], $0xF7A  }
0x26: {  	[smem:$0x3F8B] =	sst s1;
	(tag) =	ssettag s2;
	_ =	strace s9  }
0x27: {  	s1 =	sld [smem:$0x3F9B]  }
0x28: {  	s2 =	sld [smem:$0x3F9C]  }
0x29: {  	s4 =	sld [smem:$0x3F9E]  }
0x2a: {  	p0 =	seq.s32 s5, $0x0;
	s5 =	sld [smem:$0x3F9F]  }
0x2b: {  	s6 =	sld [smem:$0x3FA0]  }
0x2c: {  	s7 =	sld [smem:$0x3FA1]  }
0x2d: {  	s3 =	simm.s32 $0x108;
	s8 =	sld [smem:$0x3FA2]  }
0x2e: {  	s3 =	simm.s32 @!p0 $0x1082;
	s9 =	sld [smem:$0x3FA3]  }
0x2f: {  	lr =	sadd.s32 s0, s3;
	s0 =	sld [smem:$0x3F9A]  }
0x30: {  	s3 =	sld [smem:$0x3F9D]  }
0x31: {  	[smem:$0x3FA6] =	sst s10  }
0x32: {  	s10 =	sld [smem:$0x3FA4];
	_ =	sdelay $0x3  }
0x33: {  	p0 =	seq.s32 s10, $0x1;
	s10 =	sld [smem:$0x3FA6];
	_ =	sdelay $0x3  }
0x34: {  	[smem:$0x3FA6] =	sst s10  }
0x35: {  	s10 =	sld [smem:$0x3FA5];
	_ =	sdelay $0x3  }
0x36: {  	p1 =	seq.s32 s10, $0x1;
	s10 =	sld [smem:$0x3FA6];
	_ =	sdelay $0x3  }
0x37: {  	[smem:$0x3FA6] =	sst s10  }
0x38: {  	s10 =	sld [smem:$0x3FA7]  }
0x39: {  	_ = 	snop;
	(pc) =	sbr.ind lr, $3  }
0x3a: {  	_ = 	snop  }
0x3b: {  	_ = 	snop  }
0x3c: {  	p2 =	seq.s32 s10, $0x1;
	s10 =	sld [smem:$0x3FA6]  }
0x3d: {  	_ =	shalt  }
0x3e: {  	_ =	shalt  }
0x3f: {  	_ =	shalt  }
0x40: {  	_ =	shalt  }
0x41: {  	_ =	shalt  }
0x42: {  	_ =	shalt  }
0x43: {  	_ =	shalt  }
0x44: {  	_ =	shalt  }
0x45: {  	_ =	shalt  }
0x46: {  	_ =	shalt  }
0x47: {  	_ =	shalt  }
0x48: {  	_ =	shalt  }
0x49: {  	_ =	shalt  }
0x4a: {  	_ =	shalt  }
0x4b: {  	_ =	shalt  }
0x4c: {  	_ =	shalt  }
0x4d: {  	_ =	shalt  }
0x4e: {  	_ =	shalt  }
0x4f: {  	_ =	shalt  }
0x50: {  	_ =	shalt  }
0x51: {  	_ =	shalt  }
0x52: {  	_ =	shalt  }
0x53: {  	_ =	shalt  }
0x54: {  	_ =	shalt  }
0x55: {  	_ =	shalt  }
0x56: {  	_ =	shalt  }
0x57: {  	_ =	shalt  }
0x58: {  	_ =	shalt  }
0x59: {  	_ =	shalt  }
0x5a: {  	_ =	shalt  }
0x5b: {  	_ =	shalt  }
0x5c: {  	_ =	shalt  }
0x5d: {  	_ =	shalt  }
0x5e: {  	_ =	shalt  }
0x5f: {  	_ =	shalt  }
0x60: {  	_ =	shalt  }
0x61: {  	_ =	shalt  }
0x62: {  	_ =	shalt  }
0x63: {  	_ =	shalt  }
0x64: {  	_ =	shalt  }
0x65: {  	_ =	shalt  }
0x66: {  	_ =	shalt  }
0x67: {  	_ =	shalt  }
0x68: {  	_ =	shalt  }
0x69: {  	_ =	shalt  }
0x6a: {  	_ =	shalt  }
0x6b: {  	_ =	shalt  }
0x6c: {  	_ =	shalt  }
0x6d: {  	_ =	shalt  }
0x6e: {  	_ =	shalt  }
0x6f: {  	_ =	shalt  }
0x70: {  	_ =	shalt  }
0x71: {  	_ =	shalt  }
0x72: {  	_ =	shalt  }
0x73: {  	_ =	shalt  }
0x74: {  	_ =	shalt  }
0x75: {  	_ =	shalt  }
0x76: {  	_ =	shalt  }
0x77: {  	_ =	shalt  }
0x78: {  	_ =	shalt  }
0x79: {  	_ =	shalt  }
0x7a: {  	_ =	shalt  }
0x7b: {  	_ =	shalt  }
0x7c: {  	_ =	shalt  }
0x7d: {  	_ =	shalt  }
0x7e: {  	_ =	shalt  }
0x7f: {  	_ =	shalt  }
0x80: {  	_ =	shalt  }
0x81: {  	_ =	shalt  }
0x82: {  	_ =	shalt  }
0x83: {  	_ =	shalt  }
0x84: {  	_ =	shalt  }
0x85: {  	_ =	shalt  }
0x86: {  	_ =	shalt  }
0x87: {  	_ =	shalt  }
.Lfunc_end0:
.L_simem_size_0:
called_computation.1_lowered:
.L_overlay_start_0:
0x88: {  	s2 =	sld [smem:$0x3FD9]  }
0x89: {  	s3 =	sld [smem:$0x3FFE];
	_ =	sdelay $0x1  }
0x8a: {  	s1 =	srdreg.scid  }
0x8b: {  	s0 =	sand.u32 $0x1, s1  }
0x8c: {  	s14 =	sshll.u32 s0, $0xA;
	s2 =	sadd.s32 s3, s2  }
0x8d: {  	s2 =	sadd.s32 s2, s14  }
0x8e: {  	[smem:$0x3FB2] =	sst s2  }
0x8f: {  	_ = 	snop  }
0x90: {  	s2 =	sld [smem:$0x3FD0];
	_ =	sdelay $0x2  }
0x91: {  	s15 =	simm.s32 $0xA;
	s4 =	simm.s32 $0x10  }
0x92: {  	[smem:s4], [sflag:s15] =	dma.local [hbm:s2], $0x1  }
0x93: {  	_ =	swait.eq [sflag:s15], $0x1  }
0x94: {  	[sflag:s15] =	ssyncset.done $0x0  }
0x95: {  	[sflag:s15] =	ssyncadd.s32 $0xFFFFFFFF  }
0x96: {  	s16 =	sld [smem:$0x10];
	(tm) =	ssettm $0x1  }
0x97: {  	s17 =	sld [smem:$0x3FFB];
	_ =	sdelay $0x3  }
0x98: {  	_ =	strace s17  }
0x99: {  	s3 =	sld [smem:$0x3FFC];
	_ =	sdelay $0x3  }
0x9a: {  	_ =	strace s3  }
0x9b: {  	s3 =	sld [smem:$0x3FFD];
	_ =	sdelay $0x3  }
0x9c: {  	_ =	strace s3  }
0x9d: {  	_ =	strace $0x8FFFFFFF  }
0x9e: {  	s18 =	sld [smem:$0x3FDB];
	_ =	sdelay $0x1  }
0x9f: {  	s19 =	simm.s32 $_scs_section_size  }
0xa0: {  	s5 =	simm.s32 $_size__tile_overlayer_lowered;
	s6 =	simm.s32 $_tile_overlayer_lowered  }
0xa1: {  	s22 =	simm.s32 $0x1BFF;
	s21 =	sshll.u32 s6, $0x1;
	s3 =	sadd.s32 s19, s18  }
0xa2: {  	s7 =	simm.s32 $0x0;
	s20 =	sshll.u32 s5, $0x1;
	s5 =	sadd.s32 s21, s3  }
0xa3: {  	[timem:s7], [sflag:s22] =	dma.local [hbm:s5], s20  }
0xa4: {  	_ =	swait.ge [sflag:s22], s20  }
0xa5: {  	s4 =	ssub.s32 $0x0, s20;
	[sflag:s22] =	ssyncset.done $0x0  }
0xa6: {  	[sflag:s22] =	ssyncadd.s32 s4;
	_ =	sdelay $0x1  }
0xa7: {  	s23 =	simm.s32 $0x1B8B  }
0xa8: {  	_ =	swait.ge [sflag:s23], $0x1  }
0xa9: {  	[sflag:s23] =	ssyncset.done $0x0  }
0xaa: {  	s25 =	simm.s32 $0x1B8E;
	s24 =	sld [smem:$0x3FFE];
	[sflag:s23] =	ssyncadd.s32 $0xFFFFFFFF  }
0xab: {  	s26 =	simm.s32 $execute0_lowered;
	[smem:$0x3FD2] =	sst s25  }
0xac: {  	s5 =	sshll.u32 s26, $0x1;
	_ =	strace $0x80000049;
	[dreg:$0x1] =	wrdreg $0xFFFFFFFF  }
0xad: {  	s28 =	simm.s32 $_size_execute0_lowered;
	s3 =	sadd.s32 s3, s5;
	[dreg:$0x0] =	wrdreg $0x0  }
0xae: {  	s5 =	sshll.u32 s28, $0x1;
	[dreg:$0x2] =	wrdreg s3  }
0xaf: {  	[dreg:$0x3] =	wrdreg s5  }
0xb0: {  	[dreg:$0x4] =	wrdreg $0xC0  }
0xb1: {  	_ =	task [dreg:s7], $0x5FFFF  }
0xb2: {  	[dreg:$0x1] =	wrdreg $0xFFFFFFFF  }
0xb3: {  	[dreg:$0x0] =	wrdreg $0x60  }
0xb4: {  	[dreg:$0x2] =	wrdreg s24  }
0xb5: {  	[dreg:$0x3] =	wrdreg s16  }
0xb6: {  	[dreg:$0x4] =	wrdreg $0x0  }
0xb7: {  	[dreg:$0x5] =	wrdreg $0x9  }
0xb8: {  	_ =	task.clear_ibuf [dreg:s7], $0x6FFFF;
	_ =	strace $0x90000049  }
0xb9: {  	s29 =	simm.s32 $0x9;
	_ =	strace $0x8000004B  }
0xba: {  	_ =	swait.ge [sflag:s29], $0x1  }
0xbb: {  	[sflag:s29] =	ssyncadd.s32 $0xFFFFFFFF  }
0xbc: {  	_ =	strace $0x9000004B  }
0xbd: {  	_ =	sfence  }
0xbe: {  	s30 =	sld [smem:$0x0];
	_ =	sdelay $0x2  }
0xbf: {  	s31 =	sshll.u32 s1, $0xD;
	s1 =	sshrl.u32 s1, $0x2  }
0xc0: {  	s3 =	sand.u32 $0x4000, s31;
	s1 =	sadd.s32 s1, s30  }
0xc1: {  	s0 =	sor.u32 s3, s0;
	s1 =	sshll.u32 s1, $0x11  }
0xc2: {  	s0 =	sor.u32 s1, s0  }
0xc3: {  	s0 =	sadd.s32 $0x8F2B, s0  }
0xc4: {  	[sflag:s0] =	ssyncadd.remote.s32 $0x1  }
0xc5: {  	_ =	sfence.sel $0xFFFF  }
0xc6: {  	[dreg:$0x0] =	wrdreg $0xFFFFFFFF;
	(pc) =	sbr.abs _section_cstart, $3  }
0xc7: {  	[dreg:$0x1] =	wrdreg $0xFFFFFFFF  }
0xc8: {  	_ =	task.clear_ibuf [dreg:s7], $0x2FFFF;
	_ =	strace $0x9FFFFFFF  }
0xc9: {  	(tm) =	ssettm $0x7FFFFFFF  }
tec
execute0_lowered:
.L_overlay_start_1:
0x0: {  	(tag) =	ssettag $0x1  }
0x1: {  	s0 =	rddreg [dreg:$0x0]  }
0x2: {  	s3 =	rddreg [dreg:$0x1]  }
0x3: {  	s2 =	rddreg [dreg:$0x2]  }
0x4: {  	s30 =	rddreg [dreg:$0x3];
	s4 =	srdreg.scid  }
0x5: {  	s1 =	simm.s32 $0x0;
	s5 =	stileid.u32;
	s4 =	sand.u32 $0x1, s4  }
0x6: {  	[smem:$0x7FF] =	sst s1;
	s7 =	sshll.u32 s5, $0xB;
	s6 =	sshll.u32 s4, $0xF  }
0x7: {  	_ =	strace $0x8000004A;
	s8 =	sadd.s32 s6, s0;
	s6 =	sor.u32 s7, s6  }
0x8: {  	s7 =	sshll.u32 s6, $0x4;
	s8 =	sadd.s32 $0x5000, s8;
	s6 =	sshrl.u32 s6, $0x3  }
0x9: {  	s0 =	sadd.s32 s7, s0;
	[dreg:$0x4] =	wrdreg s8;
	s3 =	sadd.s32 s3, s6  }
0xa: {  	[dreg:$0x5] =	wrdreg s3;
	s13 =	sadd.s32 $0x15000, s0;
	s14 =	sadd.s32 $0x1C000, s0  }
0xb: {  	s15 =	sadd.s32 $0x1C800, s0;
	s16 =	sadd.s32 $0x15800, s0;
	s17 =	sadd.s32 $0x16000, s0  }
0xc: {  	s18 =	sadd.s32 $0x16800, s0;
	s19 =	sadd.s32 $0x17000, s0;
	s20 =	sadd.s32 $0x17800, s0  }
0xd: {  	s21 =	sadd.s32 $0x18000, s0;
	s22 =	sadd.s32 $0x18800, s0;
	s23 =	sadd.s32 $0x19000, s0  }
0xe: {  	s24 =	sadd.s32 $0x19800, s0;
	s26 =	sadd.s32 $0x1A000, s0;
	s29 =	sadd.s32 $0x1A800, s0  }
0xf: {  	s10 =	sadd.s32 $0x1B000, s0;
	s7 =	sadd.s32 $0x1B800, s0;
	s0 =	rddreg [dreg:$0x4]  }
0x10: {  	[dreg:$0x6] =	wrdreg s13  }
0x11: {  	[dreg:$0x7] =	wrdreg s14  }
0x12: {  	[dreg:$0x8] =	wrdreg s15  }
0x13: {  	[dreg:$0x9] =	wrdreg s16  }
0x14: {  	s9 =	simm.s32 $0x1;
	p1 =	por $0x0, $0x0;
	[dreg:$0xa] =	wrdreg s17  }
0x15: {  	s12 =	simm.s32 $0x4700;
	p0 =	sne.s32 s5, $0x0;
	[dreg:$0xb] =	wrdreg s18  }
0x16: {  	s5 =	simm.s32 $0x2;
	s4 =	ssub.s32 $0x2, s4;
	[dreg:$0xc] =	wrdreg s19  }
0x17: {  	s28 =	sshrl.u32 @!p0 s2, $0x3;
	s25 =	sshrl.u32 s4, $0x1;
	[dreg:$0xd] =	wrdreg s20  }
0x18: {  	s4 =	ssub.s32 s4, s25;
	s25 =	simm.s32 $0x4000;
	[dreg:$0xe] =	wrdreg s21  }
0x19: {  	s11 =	smax.u32 s4, $0x1;
	s8 =	simm.s32 $0x80;
	[dreg:$0xf] =	wrdreg s22  }
0x1a: {  	s6 =	simm.s32 $0x4800;
	s4 =	simm.s32 $0x8800;
	[dreg:$0x10] =	wrdreg s23  }
0x1b: {  	s3 =	simm.s32 $0x3;
	s31 =	sadd.s32 $0xFFFFFFFF, s11;
	[dreg:$0x11] =	wrdreg s24  }
0x1c: {  	s11 =	simm.s32 $0x4780;
	[dreg:$0x12] =	wrdreg s26;
	p2 =	sne.s32 s31, $0x0  }
.Ltmp0:
0x1d: {  	[dreg:$0x13] =	wrdreg s29;
	s26 =	simm.s32 $0x4080;
	(pc) =	sbr.rel @!p2 .LBB2_5-.Ltmp0, $4  }
0x1e: {  	s24 =	simm.s32 $0x4100;
	s23 =	simm.s32 $0x4180;
	s22 =	simm.s32 $0x4200  }
0x1f: {  	s21 =	simm.s32 $0x4280;
	s20 =	simm.s32 $0x4300;
	s19 =	simm.s32 $0x4380  }
0x20: {  	s18 =	simm.s32 $0x4400;
	s17 =	simm.s32 $0x4480;
	s16 =	simm.s32 $0x4500  }
0x21: {  	s15 =	simm.s32 $0x4580;
	s14 =	simm.s32 $0x4600;
	s13 =	simm.s32 $0x4680  }
0x22: {  	s29 =	simm.s32 @!p0 $0x1C03;
	s30 =	simm.s32 @!p0 $0x3  }
0x23: {  	[spmem:s28], [sflag:s29] =	dma.local @!p0 [hbm:s0], $0x8000  }
0x24: {  	_ =	swait.ge @!p0 [sflag:s30], $0x8000  }
0x25: {  	[sflag:s30] =	ssyncset.done @!p0 $0x0  }
0x26: {  	s0 =	rddreg [dreg:$0x5];
	[sflag:s30] =	ssyncadd.s32 @!p0 $0xFFFF8000  }
0x27: {  	[tilespmem:s25], [sflag:$0x3] =	stream.linear.gather [hbm4b:s0+s1], $0x800, $0x38;
	[tilespmem:$0xC800] =	vst v63  }
0x28: {  	_ =	swait.ge [sflag:s3], $0x800  }
0x29: {  	[sflag:s3] =	ssyncset.done $0x0  }
0x2a: {  	[sflag:s3] =	ssyncadd.s32 $0xFFFFF800  }
0x2b: {  	[bflag:$0x0] =	sbarrier.arrive $0xFFFF  }
0x2c: {  	[tilespmem:s6], [sflag:$0x1] =	stream.indirect.gather [spmem:s2], $0x80, s25, s8, $0xb8;
	[tilespmem:$0xC800] =	vst v63  }
0x2d: {  	_ = 	snop  }
0x2e: {  	[tilespmem:s4], [sflag:$0x2] =	stream.indirect.gather [spmem:s2], $0x80, s26, s8, $0xb8;
	[tilespmem:$0xC800] =	vst v63  }
0x2f: {  	_ =	swait.ge [sflag:s9], $0x4000  }
0x30: {  	[sflag:s9] =	ssyncset.done $0x0  }
0x31: {  	s0 =	rddreg [dreg:$0x6];
	[sflag:s9] =	ssyncadd.s32 $0xFFFFC000  }
0x32: {  	[hbm4b:s0+s1] =	stream.linear.scatter [tilespmem:s6], [sflag:$0x3], $0x4000, $0x38;
	[tilespmem:$0xC800] =	vst v63  }
0x33: {  	_ =	swait.ge [sflag:s3], $0x4000  }
0x34: {  	[sflag:s3] =	ssyncset.done $0x0  }
0x35: {  	[sflag:s3] =	ssyncadd.s32 $0xFFFFC000  }
0x36: {  	[tilespmem:s6], [sflag:$0x1] =	stream.indirect.gather [spmem:s2], $0x80, s24, s8, $0xb8;
	[tilespmem:$0xC800] =	vst v63  }
0x37: {  	_ =	swait.ge [sflag:s5], $0x4000  }
0x38: {  	[sflag:s5] =	ssyncset.done $0x0  }
0x39: {  	s0 =	rddreg [dreg:$0x9];
	[sflag:s5] =	ssyncadd.s32 $0xFFFFC000  }
0x3a: {  	[hbm4b:s0+s1] =	stream.linear.scatter [tilespmem:s4], [sflag:$0x3], $0x4000, $0x38;
	[tilespmem:$0xC800] =	vst v63  }
0x3b: {  	_ =	swait.ge [sflag:s3], $0x4000  }
0x3c: {  	[sflag:s3] =	ssyncset.done $0x0  }
0x3d: {  	[sflag:s3] =	ssyncadd.s32 $0xFFFFC000  }
0x3e: {  	[tilespmem:s4], [sflag:$0x2] =	stream.indirect.gather [spmem:s2], $0x80, s23, s8, $0xb8;
	[tilespmem:$0xC800] =	vst v63  }
0x3f: {  	_ =	swait.ge [sflag:s9], $0x4000  }
0x40: {  	[sflag:s9] =	ssyncset.done $0x0  }
0x41: {  	s0 =	rddreg [dreg:$0xa];
	[sflag:s9] =	ssyncadd.s32 $0xFFFFC000  }
0x42: {  	[hbm4b:s0+s1] =	stream.linear.scatter [tilespmem:s6], [sflag:$0x3], $0x4000, $0x38;
	[tilespmem:$0xC800] =	vst v63  }
0x43: {  	_ =	swait.ge [sflag:s3], $0x4000  }
0x44: {  	[sflag:s3] =	ssyncset.done $0x0  }
0x45: {  	[sflag:s3] =	ssyncadd.s32 $0xFFFFC000  }
0x46: {  	[tilespmem:s6], [sflag:$0x1] =	stream.indirect.gather [spmem:s2], $0x80, s22, s8, $0xb8;
	[tilespmem:$0xC800] =	vst v63  }
0x47: {  	_ =	swait.ge [sflag:s5], $0x4000  }
0x48: {  	[sflag:s5] =	ssyncset.done $0x0  }
0x49: {  	s0 =	rddreg [dreg:$0xb];
	[sflag:s5] =	ssyncadd.s32 $0xFFFFC000  }
0x4a: {  	[hbm4b:s0+s1] =	stream.linear.scatter [tilespmem:s4], [sflag:$0x3], $0x4000, $0x38;
	[tilespmem:$0xC800] =	vst v63  }
0x4b: {  	_ =	swait.ge [sflag:s3], $0x4000  }
0x4c: {  	[sflag:s3] =	ssyncset.done $0x0  }
0x4d: {  	[sflag:s3] =	ssyncadd.s32 $0xFFFFC000  }
0x4e: {  	[tilespmem:s4], [sflag:$0x2] =	stream.indirect.gather [spmem:s2], $0x80, s21, s8, $0xb8;
	[tilespmem:$0xC800] =	vst v63  }
0x4f: {  	_ =	swait.ge [sflag:s9], $0x4000  }
0x50: {  	[sflag:s9] =	ssyncset.done $0x0  }
0x51: {  	s0 =	rddreg [dreg:$0xc];
	[sflag:s9] =	ssyncadd.s32 $0xFFFFC000  }
0x52: {  	[hbm4b:s0+s1] =	stream.linear.scatter [tilespmem:s6], [sflag:$0x3], $0x4000, $0x38;
	[tilespmem:$0xC800] =	vst v63  }
0x53: {  	_ =	swait.ge [sflag:s3], $0x4000  }
0x54: {  	[sflag:s3] =	ssyncset.done $0x0  }
0x55: {  	[sflag:s3] =	ssyncadd.s32 $0xFFFFC000  }
0x56: {  	[tilespmem:s6], [sflag:$0x1] =	stream.indirect.gather [spmem:s2], $0x80, s20, s8, $0xb8;
	[tilespmem:$0xC800] =	vst v63  }
0x57: {  	_ =	swait.ge [sflag:s5], $0x4000  }
0x58: {  	[sflag:s5] =	ssyncset.done $0x0  }
0x59: {  	s0 =	rddreg [dreg:$0xd];
	[sflag:s5] =	ssyncadd.s32 $0xFFFFC000  }
0x5a: {  	[hbm4b:s0+s1] =	stream.linear.scatter [tilespmem:s4], [sflag:$0x3], $0x4000, $0x38;
	[tilespmem:$0xC800] =	vst v63  }
0x5b: {  	_ =	swait.ge [sflag:s3], $0x4000  }
0x5c: {  	[sflag:s3] =	ssyncset.done $0x0  }
0x5d: {  	[sflag:s3] =	ssyncadd.s32 $0xFFFFC000  }
0x5e: {  	[tilespmem:s4], [sflag:$0x2] =	stream.indirect.gather [spmem:s2], $0x80, s19, s8, $0xb8;
	[tilespmem:$0xC800] =	vst v63  }
0x5f: {  	_ =	swait.ge [sflag:s9], $0x4000  }
0x60: {  	[sflag:s9] =	ssyncset.done $0x0  }
0x61: {  	s0 =	rddreg [dreg:$0xe];
	[sflag:s9] =	ssyncadd.s32 $0xFFFFC000  }
0x62: {  	[hbm4b:s0+s1] =	stream.linear.scatter [tilespmem:s6], [sflag:$0x3], $0x4000, $0x38;
	[tilespmem:$0xC800] =	vst v63  }
0x63: {  	_ =	swait.ge [sflag:s3], $0x4000  }
0x64: {  	[sflag:s3] =	ssyncset.done $0x0  }
0x65: {  	[sflag:s3] =	ssyncadd.s32 $0xFFFFC000  }
0x66: {  	[tilespmem:s6], [sflag:$0x1] =	stream.indirect.gather [spmem:s2], $0x80, s18, s8, $0xb8;
	[tilespmem:$0xC800] =	vst v63  }
0x67: {  	_ =	swait.ge [sflag:s5], $0x4000  }
0x68: {  	[sflag:s5] =	ssyncset.done $0x0  }
0x69: {  	s0 =	rddreg [dreg:$0xf];
	[sflag:s5] =	ssyncadd.s32 $0xFFFFC000  }
0x6a: {  	[hbm4b:s0+s1] =	stream.linear.scatter [tilespmem:s4], [sflag:$0x3], $0x4000, $0x38;
	[tilespmem:$0xC800] =	vst v63  }
0x6b: {  	_ =	swait.ge [sflag:s3], $0x4000  }
0x6c: {  	[sflag:s3] =	ssyncset.done $0x0  }
0x6d: {  	[sflag:s3] =	ssyncadd.s32 $0xFFFFC000  }
0x6e: {  	[tilespmem:s4], [sflag:$0x2] =	stream.indirect.gather [spmem:s2], $0x80, s17, s8, $0xb8;
	[tilespmem:$0xC800] =	vst v63  }
0x6f: {  	_ =	swait.ge [sflag:s9], $0x4000  }
0x70: {  	[sflag:s9] =	ssyncset.done $0x0  }
0x71: {  	s0 =	rddreg [dreg:$0x10];
	[sflag:s9] =	ssyncadd.s32 $0xFFFFC000  }
0x72: {  	[hbm4b:s0+s1] =	stream.linear.scatter [tilespmem:s6], [sflag:$0x3], $0x4000, $0x38;
	[tilespmem:$0xC800] =	vst v63  }
0x73: {  	_ =	swait.ge [sflag:s3], $0x4000  }
0x74: {  	[sflag:s3] =	ssyncset.done $0x0  }
0x75: {  	[sflag:s3] =	ssyncadd.s32 $0xFFFFC000  }
0x76: {  	[tilespmem:s6], [sflag:$0x1] =	stream.indirect.gather [spmem:s2], $0x80, s16, s8, $0xb8;
	[tilespmem:$0xC800] =	vst v63  }
0x77: {  	_ =	swait.ge [sflag:s5], $0x4000  }
0x78: {  	[sflag:s5] =	ssyncset.done $0x0  }
0x79: {  	s0 =	rddreg [dreg:$0x11];
	[sflag:s5] =	ssyncadd.s32 $0xFFFFC000  }
0x7a: {  	[hbm4b:s0+s1] =	stream.linear.scatter [tilespmem:s4], [sflag:$0x3], $0x4000, $0x38;
	[tilespmem:$0xC800] =	vst v63  }
0x7b: {  	_ =	swait.ge [sflag:s3], $0x4000  }
0x7c: {  	[sflag:s3] =	ssyncset.done $0x0  }
0x7d: {  	[sflag:s3] =	ssyncadd.s32 $0xFFFFC000  }
0x7e: {  	[tilespmem:s4], [sflag:$0x2] =	stream.indirect.gather [spmem:s2], $0x80, s15, s8, $0xb8;
	[tilespmem:$0xC800] =	vst v63  }
0x7f: {  	_ =	swait.ge [sflag:s9], $0x4000  }
0x80: {  	[sflag:s9] =	ssyncset.done $0x0  }
0x81: {  	s0 =	rddreg [dreg:$0x12];
	[sflag:s9] =	ssyncadd.s32 $0xFFFFC000  }
0x82: {  	[hbm4b:s0+s1] =	stream.linear.scatter [tilespmem:s6], [sflag:$0x3], $0x4000, $0x38;
	[tilespmem:$0xC800] =	vst v63  }
0x83: {  	_ =	swait.ge [sflag:s3], $0x4000  }
0x84: {  	[sflag:s3] =	ssyncset.done $0x0  }
0x85: {  	[sflag:s3] =	ssyncadd.s32 $0xFFFFC000  }
0x86: {  	[tilespmem:s6], [sflag:$0x1] =	stream.indirect.gather [spmem:s2], $0x80, s14, s8, $0xb8;
	[tilespmem:$0xC800] =	vst v63  }
0x87: {  	_ =	swait.ge [sflag:s5], $0x4000  }
0x88: {  	[sflag:s5] =	ssyncset.done $0x0  }
0x89: {  	s0 =	rddreg [dreg:$0x13];
	[sflag:s5] =	ssyncadd.s32 $0xFFFFC000  }
0x8a: {  	[hbm4b:s0+s1] =	stream.linear.scatter [tilespmem:s4], [sflag:$0x3], $0x4000, $0x38;
	[tilespmem:$0xC800] =	vst v63  }
0x8b: {  	_ =	swait.ge [sflag:s3], $0x4000  }
0x8c: {  	[sflag:s3] =	ssyncset.done $0x0  }
0x8d: {  	[sflag:s3] =	ssyncadd.s32 $0xFFFFC000  }
0x8e: {  	[tilespmem:s4], [sflag:$0x2] =	stream.indirect.gather [spmem:s2], $0x80, s13, s8, $0xb8;
	[tilespmem:$0xC800] =	vst v63  }
0x8f: {  	_ =	swait.ge [sflag:s9], $0x4000  }
0x90: {  	[sflag:s9] =	ssyncset.done $0x0  }
0x91: {  	[sflag:s9] =	ssyncadd.s32 $0xFFFFC000  }
0x92: {  	[hbm4b:s10+s1] =	stream.linear.scatter [tilespmem:s6], [sflag:$0x3], $0x4000, $0x38;
	[tilespmem:$0xC800] =	vst v63  }
0x93: {  	_ =	swait.ge [sflag:s3], $0x4000  }
0x94: {  	[sflag:s3] =	ssyncset.done $0x0  }
0x95: {  	[sflag:s3] =	ssyncadd.s32 $0xFFFFC000  }
0x96: {  	[tilespmem:s6], [sflag:$0x1] =	stream.indirect.gather [spmem:s2], $0x80, s12, s8, $0xb8;
	[tilespmem:$0xC800] =	vst v63  }
0x97: {  	_ =	swait.ge [sflag:s5], $0x4000  }
0x98: {  	[sflag:s5] =	ssyncset.done $0x0  }
0x99: {  	[sflag:s5] =	ssyncadd.s32 $0xFFFFC000  }
0x9a: {  	[hbm4b:s7+s1] =	stream.linear.scatter [tilespmem:s4], [sflag:$0x3], $0x4000, $0x38;
	[tilespmem:$0xC800] =	vst v63  }
0x9b: {  	_ =	swait.ge [sflag:s3], $0x4000  }
0x9c: {  	[sflag:s3] =	ssyncset.done $0x0  }
0x9d: {  	[sflag:s3] =	ssyncadd.s32 $0xFFFFC000  }
0x9e: {  	[tilespmem:s4], [sflag:$0x2] =	stream.indirect.gather [spmem:s2], $0x80, s11, s8, $0xb8;
	[tilespmem:$0xC800] =	vst v63  }
0x9f: {  	_ =	swait.ge [sflag:s9], $0x4000  }
0xa0: {  	[sflag:s9] =	ssyncset.done $0x0  }
0xa1: {  	s0 =	rddreg [dreg:$0x7];
	[sflag:s9] =	ssyncadd.s32 $0xFFFFC000  }
0xa2: {  	[hbm4b:s0+s1] =	stream.linear.scatter [tilespmem:s6], [sflag:$0x3], $0x4000, $0x38;
	[tilespmem:$0xC800] =	vst v63  }
0xa3: {  	_ =	swait.ge [sflag:s3], $0x4000  }
0xa4: {  	[sflag:s3] =	ssyncset.done $0x0  }
0xa5: {  	s31 =	sadd.s32 $0xFFFFFFFF, s31;
	[sflag:s3] =	ssyncadd.s32 $0xFFFFC000  }
0xa6: {  	p2 =	sne.s32 s31, $0x0;
	_ =	swait.ge [sflag:s5], $0x4000  }
.Ltmp1:
0xa7: {  	[sflag:s5] =	ssyncset.done $0x0;
	(pc) =	sbr.rel @!p2 .LBB2_2-.Ltmp1, $4  }
0xa8: {  	s0 =	rddreg [dreg:$0x8];
	[sflag:s5] =	ssyncadd.s32 $0xFFFFC000  }
0xa9: {  	[hbm4b:s0+s1] =	stream.linear.scatter [tilespmem:s4], [sflag:$0x3], $0x4000, $0x38;
	[tilespmem:$0xC800] =	vst v63  }
0xaa: {  	_ =	swait.ge [sflag:s3], $0x4000  }
0xab: {  	p1 =	por $0x1, $0x1;
	s0 =	rddreg [dreg:$0x4];
	[sflag:s3] =	ssyncset.done $0x0  }
.LBB2_3:
0xac: {  	[sflag:s3] =	ssyncadd.s32 $0xFFFFC000  }
0xad: {  	[spmem:s28], [sflag:s29] =	dma.local @!p0 [hbm:s0], $0x8000  }
0xae: {  	_ =	swait.ge @!p0 [sflag:s30], $0x8000  }
0xaf: {  	[sflag:s30] =	ssyncset.done @!p0 $0x0  }
0xb0: {  	s0 =	rddreg [dreg:$0x5];
	[sflag:s30] =	ssyncadd.s32 @!p0 $0xFFFF8000  }
0xb1: {  	[tilespmem:s25], [sflag:$0x3] =	stream.linear.gather [hbm4b:s0+s1], $0x800, $0x38;
	[tilespmem:$0xC800] =	vst v63  }
0xb2: {  	_ =	swait.ge [sflag:s3], $0x800  }
0xb3: {  	[sflag:s3] =	ssyncset.done $0x0  }
0xb4: {  	[sflag:s3] =	ssyncadd.s32 $0xFFFFF800  }
0xb5: {  	[bflag:$0x0] =	sbarrier.arrive $0xFFFF  }
0xb6: {  	[tilespmem:s6], [sflag:$0x1] =	stream.indirect.gather [spmem:s2], $0x80, s25, s8, $0xb8;
	[tilespmem:$0xC800] =	vst v63  }
0xb7: {  	_ = 	snop  }
0xb8: {  	[tilespmem:s4], [sflag:$0x2] =	stream.indirect.gather [spmem:s2], $0x80, s26, s8, $0xb8;
	[tilespmem:$0xC800] =	vst v63  }
0xb9: {  	_ =	swait.ge [sflag:s9], $0x4000  }
0xba: {  	[sflag:s9] =	ssyncset.done $0x0  }
0xbb: {  	s0 =	rddreg [dreg:$0x6];
	[sflag:s9] =	ssyncadd.s32 $0xFFFFC000  }
0xbc: {  	[hbm4b:s0+s1] =	stream.linear.scatter [tilespmem:s6], [sflag:$0x3], $0x4000, $0x38;
	[tilespmem:$0xC800] =	vst v63  }
0xbd: {  	_ =	swait.ge [sflag:s3], $0x4000  }
0xbe: {  	[sflag:s3] =	ssyncset.done $0x0  }
0xbf: {  	[sflag:s3] =	ssyncadd.s32 $0xFFFFC000  }
0xc0: {  	[tilespmem:s6], [sflag:$0x1] =	stream.indirect.gather [spmem:s2], $0x80, s24, s8, $0xb8;
	[tilespmem:$0xC800] =	vst v63  }
0xc1: {  	_ =	swait.ge [sflag:s5], $0x4000  }
0xc2: {  	[sflag:s5] =	ssyncset.done $0x0  }
0xc3: {  	s0 =	rddreg [dreg:$0x9];
	[sflag:s5] =	ssyncadd.s32 $0xFFFFC000  }
0xc4: {  	[hbm4b:s0+s1] =	stream.linear.scatter [tilespmem:s4], [sflag:$0x3], $0x4000, $0x38;
	[tilespmem:$0xC800] =	vst v63  }
0xc5: {  	_ =	swait.ge [sflag:s3], $0x4000  }
0xc6: {  	[sflag:s3] =	ssyncset.done $0x0  }
0xc7: {  	[sflag:s3] =	ssyncadd.s32 $0xFFFFC000  }
0xc8: {  	[tilespmem:s4], [sflag:$0x2] =	stream.indirect.gather [spmem:s2], $0x80, s23, s8, $0xb8;
	[tilespmem:$0xC800] =	vst v63  }
0xc9: {  	_ =	swait.ge [sflag:s9], $0x4000  }
0xca: {  	[sflag:s9] =	ssyncset.done $0x0  }
0xcb: {  	s0 =	rddreg [dreg:$0xa];
	[sflag:s9] =	ssyncadd.s32 $0xFFFFC000  }
0xcc: {  	[hbm4b:s0+s1] =	stream.linear.scatter [tilespmem:s6], [sflag:$0x3], $0x4000, $0x38;
	[tilespmem:$0xC800] =	vst v63  }
0xcd: {  	_ =	swait.ge [sflag:s3], $0x4000  }
0xce: {  	[sflag:s3] =	ssyncset.done $0x0  }
0xcf: {  	[sflag:s3] =	ssyncadd.s32 $0xFFFFC000  }
0xd0: {  	[tilespmem:s6], [sflag:$0x1] =	stream.indirect.gather [spmem:s2], $0x80, s22, s8, $0xb8;
	[tilespmem:$0xC800] =	vst v63  }
0xd1: {  	_ =	swait.ge [sflag:s5], $0x4000  }
0xd2: {  	[sflag:s5] =	ssyncset.done $0x0  }
0xd3: {  	s0 =	rddreg [dreg:$0xb];
	[sflag:s5] =	ssyncadd.s32 $0xFFFFC000  }
0xd4: {  	[hbm4b:s0+s1] =	stream.linear.scatter [tilespmem:s4], [sflag:$0x3], $0x4000, $0x38;
	[tilespmem:$0xC800] =	vst v63  }
0xd5: {  	_ =	swait.ge [sflag:s3], $0x4000  }
0xd6: {  	[sflag:s3] =	ssyncset.done $0x0  }
0xd7: {  	[sflag:s3] =	ssyncadd.s32 $0xFFFFC000  }
0xd8: {  	[tilespmem:s4], [sflag:$0x2] =	stream.indirect.gather [spmem:s2], $0x80, s21, s8, $0xb8;
	[tilespmem:$0xC800] =	vst v63  }
0xd9: {  	_ =	swait.ge [sflag:s9], $0x4000  }
0xda: {  	[sflag:s9] =	ssyncset.done $0x0  }
0xdb: {  	s0 =	rddreg [dreg:$0xc];
	[sflag:s9] =	ssyncadd.s32 $0xFFFFC000  }
0xdc: {  	[hbm4b:s0+s1] =	stream.linear.scatter [tilespmem:s6], [sflag:$0x3], $0x4000, $0x38;
	[tilespmem:$0xC800] =	vst v63  }
0xdd: {  	_ =	swait.ge [sflag:s3], $0x4000  }
0xde: {  	[sflag:s3] =	ssyncset.done $0x0  }
0xdf: {  	[sflag:s3] =	ssyncadd.s32 $0xFFFFC000  }
0xe0: {  	[tilespmem:s6], [sflag:$0x1] =	stream.indirect.gather [spmem:s2], $0x80, s20, s8, $0xb8;
	[tilespmem:$0xC800] =	vst v63  }
0xe1: {  	_ =	swait.ge [sflag:s5], $0x4000  }
0xe2: {  	[sflag:s5] =	ssyncset.done $0x0  }
0xe3: {  	s0 =	rddreg [dreg:$0xd];
	[sflag:s5] =	ssyncadd.s32 $0xFFFFC000  }
0xe4: {  	[hbm4b:s0+s1] =	stream.linear.scatter [tilespmem:s4], [sflag:$0x3], $0x4000, $0x38;
	[tilespmem:$0xC800] =	vst v63  }
0xe5: {  	_ =	swait.ge [sflag:s3], $0x4000  }
0xe6: {  	[sflag:s3] =	ssyncset.done $0x0  }
0xe7: {  	[sflag:s3] =	ssyncadd.s32 $0xFFFFC000  }
0xe8: {  	[tilespmem:s4], [sflag:$0x2] =	stream.indirect.gather [spmem:s2], $0x80, s19, s8, $0xb8;
	[tilespmem:$0xC800] =	vst v63  }
0xe9: {  	_ =	swait.ge [sflag:s9], $0x4000  }
0xea: {  	[sflag:s9] =	ssyncset.done $0x0  }
0xeb: {  	s0 =	rddreg [dreg:$0xe];
	[sflag:s9] =	ssyncadd.s32 $0xFFFFC000  }
0xec: {  	[hbm4b:s0+s1] =	stream.linear.scatter [tilespmem:s6], [sflag:$0x3], $0x4000, $0x38;
	[tilespmem:$0xC800] =	vst v63  }
0xed: {  	_ =	swait.ge [sflag:s3], $0x4000  }
0xee: {  	[sflag:s3] =	ssyncset.done $0x0  }
0xef: {  	[sflag:s3] =	ssyncadd.s32 $0xFFFFC000  }
0xf0: {  	[tilespmem:s6], [sflag:$0x1] =	stream.indirect.gather [spmem:s2], $0x80, s18, s8, $0xb8;
	[tilespmem:$0xC800] =	vst v63  }
0xf1: {  	_ =	swait.ge [sflag:s5], $0x4000  }
0xf2: {  	[sflag:s5] =	ssyncset.done $0x0  }
0xf3: {  	s0 =	rddreg [dreg:$0xf];
	[sflag:s5] =	ssyncadd.s32 $0xFFFFC000  }
0xf4: {  	[hbm4b:s0+s1] =	stream.linear.scatter [tilespmem:s4], [sflag:$0x3], $0x4000, $0x38;
	[tilespmem:$0xC800] =	vst v63  }
0xf5: {  	_ =	swait.ge [sflag:s3], $0x4000  }
0xf6: {  	[sflag:s3] =	ssyncset.done $0x0  }
0xf7: {  	[sflag:s3] =	ssyncadd.s32 $0xFFFFC000  }
0xf8: {  	[tilespmem:s4], [sflag:$0x2] =	stream.indirect.gather [spmem:s2], $0x80, s17, s8, $0xb8;
	[tilespmem:$0xC800] =	vst v63  }
0xf9: {  	_ =	swait.ge [sflag:s9], $0x4000  }
0xfa: {  	[sflag:s9] =	ssyncset.done $0x0  }
0xfb: {  	s0 =	rddreg [dreg:$0x10];
	[sflag:s9] =	ssyncadd.s32 $0xFFFFC000  }
0xfc: {  	[hbm4b:s0+s1] =	stream.linear.scatter [tilespmem:s6], [sflag:$0x3], $0x4000, $0x38;
	[tilespmem:$0xC800] =	vst v63  }
0xfd: {  	_ =	swait.ge [sflag:s3], $0x4000  }
0xfe: {  	[sflag:s3] =	ssyncset.done $0x0  }
0xff: {  	[sflag:s3] =	ssyncadd.s32 $0xFFFFC000  }
0x100: {  	[tilespmem:s6], [sflag:$0x1] =	stream.indirect.gather [spmem:s2], $0x80, s16, s8, $0xb8;
	[tilespmem:$0xC800] =	vst v63  }
0x101: {  	_ =	swait.ge [sflag:s5], $0x4000  }
0x102: {  	[sflag:s5] =	ssyncset.done $0x0  }
0x103: {  	s0 =	rddreg [dreg:$0x11];
	[sflag:s5] =	ssyncadd.s32 $0xFFFFC000  }
0x104: {  	[hbm4b:s0+s1] =	stream.linear.scatter [tilespmem:s4], [sflag:$0x3], $0x4000, $0x38;
	[tilespmem:$0xC800] =	vst v63  }
0x105: {  	_ =	swait.ge [sflag:s3], $0x4000  }
0x106: {  	[sflag:s3] =	ssyncset.done $0x0  }
0x107: {  	[sflag:s3] =	ssyncadd.s32 $0xFFFFC000  }
0x108: {  	[tilespmem:s4], [sflag:$0x2] =	stream.indirect.gather [spmem:s2], $0x80, s15, s8, $0xb8;
	[tilespmem:$0xC800] =	vst v63  }
0x109: {  	_ =	swait.ge [sflag:s9], $0x4000  }
0x10a: {  	[sflag:s9] =	ssyncset.done $0x0  }
0x10b: {  	s0 =	rddreg [dreg:$0x12];
	[sflag:s9] =	ssyncadd.s32 $0xFFFFC000  }
0x10c: {  	[hbm4b:s0+s1] =	stream.linear.scatter [tilespmem:s6], [sflag:$0x3], $0x4000, $0x38;
	[tilespmem:$0xC800] =	vst v63  }
0x10d: {  	_ =	swait.ge [sflag:s3], $0x4000  }
0x10e: {  	[sflag:s3] =	ssyncset.done $0x0  }
0x10f: {  	[sflag:s3] =	ssyncadd.s32 $0xFFFFC000  }
0x110: {  	[tilespmem:s6], [sflag:$0x1] =	stream.indirect.gather [spmem:s2], $0x80, s14, s8, $0xb8;
	[tilespmem:$0xC800] =	vst v63  }
0x111: {  	_ =	swait.ge [sflag:s5], $0x4000  }
0x112: {  	[sflag:s5] =	ssyncset.done $0x0  }
0x113: {  	s0 =	rddreg [dreg:$0x13];
	[sflag:s5] =	ssyncadd.s32 $0xFFFFC000  }
0x114: {  	[hbm4b:s0+s1] =	stream.linear.scatter [tilespmem:s4], [sflag:$0x3], $0x4000, $0x38;
	[tilespmem:$0xC800] =	vst v63  }
0x115: {  	_ =	swait.ge [sflag:s3], $0x4000  }
0x116: {  	[sflag:s3] =	ssyncset.done $0x0  }
0x117: {  	[sflag:s3] =	ssyncadd.s32 $0xFFFFC000  }
0x118: {  	[tilespmem:s4], [sflag:$0x2] =	stream.indirect.gather [spmem:s2], $0x80, s13, s8, $0xb8;
	[tilespmem:$0xC800] =	vst v63  }
0x119: {  	_ =	swait.ge [sflag:s9], $0x4000  }
0x11a: {  	[sflag:s9] =	ssyncset.done $0x0  }
0x11b: {  	[sflag:s9] =	ssyncadd.s32 $0xFFFFC000  }
0x11c: {  	[hbm4b:s10+s1] =	stream.linear.scatter [tilespmem:s6], [sflag:$0x3], $0x4000, $0x38;
	[tilespmem:$0xC800] =	vst v63  }
0x11d: {  	_ =	swait.ge [sflag:s3], $0x4000  }
0x11e: {  	[sflag:s3] =	ssyncset.done $0x0  }
0x11f: {  	[sflag:s3] =	ssyncadd.s32 $0xFFFFC000  }
0x120: {  	[tilespmem:s6], [sflag:$0x1] =	stream.indirect.gather [spmem:s2], $0x80, s12, s8, $0xb8;
	[tilespmem:$0xC800] =	vst v63  }
0x121: {  	_ =	swait.ge [sflag:s5], $0x4000  }
0x122: {  	[sflag:s5] =	ssyncset.done $0x0  }
0x123: {  	[sflag:s5] =	ssyncadd.s32 $0xFFFFC000  }
0x124: {  	[hbm4b:s7+s1] =	stream.linear.scatter [tilespmem:s4], [sflag:$0x3], $0x4000, $0x38;
	[tilespmem:$0xC800] =	vst v63  }
0x125: {  	_ =	swait.ge [sflag:s3], $0x4000  }
0x126: {  	[sflag:s3] =	ssyncset.done $0x0  }
0x127: {  	[sflag:s3] =	ssyncadd.s32 $0xFFFFC000  }
0x128: {  	[tilespmem:s4], [sflag:$0x2] =	stream.indirect.gather [spmem:s2], $0x80, s11, s8, $0xb8;
	[tilespmem:$0xC800] =	vst v63  }
0x129: {  	_ =	swait.ge [sflag:s9], $0x4000  }
0x12a: {  	[sflag:s9] =	ssyncset.done $0x0  }
0x12b: {  	s0 =	rddreg [dreg:$0x7];
	[sflag:s9] =	ssyncadd.s32 $0xFFFFC000  }
0x12c: {  	[hbm4b:s0+s1] =	stream.linear.scatter [tilespmem:s6], [sflag:$0x3], $0x4000, $0x38;
	[tilespmem:$0xC800] =	vst v63  }
0x12d: {  	_ =	swait.ge [sflag:s3], $0x4000  }
0x12e: {  	[sflag:s3] =	ssyncset.done $0x0  }
0x12f: {  	s31 =	sadd.s32 $0xFFFFFFFF, s31;
	[sflag:s3] =	ssyncadd.s32 $0xFFFFC000  }
0x130: {  	p2 =	sne.s32 s31, $0x0;
	_ =	swait.ge [sflag:s5], $0x4000  }
.Ltmp2:
0x131: {  	[sflag:s5] =	ssyncset.done $0x0;
	(pc) =	sbr.rel @p2 .LBB2_3-.Ltmp2, $4  }
0x132: {  	s0 =	rddreg [dreg:$0x8];
	[sflag:s5] =	ssyncadd.s32 $0xFFFFC000  }
0x133: {  	[hbm4b:s0+s1] =	stream.linear.scatter [tilespmem:s4], [sflag:$0x3], $0x4000, $0x38;
	[tilespmem:$0xC800] =	vst v63  }
0x134: {  	_ =	swait.ge [sflag:s3], $0x4000  }
0x135: {  	s0 =	rddreg [dreg:$0x4];
	[sflag:s3] =	ssyncset.done $0x0  }
0x136: {  	s30 =	rddreg [dreg:$0x3]  }
.LBB2_5:
0x137: {  	[sflag:s3] =	ssyncadd.s32 @p1 $0xFFFFC000;
	s29 =	simm.s32 @!p0 $0x1C03  }
0x138: {  	[spmem:s28], [sflag:s29] =	dma.local @!p0 [hbm:s0], $0x8000  }
0x139: {  	s0 =	simm.s32 @!p0 $0x3  }
0x13a: {  	_ =	swait.ge @!p0 [sflag:s0], $0x8000  }
0x13b: {  	[sflag:s0] =	ssyncset.done @!p0 $0x0  }
0x13c: {  	s31 =	rddreg [dreg:$0x5];
	[sflag:s0] =	ssyncadd.s32 @!p0 $0xFFFF8000  }
0x13d: {  	[tilespmem:s25], [sflag:$0x3] =	stream.linear.gather [hbm4b:s31+s1], $0x800, $0x38;
	[tilespmem:$0xC800] =	vst v63  }
0x13e: {  	_ =	swait.ge [sflag:s3], $0x800  }
0x13f: {  	[sflag:s3] =	ssyncset.done $0x0  }
0x140: {  	[sflag:s3] =	ssyncadd.s32 $0xFFFFF800  }
0x141: {  	[bflag:$0x0] =	sbarrier.arrive $0xFFFF  }
0x142: {  	[tilespmem:s6], [sflag:$0x1] =	stream.indirect.gather [spmem:s2], $0x80, s25, s8, $0xb8;
	[tilespmem:$0xC800] =	vst v63  }
0x143: {  	_ = 	snop  }
0x144: {  	[tilespmem:s4], [sflag:$0x2] =	stream.indirect.gather [spmem:s2], $0x80, s26, s8, $0xb8;
	[tilespmem:$0xC800] =	vst v63  }
0x145: {  	_ =	swait.ge [sflag:s9], $0x4000  }
0x146: {  	[sflag:s9] =	ssyncset.done $0x0  }
0x147: {  	s25 =	rddreg [dreg:$0x6];
	[sflag:s9] =	ssyncadd.s32 $0xFFFFC000  }
0x148: {  	[hbm4b:s25+s1] =	stream.linear.scatter [tilespmem:s6], [sflag:$0x3], $0x4000, $0x38;
	[tilespmem:$0xC800] =	vst v63  }
0x149: {  	_ =	swait.ge [sflag:s3], $0x4000  }
0x14a: {  	[sflag:s3] =	ssyncset.done $0x0  }
0x14b: {  	[sflag:s3] =	ssyncadd.s32 $0xFFFFC000  }
0x14c: {  	[tilespmem:s6], [sflag:$0x1] =	stream.indirect.gather [spmem:s2], $0x80, s24, s8, $0xb8;
	[tilespmem:$0xC800] =	vst v63  }
0x14d: {  	_ =	swait.ge [sflag:s5], $0x4000  }
0x14e: {  	[sflag:s5] =	ssyncset.done $0x0  }
0x14f: {  	s26 =	rddreg [dreg:$0x9];
	[sflag:s5] =	ssyncadd.s32 $0xFFFFC000  }
0x150: {  	[hbm4b:s26+s1] =	stream.linear.scatter [tilespmem:s4], [sflag:$0x3], $0x4000, $0x38;
	[tilespmem:$0xC800] =	vst v63  }
0x151: {  	_ =	swait.ge [sflag:s3], $0x4000  }
0x152: {  	[sflag:s3] =	ssyncset.done $0x0  }
0x153: {  	[sflag:s3] =	ssyncadd.s32 $0xFFFFC000  }
0x154: {  	[tilespmem:s4], [sflag:$0x2] =	stream.indirect.gather [spmem:s2], $0x80, s23, s8, $0xb8;
	[tilespmem:$0xC800] =	vst v63  }
0x155: {  	_ =	swait.ge [sflag:s9], $0x4000  }
0x156: {  	[sflag:s9] =	ssyncset.done $0x0  }
0x157: {  	s28 =	rddreg [dreg:$0xa];
	[sflag:s9] =	ssyncadd.s32 $0xFFFFC000  }
0x158: {  	[hbm4b:s28+s1] =	stream.linear.scatter [tilespmem:s6], [sflag:$0x3], $0x4000, $0x38;
	[tilespmem:$0xC800] =	vst v63  }
0x159: {  	_ =	swait.ge [sflag:s3], $0x4000  }
0x15a: {  	[sflag:s3] =	ssyncset.done $0x0  }
0x15b: {  	[sflag:s3] =	ssyncadd.s32 $0xFFFFC000  }
0x15c: {  	[tilespmem:s6], [sflag:$0x1] =	stream.indirect.gather [spmem:s2], $0x80, s22, s8, $0xb8;
	[tilespmem:$0xC800] =	vst v63  }
0x15d: {  	_ =	swait.ge [sflag:s5], $0x4000  }
0x15e: {  	[sflag:s5] =	ssyncset.done $0x0  }
0x15f: {  	s29 =	rddreg [dreg:$0xb];
	[sflag:s5] =	ssyncadd.s32 $0xFFFFC000  }
0x160: {  	[hbm4b:s29+s1] =	stream.linear.scatter [tilespmem:s4], [sflag:$0x3], $0x4000, $0x38;
	[tilespmem:$0xC800] =	vst v63  }
0x161: {  	_ =	swait.ge [sflag:s3], $0x4000  }
0x162: {  	[sflag:s3] =	ssyncset.done $0x0  }
0x163: {  	[sflag:s3] =	ssyncadd.s32 $0xFFFFC000  }
0x164: {  	[tilespmem:s4], [sflag:$0x2] =	stream.indirect.gather [spmem:s2], $0x80, s21, s8, $0xb8;
	[tilespmem:$0xC800] =	vst v63  }
0x165: {  	_ =	swait.ge [sflag:s9], $0x4000  }
0x166: {  	[sflag:s9] =	ssyncset.done $0x0  }
0x167: {  	s31 =	rddreg [dreg:$0xc];
	[sflag:s9] =	ssyncadd.s32 $0xFFFFC000  }
0x168: {  	[hbm4b:s31+s1] =	stream.linear.scatter [tilespmem:s6], [sflag:$0x3], $0x4000, $0x38;
	[tilespmem:$0xC800] =	vst v63  }
0x169: {  	_ =	swait.ge [sflag:s3], $0x4000  }
0x16a: {  	[sflag:s3] =	ssyncset.done $0x0  }
0x16b: {  	[sflag:s3] =	ssyncadd.s32 $0xFFFFC000  }
0x16c: {  	[tilespmem:s6], [sflag:$0x1] =	stream.indirect.gather [spmem:s2], $0x80, s20, s8, $0xb8;
	[tilespmem:$0xC800] =	vst v63  }
0x16d: {  	_ =	swait.ge [sflag:s5], $0x4000  }
0x16e: {  	[sflag:s5] =	ssyncset.done $0x0  }
0x16f: {  	s21 =	rddreg [dreg:$0xd];
	[sflag:s5] =	ssyncadd.s32 $0xFFFFC000  }
0x170: {  	[hbm4b:s21+s1] =	stream.linear.scatter [tilespmem:s4], [sflag:$0x3], $0x4000, $0x38;
	[tilespmem:$0xC800] =	vst v63  }
0x171: {  	_ =	swait.ge [sflag:s3], $0x4000  }
0x172: {  	[sflag:s3] =	ssyncset.done $0x0  }
0x173: {  	[sflag:s3] =	ssyncadd.s32 $0xFFFFC000  }
0x174: {  	[tilespmem:s4], [sflag:$0x2] =	stream.indirect.gather [spmem:s2], $0x80, s19, s8, $0xb8;
	[tilespmem:$0xC800] =	vst v63  }
0x175: {  	_ =	swait.ge [sflag:s9], $0x4000  }
0x176: {  	[sflag:s9] =	ssyncset.done $0x0  }
0x177: {  	s22 =	rddreg [dreg:$0xe];
	[sflag:s9] =	ssyncadd.s32 $0xFFFFC000  }
0x178: {  	[hbm4b:s22+s1] =	stream.linear.scatter [tilespmem:s6], [sflag:$0x3], $0x4000, $0x38;
	[tilespmem:$0xC800] =	vst v63  }
0x179: {  	_ =	swait.ge [sflag:s3], $0x4000  }
0x17a: {  	[sflag:s3] =	ssyncset.done $0x0  }
0x17b: {  	[sflag:s3] =	ssyncadd.s32 $0xFFFFC000  }
0x17c: {  	[tilespmem:s6], [sflag:$0x1] =	stream.indirect.gather [spmem:s2], $0x80, s18, s8, $0xb8;
	[tilespmem:$0xC800] =	vst v63  }
0x17d: {  	_ =	swait.ge [sflag:s5], $0x4000  }
0x17e: {  	[sflag:s5] =	ssyncset.done $0x0  }
0x17f: {  	s23 =	rddreg [dreg:$0xf];
	[sflag:s5] =	ssyncadd.s32 $0xFFFFC000  }
0x180: {  	[hbm4b:s23+s1] =	stream.linear.scatter [tilespmem:s4], [sflag:$0x3], $0x4000, $0x38;
	[tilespmem:$0xC800] =	vst v63  }
0x181: {  	_ =	swait.ge [sflag:s3], $0x4000  }
0x182: {  	[sflag:s3] =	ssyncset.done $0x0  }
0x183: {  	[sflag:s3] =	ssyncadd.s32 $0xFFFFC000  }
0x184: {  	[tilespmem:s4], [sflag:$0x2] =	stream.indirect.gather [spmem:s2], $0x80, s17, s8, $0xb8;
	[tilespmem:$0xC800] =	vst v63  }
0x185: {  	_ =	swait.ge [sflag:s9], $0x4000  }
0x186: {  	[sflag:s9] =	ssyncset.done $0x0  }
0x187: {  	s24 =	rddreg [dreg:$0x10];
	[sflag:s9] =	ssyncadd.s32 $0xFFFFC000  }
0x188: {  	[hbm4b:s24+s1] =	stream.linear.scatter [tilespmem:s6], [sflag:$0x3], $0x4000, $0x38;
	[tilespmem:$0xC800] =	vst v63  }
0x189: {  	_ =	swait.ge [sflag:s3], $0x4000  }
0x18a: {  	[sflag:s3] =	ssyncset.done $0x0  }
0x18b: {  	[sflag:s3] =	ssyncadd.s32 $0xFFFFC000  }
0x18c: {  	[tilespmem:s6], [sflag:$0x1] =	stream.indirect.gather [spmem:s2], $0x80, s16, s8, $0xb8;
	[tilespmem:$0xC800] =	vst v63  }
0x18d: {  	_ =	swait.ge [sflag:s5], $0x4000  }
0x18e: {  	[sflag:s5] =	ssyncset.done $0x0  }
0x18f: {  	s25 =	rddreg [dreg:$0x11];
	[sflag:s5] =	ssyncadd.s32 $0xFFFFC000  }
0x190: {  	[hbm4b:s25+s1] =	stream.linear.scatter [tilespmem:s4], [sflag:$0x3], $0x4000, $0x38;
	[tilespmem:$0xC800] =	vst v63  }
0x191: {  	_ =	swait.ge [sflag:s3], $0x4000  }
0x192: {  	[sflag:s3] =	ssyncset.done $0x0  }
0x193: {  	[sflag:s3] =	ssyncadd.s32 $0xFFFFC000  }
0x194: {  	[tilespmem:s4], [sflag:$0x2] =	stream.indirect.gather [spmem:s2], $0x80, s15, s8, $0xb8;
	[tilespmem:$0xC800] =	vst v63  }
0x195: {  	_ =	swait.ge [sflag:s9], $0x4000  }
0x196: {  	[sflag:s9] =	ssyncset.done $0x0  }
0x197: {  	s26 =	rddreg [dreg:$0x12];
	[sflag:s9] =	ssyncadd.s32 $0xFFFFC000  }
0x198: {  	[hbm4b:s26+s1] =	stream.linear.scatter [tilespmem:s6], [sflag:$0x3], $0x4000, $0x38;
	[tilespmem:$0xC800] =	vst v63  }
0x199: {  	_ =	swait.ge [sflag:s3], $0x4000  }
0x19a: {  	[sflag:s3] =	ssyncset.done $0x0  }
0x19b: {  	[sflag:s3] =	ssyncadd.s32 $0xFFFFC000  }
0x19c: {  	[tilespmem:s6], [sflag:$0x1] =	stream.indirect.gather [spmem:s2], $0x80, s14, s8, $0xb8;
	[tilespmem:$0xC800] =	vst v63  }
0x19d: {  	_ =	swait.ge [sflag:s5], $0x4000  }
0x19e: {  	[sflag:s5] =	ssyncset.done $0x0  }
0x19f: {  	s28 =	rddreg [dreg:$0x13];
	[sflag:s5] =	ssyncadd.s32 $0xFFFFC000  }
0x1a0: {  	[hbm4b:s28+s1] =	stream.linear.scatter [tilespmem:s4], [sflag:$0x3], $0x4000, $0x38;
	[tilespmem:$0xC800] =	vst v63  }
0x1a1: {  	_ =	swait.ge [sflag:s3], $0x4000  }
0x1a2: {  	[sflag:s3] =	ssyncset.done $0x0  }
0x1a3: {  	[sflag:s3] =	ssyncadd.s32 $0xFFFFC000  }
0x1a4: {  	[tilespmem:s4], [sflag:$0x2] =	stream.indirect.gather [spmem:s2], $0x80, s13, s8, $0xb8;
	[tilespmem:$0xC800] =	vst v63  }
0x1a5: {  	_ =	swait.ge [sflag:s9], $0x4000  }
0x1a6: {  	[sflag:s9] =	ssyncset.done $0x0  }
0x1a7: {  	[sflag:s9] =	ssyncadd.s32 $0xFFFFC000  }
0x1a8: {  	[hbm4b:s10+s1] =	stream.linear.scatter [tilespmem:s6], [sflag:$0x3], $0x4000, $0x38;
	[tilespmem:$0xC800] =	vst v63  }
0x1a9: {  	_ =	swait.ge [sflag:s3], $0x4000  }
0x1aa: {  	[sflag:s3] =	ssyncset.done $0x0  }
0x1ab: {  	[sflag:s3] =	ssyncadd.s32 $0xFFFFC000  }
0x1ac: {  	[tilespmem:s6], [sflag:$0x1] =	stream.indirect.gather [spmem:s2], $0x80, s12, s8, $0xb8;
	[tilespmem:$0xC800] =	vst v63  }
0x1ad: {  	_ =	swait.ge [sflag:s5], $0x4000  }
0x1ae: {  	[sflag:s5] =	ssyncset.done $0x0  }
0x1af: {  	[sflag:s5] =	ssyncadd.s32 $0xFFFFC000  }
0x1b0: {  	[hbm4b:s7+s1] =	stream.linear.scatter [tilespmem:s4], [sflag:$0x3], $0x4000, $0x38;
	[tilespmem:$0xC800] =	vst v63  }
0x1b1: {  	_ =	swait.ge [sflag:s3], $0x4000  }
0x1b2: {  	[sflag:s3] =	ssyncset.done $0x0  }
0x1b3: {  	[sflag:s3] =	ssyncadd.s32 $0xFFFFC000  }
0x1b4: {  	[tilespmem:s4], [sflag:$0x2] =	stream.indirect.gather [spmem:s2], $0x80, s11, s8, $0xb8;
	[tilespmem:$0xC800] =	vst v63  }
0x1b5: {  	_ =	swait.ge [sflag:s9], $0x4000  }
0x1b6: {  	[sflag:s9] =	ssyncset.done $0x0  }
0x1b7: {  	s29 =	rddreg [dreg:$0x7];
	[sflag:s9] =	ssyncadd.s32 $0xFFFFC000  }
0x1b8: {  	[hbm4b:s29+s1] =	stream.linear.scatter [tilespmem:s6], [sflag:$0x3], $0x4000, $0x38;
	[tilespmem:$0xC800] =	vst v63  }
0x1b9: {  	_ =	swait.ge [sflag:s3], $0x4000  }
0x1ba: {  	[sflag:s3] =	ssyncset.done $0x0  }
0x1bb: {  	[sflag:s3] =	ssyncadd.s32 $0xFFFFC000  }
0x1bc: {  	_ =	swait.ge [sflag:s5], $0x4000  }
0x1bd: {  	[sflag:s5] =	ssyncset.done $0x0  }
0x1be: {  	s31 =	rddreg [dreg:$0x8];
	[sflag:s5] =	ssyncadd.s32 $0xFFFFC000  }
0x1bf: {  	[hbm4b:s31+s1] =	stream.linear.scatter [tilespmem:s4], [sflag:$0x3], $0x4000, $0x38;
	[tilespmem:$0xC800] =	vst v63  }
0x1c0: {  	_ =	swait.ge [sflag:s3], $0x4000  }
0x1c1: {  	[sflag:s3] =	ssyncset.done $0x0  }
0x1c2: {  	[sflag:s3] =	ssyncadd.s32 $0xFFFFC000  }
0x1c3: {  	_ =	sfence.sel $0x180000  }
0x1c4: {  	[bflag:$0x0] =	sbarrier.arrive $0xFFFF  }
0x1c5: {  	_ =	strace $0x9000004A  }
0x1c6: {  	s0 =	sadd.s32 @!p0 $0x100000, s30;
	[bflag:$0x2] =	sbarrier.arrive $0xFFFF  }
0x1c7: {  	[sflag:s0] =	ssyncadd.tile.s32 @!p0 $0x1;
	_ =	shalt  }
.LBB2_2:
.Ltmp3:
0x1c8: {  	(pc) =	sbr.rel .LBB2_5-.Ltmp3, $2  }
0x1c9: {  	_ =	sdelay $0x2  }
0x1ca: {  	s30 =	rddreg [dreg:$0x3]  }
.Lfunc_end2:
_tile_overlayer_lowered:
.L_overlay_start_2:
0x1cb: {  	(tag) =	ssettag $0x2  }
0x1cc: {  	s0 =	rddreg [dreg:$0x0];
	s2 =	stileid.u32  }
0x1cd: {  	s1 =	rddreg [dreg:$0x1];
	p0 =	sne.s32 s2, $0x0  }
0x1ce: {  	s3 =	rddreg [dreg:$0x2];
	[bflag:$0x3] =	sbarrier.arrive $0xFFFF;
	s2 =	simm.s32 @!p0 $0x1C03  }
0x1cf: {  	[timem:s3], [sflag:s2] =	dma.local @!p0 [hbm:s0], s1  }
0x1d0: {  	s0 =	simm.s32 @!p0 $0x3  }
0x1d1: {  	_ =	swait.ge @!p0 [sflag:s0], s1  }
0x1d2: {  	s1 =	ssub.s32 @!p0 $0x0, s1;
	[sflag:s0] =	ssyncset.done @!p0 $0x0  }
0x1d3: {  	[sflag:s0] =	ssyncadd.s32 @!p0 s1  }
0x1d4: {  	[bflag:$0x3] =	sbarrier.arrive $0xFFFF  }
0x1d5: {  	_ =	shalt  }

// kernel: kernel.27.cloned.1.call-start
scs
__scs_entry_jumppad:
0x0: {  	(pc) =	sbr.rel $0x88, $3  }
0x1: {  	(tag) =	ssettag $0x0;
	lr =	simm.s32 $0x1  }
0x2: {  	[smem:$0x3F8B] =	sst lr;
	_ =	strace $0xD0000000  }
0x3: {  	_ = 	snop  }
0x4: {  	_ = 	snop  }
0x5: {  	_ = 	snop  }
0x6: {  	_ = 	snop  }
0x7: {  	_ = 	snop  }
__scs_overlays_trampoline_lowered:
0x8: {  	[smem:$0x3F9A] =	sst s0  }
0x9: {  	[smem:$0x3F9B] =	sst s1  }
0xa: {  	[smem:$0x3F9C] =	sst s2  }
0xb: {  	[smem:$0x3F9D] =	sst s3  }
0xc: {  	[smem:$0x3F9E] =	sst s4  }
0xd: {  	[smem:$0x3F9F] =	sst s5  }
0xe: {  	[smem:$0x3FA0] =	sst s6  }
0xf: {  	[smem:$0x3FA1] =	sst s7  }
0x10: {  	[smem:$0x3FA2] =	sst s8  }
0x11: {  	[smem:$0x3FA3] =	sst s9;
	s0 =	simm.s32 @!p0 $0x0  }
0x12: {  	s1 =	sld [smem:$0x3F89];
	s0 =	simm.s32 @p0 $0x1  }
0x13: {  	[smem:$0x3FA4] =	sst s0;
	s0 =	simm.s32 @!p1 $0x0  }
0x14: {  	s2 =	sld [smem:$0x3F88];
	s0 =	simm.s32 @p1 $0x1  }
0x15: {  	[smem:$0x3FA5] =	sst s0;
	s0 =	simm.s32 @!p2 $0x0  }
0x16: {  	s3 =	sld [smem:$0x3FDB];
	s0 =	simm.s32 @p2 $0x1  }
0x17: {  	s4 =	simm.s32 $0x1BF5;
	[smem:$0x3FA7] =	sst s0  }
0x18: {  	s0 =	sld [smem:$0x3F8A];
	_ =	swait.ge [sflag:s4], $0x0  }
0x19: {  	s7 =	sld [smem:$0x3F8B]  }
0x1a: {  	s8 =	sadd.s32 $0xFFFFE003, lr  }
0x1b: {  	s9 =	sadd.s32 $0xFFFFFEF7, lr;
	s5 =	simm.s32 $0xFFFFFFFF;
	p2 =	slt.u32 s8, $0xFFFFF086  }
0x1c: {  	p1 =	slt.u32 s9, $0xF7A;
	s5 =	simm.s32 @!p2 $0x0  }
0x1d: {  	s5 =	simm.s32 @p1 $0x1;
	p0 =	seq.s32 s7, s2  }
0x1e: {  	s7 =	smul.u32 @!p0 $0xF7A, s2;
	p2 =	seq.s32 @!p0 s5, $0x0  }
0x1f: {  	s9 =	smul.u32 $0xF7A, s1;
	s8 =	simm.s32 @!p0 $0x1BF5;
	p2 =	por !p2, p0  }
0x20: {  	[sflag:s8] =	ssyncset.s32 @!p0 $0xFFFFF086;
	s6 =	sadd.s32 @!p0 s3, s7;
	s7 =	simm.s32 @!p0 $0x108  }
0x21: {  	s3 =	sadd.s32 s3, s9;
	s6 =	sadd.s32 @!p0 $0x88, s6;
	s7 =	simm.s32 @p2 $0x1082  }
0x22: {  	[simem:s7], [sflag:s8] =	dma.local @!p0 [hbm:s6], $0xF7A  }
0x23: {  	s9 =	sor.u32 $0xD0000000, s2;
	s6 =	simm.s32 $0x108;
	_ =	swait.ge @!p0 [sflag:s8], $0x0  }
0x24: {  	s3 =	sadd.s32 $0x88, s3;
	s6 =	simm.s32 @!p1 $0x1082;
	[sflag:s4] =	ssyncset.s32 $0xFFFFF086  }
0x25: {  	[simem:s6], [sflag:s4] =	dma.local [hbm:s3], $0xF7A  }
0x26: {  	[smem:$0x3F8B] =	sst s1;
	(tag) =	ssettag s2;
	_ =	strace s9  }
0x27: {  	s1 =	sld [smem:$0x3F9B]  }
0x28: {  	s2 =	sld [smem:$0x3F9C]  }
0x29: {  	s4 =	sld [smem:$0x3F9E]  }
0x2a: {  	p0 =	seq.s32 s5, $0x0;
	s5 =	sld [smem:$0x3F9F]  }
0x2b: {  	s6 =	sld [smem:$0x3FA0]  }
0x2c: {  	s7 =	sld [smem:$0x3FA1]  }
0x2d: {  	s3 =	simm.s32 $0x108;
	s8 =	sld [smem:$0x3FA2]  }
0x2e: {  	s3 =	simm.s32 @!p0 $0x1082;
	s9 =	sld [smem:$0x3FA3]  }
0x2f: {  	lr =	sadd.s32 s0, s3;
	s0 =	sld [smem:$0x3F9A]  }
0x30: {  	s3 =	sld [smem:$0x3F9D]  }
0x31: {  	[smem:$0x3FA6] =	sst s10  }
0x32: {  	s10 =	sld [smem:$0x3FA4];
	_ =	sdelay $0x3  }
0x33: {  	p0 =	seq.s32 s10, $0x1;
	s10 =	sld [smem:$0x3FA6];
	_ =	sdelay $0x3  }
0x34: {  	[smem:$0x3FA6] =	sst s10  }
0x35: {  	s10 =	sld [smem:$0x3FA5];
	_ =	sdelay $0x3  }
0x36: {  	p1 =	seq.s32 s10, $0x1;
	s10 =	sld [smem:$0x3FA6];
	_ =	sdelay $0x3  }
0x37: {  	[smem:$0x3FA6] =	sst s10  }
0x38: {  	s10 =	sld [smem:$0x3FA7]  }
0x39: {  	_ = 	snop;
	(pc) =	sbr.ind lr, $3  }
0x3a: {  	_ = 	snop  }
0x3b: {  	_ = 	snop  }
0x3c: {  	p2 =	seq.s32 s10, $0x1;
	s10 =	sld [smem:$0x3FA6]  }
0x3d: {  	_ =	shalt  }
0x3e: {  	_ =	shalt  }
0x3f: {  	_ =	shalt  }
0x40: {  	_ =	shalt  }
0x41: {  	_ =	shalt  }
0x42: {  	_ =	shalt  }
0x43: {  	_ =	shalt  }
0x44: {  	_ =	shalt  }
0x45: {  	_ =	shalt  }
0x46: {  	_ =	shalt  }
0x47: {  	_ =	shalt  }
0x48: {  	_ =	shalt  }
0x49: {  	_ =	shalt  }
0x4a: {  	_ =	shalt  }
0x4b: {  	_ =	shalt  }
0x4c: {  	_ =	shalt  }
0x4d: {  	_ =	shalt  }
0x4e: {  	_ =	shalt  }
0x4f: {  	_ =	shalt  }
0x50: {  	_ =	shalt  }
0x51: {  	_ =	shalt  }
0x52: {  	_ =	shalt  }
0x53: {  	_ =	shalt  }
0x54: {  	_ =	shalt  }
0x55: {  	_ =	shalt  }
0x56: {  	_ =	shalt  }
0x57: {  	_ =	shalt  }
0x58: {  	_ =	shalt  }
0x59: {  	_ =	shalt  }
0x5a: {  	_ =	shalt  }
0x5b: {  	_ =	shalt  }
0x5c: {  	_ =	shalt  }
0x5d: {  	_ =	shalt  }
0x5e: {  	_ =	shalt  }
0x5f: {  	_ =	shalt  }
0x60: {  	_ =	shalt  }
0x61: {  	_ =	shalt  }
0x62: {  	_ =	shalt  }
0x63: {  	_ =	shalt  }
0x64: {  	_ =	shalt  }
0x65: {  	_ =	shalt  }
0x66: {  	_ =	shalt  }
0x67: {  	_ =	shalt  }
0x68: {  	_ =	shalt  }
0x69: {  	_ =	shalt  }
0x6a: {  	_ =	shalt  }
0x6b: {  	_ =	shalt  }
0x6c: {  	_ =	shalt  }
0x6d: {  	_ =	shalt  }
0x6e: {  	_ =	shalt  }
0x6f: {  	_ =	shalt  }
0x70: {  	_ =	shalt  }
0x71: {  	_ =	shalt  }
0x72: {  	_ =	shalt  }
0x73: {  	_ =	shalt  }
0x74: {  	_ =	shalt  }
0x75: {  	_ =	shalt  }
0x76: {  	_ =	shalt  }
0x77: {  	_ =	shalt  }
0x78: {  	_ =	shalt  }
0x79: {  	_ =	shalt  }
0x7a: {  	_ =	shalt  }
0x7b: {  	_ =	shalt  }
0x7c: {  	_ =	shalt  }
0x7d: {  	_ =	shalt  }
0x7e: {  	_ =	shalt  }
0x7f: {  	_ =	shalt  }
0x80: {  	_ =	shalt  }
0x81: {  	_ =	shalt  }
0x82: {  	_ =	shalt  }
0x83: {  	_ =	shalt  }
0x84: {  	_ =	shalt  }
0x85: {  	_ =	shalt  }
0x86: {  	_ =	shalt  }
0x87: {  	_ =	shalt  }
.Lfunc_end0:
.L_simem_size_0:
called_computation.2_lowered:
.L_overlay_start_0:
0x88: {  	s2 =	sld [smem:$0x3FD9]  }
0x89: {  	s3 =	sld [smem:$0x3FFE];
	_ =	sdelay $0x1  }
0x8a: {  	s1 =	srdreg.scid  }
0x8b: {  	s0 =	sand.u32 $0x1, s1  }
0x8c: {  	s16 =	sshll.u32 s0, $0xA;
	s2 =	sadd.s32 s3, s2  }
0x8d: {  	s2 =	sadd.s32 s2, s16  }
0x8e: {  	[smem:$0x3FB2] =	sst s2  }
0x8f: {  	_ = 	snop  }
0x90: {  	(tm) =	ssettm $0x1  }
0x91: {  	s17 =	sld [smem:$0x3FFB];
	_ =	sdelay $0x3  }
0x92: {  	_ =	strace s17  }
0x93: {  	s2 =	sld [smem:$0x3FFC];
	_ =	sdelay $0x3  }
0x94: {  	_ =	strace s2  }
0x95: {  	s2 =	sld [smem:$0x3FFD];
	_ =	sdelay $0x3  }
0x96: {  	_ =	strace s2  }
0x97: {  	_ =	strace $0x8FFFFFFF  }
0x98: {  	s18 =	sld [smem:$0x3FDB];
	_ =	sdelay $0x1  }
0x99: {  	s19 =	simm.s32 $_scs_section_size  }
0x9a: {  	s4 =	simm.s32 $_size__tile_overlayer_lowered;
	s5 =	simm.s32 $_tile_overlayer_lowered  }
0x9b: {  	s22 =	simm.s32 $0x1BFF;
	s21 =	sshll.u32 s5, $0x1;
	s2 =	sadd.s32 s19, s18  }
0x9c: {  	s6 =	simm.s32 $0x0;
	s20 =	sshll.u32 s4, $0x1;
	s4 =	sadd.s32 s21, s2  }
0x9d: {  	[timem:s6], [sflag:s22] =	dma.local [hbm:s4], s20  }
0x9e: {  	_ =	swait.ge [sflag:s22], s20  }
0x9f: {  	s3 =	ssub.s32 $0x0, s20;
	[sflag:s22] =	ssyncset.done $0x0  }
0xa0: {  	[sflag:s22] =	ssyncadd.s32 s3;
	_ =	sdelay $0x1  }
0xa1: {  	s23 =	simm.s32 $0x1B8B  }
0xa2: {  	_ =	swait.ge [sflag:s23], $0x1  }
0xa3: {  	[sflag:s23] =	ssyncset.done $0x0  }
0xa4: {  	s25 =	simm.s32 $0x1B8E;
	s24 =	sld [smem:$0x3FFE];
	[sflag:s23] =	ssyncadd.s32 $0xFFFFFFFF  }
0xa5: {  	s26 =	simm.s32 $execute0_lowered;
	[smem:$0x3FD2] =	sst s25  }
0xa6: {  	s4 =	sshll.u32 s26, $0x1;
	_ =	strace $0x8000004C;
	[dreg:$0x1] =	wrdreg $0xFFFFFFFF  }
0xa7: {  	s28 =	simm.s32 $_size_execute0_lowered;
	s2 =	sadd.s32 s2, s4;
	[dreg:$0x0] =	wrdreg $0x0  }
0xa8: {  	s4 =	sshll.u32 s28, $0x1;
	[dreg:$0x2] =	wrdreg s2  }
0xa9: {  	[dreg:$0x3] =	wrdreg s4  }
0xaa: {  	[dreg:$0x4] =	wrdreg $0xC0  }
0xab: {  	_ =	task [dreg:s6], $0x5FFFF  }
0xac: {  	[dreg:$0x1] =	wrdreg $0xFFFFFFFF  }
0xad: {  	[dreg:$0x0] =	wrdreg $0x60  }
0xae: {  	[dreg:$0x2] =	wrdreg s24  }
0xaf: {  	[dreg:$0x3] =	wrdreg $0x9  }
0xb0: {  	_ =	task.clear_ibuf [dreg:s6], $0x4FFFF;
	_ =	strace $0x9000004C  }
0xb1: {  	s29 =	simm.s32 $0x9;
	_ =	strace $0x8000004E  }
0xb2: {  	_ =	swait.ge [sflag:s29], $0x1  }
0xb3: {  	[sflag:s29] =	ssyncadd.s32 $0xFFFFFFFF  }
0xb4: {  	_ =	strace $0x9000004E  }
0xb5: {  	_ =	sfence  }
0xb6: {  	s30 =	sld [smem:$0x0];
	_ =	sdelay $0x2  }
0xb7: {  	s31 =	sshll.u32 s1, $0xD;
	s1 =	sshrl.u32 s1, $0x2  }
0xb8: {  	s3 =	sand.u32 $0x4000, s31;
	s1 =	sadd.s32 s1, s30  }
0xb9: {  	s0 =	sor.u32 s3, s0;
	s1 =	sshll.u32 s1, $0x11  }
0xba: {  	s0 =	sor.u32 s1, s0  }
0xbb: {  	s0 =	sadd.s32 $0x8F2B, s0  }
0xbc: {  	[sflag:s0] =	ssyncadd.remote.s32 $0x1  }
0xbd: {  	_ =	sfence.sel $0xFFFF  }
0xbe: {  	[dreg:$0x0] =	wrdreg $0xFFFFFFFF;
	(pc) =	sbr.abs _section_cstart, $3  }
0xbf: {  	[dreg:$0x1] =	wrdreg $0xFFFFFFFF  }
0xc0: {  	_ =	task.clear_ibuf [dreg:s6], $0x2FFFF;
	_ =	strace $0x9FFFFFFF  }
0xc1: {  	(tm) =	ssettm $0x7FFFFFFF  }
tec
execute0_lowered:
.L_overlay_start_1:
0x0: {  	(tag) =	ssettag $0x1  }
0x1: {  	s4 =	rddreg [dreg:$0x0];
	s2 =	srdreg.scid  }
0x2: {  	s1 =	stileid.u32;
	s11 =	simm.s32 $0xA00;
	s12 =	simm.s32 $0x1200  }
0x3: {  	s13 =	simm.s32 $0x1A00;
	s14 =	simm.s32 $0x2200;
	s15 =	simm.s32 $0x2A00  }
0x4: {  	s16 =	simm.s32 $0x3200;
	s17 =	simm.s32 $0x3A00;
	s18 =	simm.s32 $0x4200  }
0x5: {  	s19 =	simm.s32 $0x4A00;
	s20 =	simm.s32 $0x5200;
	s21 =	simm.s32 $0x5A00  }
0x6: {  	s22 =	simm.s32 $0x6200;
	s23 =	simm.s32 $0x6A00;
	s24 =	simm.s32 $0x7200  }
0x7: {  	s25 =	simm.s32 $0x7A00;
	s26 =	simm.s32 $0x1;
	s28 =	simm.s32 $0x2  }
0x8: {  	s29 =	simm.s32 $0x0;
	s8 =	sand.u32 $0x1, s2;
	s2 =	simm.s32 $0x0  }
0x9: {  	s3 =	sshll.u32 s1, $0xA;
	s9 =	sadd.s32 $0xD000, s4;
	s10 =	sshll.u32 s1, $0xF  }
0xa: {  	s5 =	sshll.u32 s8, $0x9;
	[smem:$0x7FF] =	sst s2;
	s7 =	ssub.s32 $0x2, s8  }
0xb: {  	s8 =	sshll.u32 s8, $0xE;
	s5 =	sor.u32 s5, s3;
	_ =	strace $0x8000004D  }
0xc: {  	s3 =	sadd.s32 $0x5000, s4;
	s30 =	sshrl.u32 s7, $0x1;
	s6 =	sshrl.u32 s5, $0x3  }
0xd: {  	s5 =	sshll.u32 s5, $0x5;
	s7 =	ssub.s32 s7, s30;
	s6 =	sadd.s32 s6, s4  }
0xe: {  	v2 =	vlaneseq.u32;
	s31 =	sadd.s32 s5, s9;
	s7 =	smax.u32 s7, $0x1;
	s9 =	sadd.s32 s10, s9  }
0xf: {  	vm0 =	vmmov $0xffff;
	v1 =	vshrl.u32 v2, $0x3;
	s10 =	simm.s32 $0x200;
	s4 =	sadd.s32 $0x115000, s6;
	s5 =	sadd.s32 $0x3000, s31  }
0x10: {  	v0 =	vand.u32 $0x7, v2;
	v2 =	vor.u32 $0x8, v2;
	v1 =	vmul.u32 $0x8, v1;
	s6 =	sadd.s32 $0x3800, s31;
	s8 =	sadd.s32 s8, s9;
	s9 =	simm.s32 $0x3  }
.LBB2_1:
0x11: {  	[tilespmem:s2], [sflag:$0x3] =	stream.linear.gather [hbm4b:s4+s2], $0x200, $0x38;
	[tilespmem:$0x8200] =	vst v63  }
0x12: {  	_ =	swait.ge [sflag:s9], $0x200  }
0x13: {  	[sflag:s9] =	ssyncset.done $0x0  }
0x14: {  	[sflag:s9] =	ssyncadd.s32 $0xFFFFFE00  }
0x15: {  	v3 =	vld [tilespmem:$0x0];
	_ =	sdelay $0x4  }
0x16: {  	v4 =	vshll.u32 v3, $0x1  }
0x17: {  	v3 =	vand.u32 $0x7, v3;
	v4 =	vand.u32 $0xFFFFFFF0, v4  }
0x18: {  	v3 =	vor.u32 v3, v4  }
0x19: {  	v4 =	vperm.xlane v3, v0;
	_ =	sdelay $0x1  }
0x1a: {  	v3 =	vperm.xlane v3, v2;
	v4 =	vadd.s32 v1, v4;
	_ =	sdelay $0x1  }
0x1b: {  	v3 =	vadd.s32 v1, v3;
	_ =	sdelay $0x2  }
0x1c: {  	[tilespmem:s10], [sflag:$0x1] =	stream.indirect_vreg.gather [hbm4b:s3+s2], $0x80, v4, vm0, $0xb8;
	[tilespmem:$0x8200] =	vst v63  }
0x1d: {  	_ = 	snop  }
0x1e: {  	[tilespmem:s11], [sflag:$0x1] =	stream.indirect_vreg.gather [hbm4b:s3+s2], $0x80, v3, vm0, $0xb8;
	[tilespmem:$0x8200] =	vst v63  }
0x1f: {  	v3 =	vld [tilespmem:$0x10];
	_ =	sdelay $0x4  }
0x20: {  	v57 =	vshll.u32 v3, $0x1  }
0x21: {  	v3 =	vand.u32 $0x7, v3;
	v4 =	vand.u32 $0xFFFFFFF0, v57  }
0x22: {  	v3 =	vor.u32 v3, v4  }
0x23: {  	v4 =	vperm.xlane v3, v0;
	_ =	sdelay $0x1  }
0x24: {  	v3 =	vperm.xlane v3, v2;
	v4 =	vadd.s32 v1, v4;
	_ =	sdelay $0x1  }
0x25: {  	v3 =	vadd.s32 v1, v3;
	_ =	sdelay $0x2  }
0x26: {  	[tilespmem:s12], [sflag:$0x1] =	stream.indirect_vreg.gather [hbm4b:s3+s2], $0x80, v4, vm0, $0xb8;
	[tilespmem:$0x8200] =	vst v63  }
0x27: {  	_ = 	snop  }
0x28: {  	[tilespmem:s13], [sflag:$0x1] =	stream.indirect_vreg.gather [hbm4b:s3+s2], $0x80, v3, vm0, $0xb8;
	[tilespmem:$0x8200] =	vst v63  }
0x29: {  	v3 =	vld [tilespmem:$0x20];
	_ =	sdelay $0x4  }
0x2a: {  	v58 =	vshll.u32 v3, $0x1  }
0x2b: {  	v3 =	vand.u32 $0x7, v3;
	v4 =	vand.u32 $0xFFFFFFF0, v58  }
0x2c: {  	v3 =	vor.u32 v3, v4  }
0x2d: {  	v4 =	vperm.xlane v3, v0;
	_ =	sdelay $0x1  }
0x2e: {  	v3 =	vperm.xlane v3, v2;
	v4 =	vadd.s32 v1, v4;
	_ =	sdelay $0x1  }
0x2f: {  	v3 =	vadd.s32 v1, v3;
	_ =	sdelay $0x2  }
0x30: {  	[tilespmem:s14], [sflag:$0x1] =	stream.indirect_vreg.gather [hbm4b:s3+s2], $0x80, v4, vm0, $0xb8;
	[tilespmem:$0x8200] =	vst v63  }
0x31: {  	_ = 	snop  }
0x32: {  	[tilespmem:s15], [sflag:$0x1] =	stream.indirect_vreg.gather [hbm4b:s3+s2], $0x80, v3, vm0, $0xb8;
	[tilespmem:$0x8200] =	vst v63  }
0x33: {  	v3 =	vld [tilespmem:$0x30];
	_ =	sdelay $0x4  }
0x34: {  	v59 =	vshll.u32 v3, $0x1  }
0x35: {  	v3 =	vand.u32 $0x7, v3;
	v4 =	vand.u32 $0xFFFFFFF0, v59  }
0x36: {  	v3 =	vor.u32 v3, v4  }
0x37: {  	v4 =	vperm.xlane v3, v0;
	_ =	sdelay $0x1  }
0x38: {  	v3 =	vperm.xlane v3, v2;
	v4 =	vadd.s32 v1, v4;
	_ =	sdelay $0x1  }
0x39: {  	v3 =	vadd.s32 v1, v3;
	_ =	sdelay $0x2  }
0x3a: {  	[tilespmem:s16], [sflag:$0x1] =	stream.indirect_vreg.gather [hbm4b:s3+s2], $0x80, v4, vm0, $0xb8;
	[tilespmem:$0x8200] =	vst v63  }
0x3b: {  	_ = 	snop  }
0x3c: {  	[tilespmem:s17], [sflag:$0x1] =	stream.indirect_vreg.gather [hbm4b:s3+s2], $0x80, v3, vm0, $0xb8;
	[tilespmem:$0x8200] =	vst v63  }
0x3d: {  	v3 =	vld [tilespmem:$0x40];
	_ =	sdelay $0x4  }
0x3e: {  	v60 =	vshll.u32 v3, $0x1  }
0x3f: {  	v3 =	vand.u32 $0x7, v3;
	v4 =	vand.u32 $0xFFFFFFF0, v60  }
0x40: {  	v3 =	vor.u32 v3, v4  }
0x41: {  	v4 =	vperm.xlane v3, v0;
	_ =	sdelay $0x1  }
0x42: {  	v3 =	vperm.xlane v3, v2;
	v4 =	vadd.s32 v1, v4;
	_ =	sdelay $0x1  }
0x43: {  	v3 =	vadd.s32 v1, v3;
	_ =	sdelay $0x2  }
0x44: {  	[tilespmem:s18], [sflag:$0x2] =	stream.indirect_vreg.gather [hbm4b:s3+s2], $0x80, v4, vm0, $0xb8;
	[tilespmem:$0x8200] =	vst v63  }
0x45: {  	_ = 	snop  }
0x46: {  	[tilespmem:s19], [sflag:$0x2] =	stream.indirect_vreg.gather [hbm4b:s3+s2], $0x80, v3, vm0, $0xb8;
	[tilespmem:$0x8200] =	vst v63  }
0x47: {  	v3 =	vld [tilespmem:$0x50];
	_ =	sdelay $0x4  }
0x48: {  	v61 =	vshll.u32 v3, $0x1  }
0x49: {  	v3 =	vand.u32 $0x7, v3;
	v4 =	vand.u32 $0xFFFFFFF0, v61  }
0x4a: {  	v3 =	vor.u32 v3, v4  }
0x4b: {  	v4 =	vperm.xlane v3, v0;
	_ =	sdelay $0x1  }
0x4c: {  	v3 =	vperm.xlane v3, v2;
	v4 =	vadd.s32 v1, v4;
	_ =	sdelay $0x1  }
0x4d: {  	v3 =	vadd.s32 v1, v3;
	_ =	sdelay $0x2  }
0x4e: {  	[tilespmem:s20], [sflag:$0x2] =	stream.indirect_vreg.gather [hbm4b:s3+s2], $0x80, v4, vm0, $0xb8;
	[tilespmem:$0x8200] =	vst v63  }
0x4f: {  	_ = 	snop  }
0x50: {  	[tilespmem:s21], [sflag:$0x2] =	stream.indirect_vreg.gather [hbm4b:s3+s2], $0x80, v3, vm0, $0xb8;
	[tilespmem:$0x8200] =	vst v63  }
0x51: {  	v3 =	vld [tilespmem:$0x60];
	_ =	sdelay $0x4  }
0x52: {  	v62 =	vshll.u32 v3, $0x1  }
0x53: {  	v3 =	vand.u32 $0x7, v3;
	v4 =	vand.u32 $0xFFFFFFF0, v62  }
0x54: {  	v3 =	vor.u32 v3, v4  }
0x55: {  	v4 =	vperm.xlane v3, v0;
	_ =	sdelay $0x1  }
0x56: {  	v3 =	vperm.xlane v3, v2;
	v4 =	vadd.s32 v1, v4;
	_ =	sdelay $0x1  }
0x57: {  	v3 =	vadd.s32 v1, v3;
	_ =	sdelay $0x2  }
0x58: {  	[tilespmem:s22], [sflag:$0x2] =	stream.indirect_vreg.gather [hbm4b:s3+s2], $0x80, v4, vm0, $0xb8;
	[tilespmem:$0x8200] =	vst v63  }
0x59: {  	_ = 	snop  }
0x5a: {  	[tilespmem:s23], [sflag:$0x2] =	stream.indirect_vreg.gather [hbm4b:s3+s2], $0x80, v3, vm0, $0xb8;
	[tilespmem:$0x8200] =	vst v63  }
0x5b: {  	v3 =	vld [tilespmem:$0x70];
	_ =	sdelay $0x4  }
0x5c: {  	v63 =	vshll.u32 v3, $0x1  }
0x5d: {  	v3 =	vand.u32 $0x7, v3;
	v4 =	vand.u32 $0xFFFFFFF0, v63  }
0x5e: {  	v3 =	vor.u32 v3, v4  }
0x5f: {  	v4 =	vperm.xlane v3, v0;
	_ =	sdelay $0x1  }
0x60: {  	v3 =	vperm.xlane v3, v2;
	v4 =	vadd.s32 v1, v4;
	_ =	sdelay $0x1  }
0x61: {  	v3 =	vadd.s32 v1, v3;
	_ =	sdelay $0x2  }
0x62: {  	[tilespmem:s24], [sflag:$0x2] =	stream.indirect_vreg.gather [hbm4b:s3+s2], $0x80, v4, vm0, $0xb8;
	[tilespmem:$0x8200] =	vst v63  }
0x63: {  	s30 =	simm.s32 $0xF0;
	s31 =	simm.s32 $0x0  }
0x64: {  	[tilespmem:s25], [sflag:$0x2] =	stream.indirect_vreg.gather [hbm4b:s3+s2], $0x80, v3, vm0, $0xb8;
	[tilespmem:$0x8200] =	vst v63  }
.LBB2_2:
0x65: {  	_ =	swait.ge [sflag:s26], $0x4000  }
0x66: {  	[sflag:s26] =	ssyncset.done $0x0  }
0x67: {  	s0 =	sadd.s32 s31, s8;
	[sflag:s26] =	ssyncadd.s32 $0xFFFFC000  }
0x68: {  	[hbm4b:s0+s2] =	stream.linear.scatter [tilespmem:s10], [sflag:$0x3], $0x4000, $0x38;
	[tilespmem:$0x8200] =	vst v63  }
0x69: {  	_ =	swait.ge [sflag:s9], $0x4000  }
0x6a: {  	[sflag:s9] =	ssyncset.done $0x0  }
0x6b: {  	[sflag:s9] =	ssyncadd.s32 $0xFFFFC000  }
0x6c: {  	v3 =	vld [tilespmem:s30+$0xFFFFFF90];
	_ =	sdelay $0x4  }
0x6d: {  	v4 =	vshll.u32 v3, $0x1  }
0x6e: {  	v3 =	vand.u32 $0x7, v3;
	v4 =	vand.u32 $0xFFFFFFF0, v4  }
0x6f: {  	v3 =	vor.u32 v3, v4  }
0x70: {  	v4 =	vperm.xlane v3, v0;
	_ =	sdelay $0x1  }
0x71: {  	v3 =	vperm.xlane v3, v2;
	v4 =	vadd.s32 v1, v4;
	_ =	sdelay $0x1  }
0x72: {  	v3 =	vadd.s32 v1, v3;
	_ =	sdelay $0x2  }
0x73: {  	[tilespmem:s10], [sflag:$0x1] =	stream.indirect_vreg.gather [hbm4b:s3+s2], $0x80, v4, vm0, $0xb8;
	[tilespmem:$0x8200] =	vst v63  }
0x74: {  	_ = 	snop  }
0x75: {  	[tilespmem:s11], [sflag:$0x1] =	stream.indirect_vreg.gather [hbm4b:s3+s2], $0x80, v3, vm0, $0xb8;
	[tilespmem:$0x8200] =	vst v63  }
0x76: {  	v3 =	vld [tilespmem:s30+$0xFFFFFFA0];
	_ =	sdelay $0x4  }
0x77: {  	v57 =	vshll.u32 v3, $0x1  }
0x78: {  	v3 =	vand.u32 $0x7, v3;
	v4 =	vand.u32 $0xFFFFFFF0, v57  }
0x79: {  	v3 =	vor.u32 v3, v4  }
0x7a: {  	v4 =	vperm.xlane v3, v0;
	_ =	sdelay $0x1  }
0x7b: {  	v3 =	vperm.xlane v3, v2;
	v4 =	vadd.s32 v1, v4;
	_ =	sdelay $0x1  }
0x7c: {  	v3 =	vadd.s32 v1, v3;
	_ =	sdelay $0x2  }
0x7d: {  	[tilespmem:s12], [sflag:$0x1] =	stream.indirect_vreg.gather [hbm4b:s3+s2], $0x80, v4, vm0, $0xb8;
	[tilespmem:$0x8200] =	vst v63  }
0x7e: {  	_ = 	snop  }
0x7f: {  	[tilespmem:s13], [sflag:$0x1] =	stream.indirect_vreg.gather [hbm4b:s3+s2], $0x80, v3, vm0, $0xb8;
	[tilespmem:$0x8200] =	vst v63  }
0x80: {  	v3 =	vld [tilespmem:s30+$0xFFFFFFB0];
	_ =	sdelay $0x4  }
0x81: {  	v58 =	vshll.u32 v3, $0x1  }
0x82: {  	v3 =	vand.u32 $0x7, v3;
	v4 =	vand.u32 $0xFFFFFFF0, v58  }
0x83: {  	v3 =	vor.u32 v3, v4  }
0x84: {  	v4 =	vperm.xlane v3, v0;
	_ =	sdelay $0x1  }
0x85: {  	v3 =	vperm.xlane v3, v2;
	v4 =	vadd.s32 v1, v4;
	_ =	sdelay $0x1  }
0x86: {  	v3 =	vadd.s32 v1, v3;
	_ =	sdelay $0x2  }
0x87: {  	[tilespmem:s14], [sflag:$0x1] =	stream.indirect_vreg.gather [hbm4b:s3+s2], $0x80, v4, vm0, $0xb8;
	[tilespmem:$0x8200] =	vst v63  }
0x88: {  	_ = 	snop  }
0x89: {  	[tilespmem:s15], [sflag:$0x1] =	stream.indirect_vreg.gather [hbm4b:s3+s2], $0x80, v3, vm0, $0xb8;
	[tilespmem:$0x8200] =	vst v63  }
0x8a: {  	v3 =	vld [tilespmem:s30+$0xFFFFFFC0];
	_ =	sdelay $0x4  }
0x8b: {  	v59 =	vshll.u32 v3, $0x1  }
0x8c: {  	v3 =	vand.u32 $0x7, v3;
	v4 =	vand.u32 $0xFFFFFFF0, v59  }
0x8d: {  	v3 =	vor.u32 v3, v4  }
0x8e: {  	v4 =	vperm.xlane v3, v0;
	_ =	sdelay $0x1  }
0x8f: {  	v3 =	vperm.xlane v3, v2;
	v4 =	vadd.s32 v1, v4;
	_ =	sdelay $0x1  }
0x90: {  	v3 =	vadd.s32 v1, v3;
	_ =	sdelay $0x2  }
0x91: {  	[tilespmem:s16], [sflag:$0x1] =	stream.indirect_vreg.gather [hbm4b:s3+s2], $0x80, v4, vm0, $0xb8;
	[tilespmem:$0x8200] =	vst v63  }
0x92: {  	_ = 	snop  }
0x93: {  	[tilespmem:s17], [sflag:$0x1] =	stream.indirect_vreg.gather [hbm4b:s3+s2], $0x80, v3, vm0, $0xb8;
	[tilespmem:$0x8200] =	vst v63  }
0x94: {  	_ =	swait.ge [sflag:s28], $0x4000  }
0x95: {  	[sflag:s28] =	ssyncset.done $0x0  }
0x96: {  	s0 =	sadd.s32 $0x800, s0;
	[sflag:s28] =	ssyncadd.s32 $0xFFFFC000  }
0x97: {  	[hbm4b:s0+s2] =	stream.linear.scatter [tilespmem:s18], [sflag:$0x3], $0x4000, $0x38;
	[tilespmem:$0x8200] =	vst v63  }
0x98: {  	_ =	swait.ge [sflag:s9], $0x4000  }
0x99: {  	[sflag:s9] =	ssyncset.done $0x0  }
0x9a: {  	[sflag:s9] =	ssyncadd.s32 $0xFFFFC000  }
0x9b: {  	v3 =	vld [tilespmem:s30+$0xFFFFFFD0];
	_ =	sdelay $0x4  }
0x9c: {  	v60 =	vshll.u32 v3, $0x1  }
0x9d: {  	v3 =	vand.u32 $0x7, v3;
	v4 =	vand.u32 $0xFFFFFFF0, v60  }
0x9e: {  	v3 =	vor.u32 v3, v4  }
0x9f: {  	v4 =	vperm.xlane v3, v0;
	_ =	sdelay $0x1  }
0xa0: {  	v3 =	vperm.xlane v3, v2;
	v4 =	vadd.s32 v1, v4;
	_ =	sdelay $0x1  }
0xa1: {  	v3 =	vadd.s32 v1, v3;
	_ =	sdelay $0x2  }
0xa2: {  	[tilespmem:s18], [sflag:$0x2] =	stream.indirect_vreg.gather [hbm4b:s3+s2], $0x80, v4, vm0, $0xb8;
	[tilespmem:$0x8200] =	vst v63  }
0xa3: {  	_ = 	snop  }
0xa4: {  	[tilespmem:s19], [sflag:$0x2] =	stream.indirect_vreg.gather [hbm4b:s3+s2], $0x80, v3, vm0, $0xb8;
	[tilespmem:$0x8200] =	vst v63  }
0xa5: {  	v3 =	vld [tilespmem:s30+$0xFFFFFFE0];
	_ =	sdelay $0x4  }
0xa6: {  	v61 =	vshll.u32 v3, $0x1  }
0xa7: {  	v3 =	vand.u32 $0x7, v3;
	v4 =	vand.u32 $0xFFFFFFF0, v61  }
0xa8: {  	v3 =	vor.u32 v3, v4  }
0xa9: {  	v4 =	vperm.xlane v3, v0;
	_ =	sdelay $0x1  }
0xaa: {  	v3 =	vperm.xlane v3, v2;
	v4 =	vadd.s32 v1, v4;
	_ =	sdelay $0x1  }
0xab: {  	v3 =	vadd.s32 v1, v3;
	_ =	sdelay $0x2  }
0xac: {  	[tilespmem:s20], [sflag:$0x2] =	stream.indirect_vreg.gather [hbm4b:s3+s2], $0x80, v4, vm0, $0xb8;
	[tilespmem:$0x8200] =	vst v63  }
0xad: {  	_ = 	snop  }
0xae: {  	[tilespmem:s21], [sflag:$0x2] =	stream.indirect_vreg.gather [hbm4b:s3+s2], $0x80, v3, vm0, $0xb8;
	[tilespmem:$0x8200] =	vst v63  }
0xaf: {  	v3 =	vld [tilespmem:s30+$0xFFFFFFF0];
	_ =	sdelay $0x4  }
0xb0: {  	v62 =	vshll.u32 v3, $0x1  }
0xb1: {  	v3 =	vand.u32 $0x7, v3;
	v4 =	vand.u32 $0xFFFFFFF0, v62  }
0xb2: {  	v3 =	vor.u32 v3, v4  }
0xb3: {  	v4 =	vperm.xlane v3, v0;
	_ =	sdelay $0x1  }
0xb4: {  	v3 =	vperm.xlane v3, v2;
	v4 =	vadd.s32 v1, v4;
	_ =	sdelay $0x1  }
0xb5: {  	v3 =	vadd.s32 v1, v3;
	_ =	sdelay $0x2  }
0xb6: {  	[tilespmem:s22], [sflag:$0x2] =	stream.indirect_vreg.gather [hbm4b:s3+s2], $0x80, v4, vm0, $0xb8;
	[tilespmem:$0x8200] =	vst v63  }
0xb7: {  	_ = 	snop  }
0xb8: {  	[tilespmem:s23], [sflag:$0x2] =	stream.indirect_vreg.gather [hbm4b:s3+s2], $0x80, v3, vm0, $0xb8;
	[tilespmem:$0x8200] =	vst v63  }
0xb9: {  	v3 =	vld [tilespmem:s30+$0x0];
	_ =	sdelay $0x4  }
0xba: {  	v63 =	vshll.u32 v3, $0x1  }
0xbb: {  	v3 =	vand.u32 $0x7, v3;
	v4 =	vand.u32 $0xFFFFFFF0, v63  }
0xbc: {  	v3 =	vor.u32 v3, v4  }
0xbd: {  	v4 =	vperm.xlane v3, v0;
	_ =	sdelay $0x1  }
0xbe: {  	v3 =	vperm.xlane v3, v2;
	v4 =	vadd.s32 v1, v4;
	_ =	sdelay $0x1  }
0xbf: {  	p0 =	sne.s32 s31, $0x2000;
	v3 =	vadd.s32 v1, v3  }
.Ltmp0:
0xc0: {  	_ = 	snop;
	(pc) =	sbr.rel @p0 .LBB2_2-.Ltmp0, $4  }
0xc1: {  	_ = 	snop  }
0xc2: {  	[tilespmem:s24], [sflag:$0x2] =	stream.indirect_vreg.gather [hbm4b:s3+s2], $0x80, v4, vm0, $0xb8;
	[tilespmem:$0x8200] =	vst v63  }
0xc3: {  	s31 =	sadd.s32 $0x1000, s31;
	s30 =	sadd.s32 $0x80, s30  }
0xc4: {  	[tilespmem:s25], [sflag:$0x2] =	stream.indirect_vreg.gather [hbm4b:s3+s2], $0x80, v3, vm0, $0xb8;
	[tilespmem:$0x8200] =	vst v63  }
0xc5: {  	_ =	swait.ge [sflag:s26], $0x4000  }
0xc6: {  	[sflag:s26] =	ssyncset.done $0x0  }
0xc7: {  	[sflag:s26] =	ssyncadd.s32 $0xFFFFC000  }
0xc8: {  	[hbm4b:s5+s2] =	stream.linear.scatter [tilespmem:s10], [sflag:$0x3], $0x4000, $0x38;
	[tilespmem:$0x8200] =	vst v63  }
0xc9: {  	_ =	swait.ge [sflag:s9], $0x4000  }
0xca: {  	[sflag:s9] =	ssyncset.done $0x0  }
0xcb: {  	[sflag:s9] =	ssyncadd.s32 $0xFFFFC000  }
0xcc: {  	s29 =	sadd.s32 $0x1, s29;
	_ =	swait.ge [sflag:s28], $0x4000  }
0xcd: {  	p0 =	sne.s32 s29, s7;
	[sflag:s28] =	ssyncset.done $0x0  }
.Ltmp1:
0xce: {  	[sflag:s28] =	ssyncadd.s32 $0xFFFFC000;
	(pc) =	sbr.rel @p0 .LBB2_1-.Ltmp1, $4  }
0xcf: {  	[hbm4b:s6+s2] =	stream.linear.scatter [tilespmem:s18], [sflag:$0x3], $0x4000, $0x38;
	[tilespmem:$0x8200] =	vst v63  }
0xd0: {  	_ =	swait.ge [sflag:s9], $0x4000  }
0xd1: {  	[sflag:s9] =	ssyncset.done $0x0  }
0xd2: {  	[sflag:s9] =	ssyncadd.s32 $0xFFFFC000  }
0xd3: {  	_ =	sfence.sel $0x180000  }
0xd4: {  	[bflag:$0x0] =	sbarrier.arrive $0xFFFF  }
0xd5: {  	_ =	strace $0x9000004D  }
0xd6: {  	[bflag:$0x2] =	sbarrier.arrive $0xFFFF  }
0xd7: {  	p0 =	sne.s32 s1, $0x0;
	s0 =	rddreg [dreg:$0x1]  }
0xd8: {  	s0 =	sadd.s32 @!p0 $0x100000, s0  }
0xd9: {  	[sflag:s0] =	ssyncadd.tile.s32 @!p0 $0x1;
	_ =	shalt  }
.Lfunc_end2:
_tile_overlayer_lowered:
.L_overlay_start_2:
0xda: {  	(tag) =	ssettag $0x2  }
0xdb: {  	s0 =	rddreg [dreg:$0x0];
	s2 =	stileid.u32  }
0xdc: {  	s1 =	rddreg [dreg:$0x1];
	p0 =	sne.s32 s2, $0x0  }
0xdd: {  	s3 =	rddreg [dreg:$0x2];
	[bflag:$0x3] =	sbarrier.arrive $0xFFFF;
	s2 =	simm.s32 @!p0 $0x1C03  }
0xde: {  	[timem:s3], [sflag:s2] =	dma.local @!p0 [hbm:s0], s1  }
0xdf: {  	s0 =	simm.s32 @!p0 $0x3  }
0xe0: {  	_ =	swait.ge @!p0 [sflag:s0], s1  }
0xe1: {  	s1 =	ssub.s32 @!p0 $0x0, s1;
	[sflag:s0] =	ssyncset.done @!p0 $0x0  }
0xe2: {  	[sflag:s0] =	ssyncadd.s32 @!p0 s1  }
0xe3: {  	[bflag:$0x3] =	sbarrier.arrive $0xFFFF  }
0xe4: {  	_ =	shalt  }

</sc_bundles>
